<compile_context>
chip_gen: v7x
topology: tpu7x:2x2x1
jax: 0.10.2.dev20260603
libtpu: 0.0.44.dev20260713+nightly
codegen_flags: <defaults>
</compile_context>

<pallas_src>
import functools

import jax
import jax.numpy as jnp
from jax import lax
from jax.experimental import pallas as pl
from jax.experimental.pallas import tpu as pltpu
from jax.experimental.pallas import tpu_sc as plsc

C = 15
EMBED = 1024
B = 1024
HALF = B // 2
BP = 8
ROWS = BP * C
GRID = HALF // BP
F1 = 4096


def _lrelu(x):
    return jnp.where(x >= 0, x, 0.2 * x)


def _elu(x):
    return jnp.where(x > 0, x, jnp.exp(x) - 1.0)


_EPAD = 448


def _sc_hist_body(ei_hbm, out_hbm, idx_v, cnt_v, sem):
    wid = lax.axis_index("s") * 2 + lax.axis_index("c")

    @pl.when(wid == 0)
    def _():
        pltpu.async_copy(ei_hbm, idx_v, sem).wait()
        zeros = jnp.zeros((16,), jnp.float32)
        ones = jnp.full((16,), 1.0, jnp.float32)
        accs = [zeros] * C
        for j in range(_EPAD // 16):
            chunk = idx_v[pl.ds(j * 16, 16)]
            for v in range(C):
                accs[v] = accs[v] + jnp.where(chunk == v, ones, zeros)
        for v in range(C):
            cnt_v[v] = accs[v]
        pltpu.async_copy(cnt_v, out_hbm, sem).wait()


def _sc_histogram(ei_flat_padded):
    mesh = plsc.VectorSubcoreMesh(core_axis_name="c", subcore_axis_name="s")
    kern = functools.partial(
        pl.kernel,
        mesh=mesh,
        out_type=jax.ShapeDtypeStruct((C, 16), jnp.float32),
        scratch_types=[
            pltpu.VMEM((_EPAD,), jnp.int32),
            pltpu.VMEM((C, 16), jnp.float32),
            pltpu.SemaphoreType.DMA,
        ],
    )(_sc_hist_body)
    return kern(ei_flat_padded)


def _proj_body(x_ref, w_ref, o_ref):
    w = w_ref[...]
    o_ref[:, 0, :] = jnp.dot(x_ref[:, 0, :], w,
                             preferred_element_type=jnp.float32)
    o_ref[:, 1, :] = jnp.dot(x_ref[:, 1, :], w,
                             preferred_element_type=jnp.float32)


def _fused_body(P_ref, cnt_ref,
                W1o_ref, b1_ref, AsAd1_ref, S1_ref,
                W2_ref, b2_ref, AsAd2_ref, S2_ref,
                W3_ref, b3_ref, AsAd3_ref, S3_ref, Mh_ref,
                R_ref, T_ref, G_ref,
                Wc1_ref, bc1_ref, Wc2_ref, bc2_ref,
                out_ref):
    f32 = jnp.float32
    dot = functools.partial(jnp.dot, preferred_element_type=f32)

    cnt_col = jnp.sum(cnt_ref[...], axis=1, keepdims=True)

    Tm = T_ref[...]
    Rm = R_ref[...]
    cnt_rows = dot(Tm, cnt_col)
    has_in = cnt_rows > 0.0

    def mix(h_first, h_second, AsAd, S):
        heads = AsAd.shape[1] // 2
        sa0 = dot(h_first, AsAd)
        sa1 = dot(h_second, AsAd)
        ss0 = sa0[:, :heads]
        ss1 = sa1[:, :heads]
        sd1 = sa1[:, heads:]
        e_self = _lrelu(ss1 + sd1)
        e_cross = _lrelu(ss0 + sd1)
        m = jnp.maximum(e_self, jnp.where(has_in, e_cross, -1e30))
        w_self = jnp.exp(e_self - m)
        w_cross = cnt_rows * jnp.exp(e_cross - m)
        denom = w_self + w_cross + 1e-16
        lam_s = dot(w_self / denom, S)
        return h_first + lam_s * (h_second - h_first)

    oh = dot(Tm, W1o_ref[...])
    h0 = dot(Rm, P_ref[:, 0, :]) + oh
    h1 = dot(Rm, P_ref[:, 1, :]) + oh
    b1 = b1_ref[...]
    x0 = _elu(h0 + b1)
    x1 = _elu(mix(h0, h1, AsAd1_ref[...], S1_ref[...]) + b1)

    H0 = dot(x0, W2_ref[...])
    H1 = dot(x1, W2_ref[...])
    b2 = b2_ref[...]
    x0 = _elu(H0 + b2)
    x1 = _elu(mix(H0, H1, AsAd2_ref[...], S2_ref[...]) + b2)

    H0 = dot(x0, W3_ref[...])
    H1 = dot(x1, W3_ref[...])
    g1 = mix(H0, H1, AsAd3_ref[...], S3_ref[...])
    b3 = b3_ref[...]
    x0 = _elu(dot(H0, Mh_ref[...]) + b3)
    x1 = _elu(dot(g1, Mh_ref[...]) + b3)

    Gm = G_ref[...]
    y0 = dot(Gm, x0)
    y1 = dot(Gm, x1)
    Wc1 = Wc1_ref[...]
    bc1 = bc1_ref[...]
    Wc2 = Wc2_ref[...]
    bc2 = bc2_ref[...]
    z0 = jnp.maximum(dot(y0, Wc1) + bc1, 0.0)
    z1 = jnp.maximum(dot(y1, Wc1) + bc1, 0.0)
    out_ref[:, 0, :] = jax.nn.sigmoid(dot(z0, Wc2) + bc2)
    out_ref[:, 1, :] = jax.nn.sigmoid(dot(z1, Wc2) + bc2)


def _head_mats(a_src, a_dst):
    heads, ch = a_src.shape
    eye = jnp.eye(heads, dtype=a_src.dtype)
    As = jnp.einsum('hc,hk->hck', a_src, eye).reshape(heads * ch, heads)
    Ad = jnp.einsum('hc,hk->hck', a_dst, eye).reshape(heads * ch, heads)
    S = jnp.repeat(eye, ch, axis=1)
    return jnp.concatenate([As, Ad], axis=1), S


def kernel(cnn_embeddings, edge_index, W1, a_src1, a_dst1, b1, W2, a_src2,
           a_dst2, b2, W3, a_src3, a_dst3, b3, Wc1, bc1, Wc2, bc2):
    f32 = jnp.float32
    emb = cnn_embeddings.astype(f32).reshape(2, HALF, EMBED).transpose(1, 0, 2)
    ei = edge_index.astype(jnp.int32)

    ei_flat = jnp.full((_EPAD,), C, jnp.int32).at[:2 * 210].set(
        ei.reshape(2 * 210))
    cnt_part = _sc_histogram(ei_flat)

    W1e = W1[:EMBED]
    W1o = W1[EMBED:]
    AsAd1, S1 = _head_mats(a_src1, a_dst1)
    AsAd2, S2 = _head_mats(a_src2, a_dst2)
    AsAd3, S3 = _head_mats(a_src3, a_dst3)
    Mh = jnp.tile(jnp.eye(64, dtype=f32), (4, 1)) / 4.0

    R = jnp.repeat(jnp.eye(BP, dtype=f32), C, axis=0)
    T = jnp.tile(jnp.eye(C, dtype=f32), (BP, 1))
    G = R.T / C

    PROJ_BM = 128
    P = pl.pallas_call(
        _proj_body,
        grid=(HALF // PROJ_BM,),
        in_specs=[pl.BlockSpec((PROJ_BM, 2, EMBED), lambda i: (i, 0, 0)),
                  pl.BlockSpec((EMBED, F1), lambda i: (0, 0))],
        out_specs=pl.BlockSpec((PROJ_BM, 2, F1), lambda i: (i, 0, 0)),
        out_shape=jax.ShapeDtypeStruct((HALF, 2, F1), f32),
        compiler_params=pltpu.CompilerParams(
            dimension_semantics=("arbitrary",),
        ),
    )(emb, W1e)

    full = lambda shape: pl.BlockSpec(shape, lambda i: (0,) * len(shape))
    spec_P = pl.BlockSpec((BP, 2, F1), lambda i: (i, 0, 0))
    spec_out = pl.BlockSpec((BP, 2, C), lambda i: (i, 0, 0))

    operands = (
        P, cnt_part,
        W1o, b1.reshape(1, -1), AsAd1, S1,
        W2, b2.reshape(1, -1), AsAd2, S2,
        W3, b3.reshape(1, -1), AsAd3, S3, Mh,
        R, T, G,
        Wc1, bc1.reshape(1, -1), Wc2, bc2.reshape(1, -1),
    )
    in_specs = [spec_P] + [full(op.shape) for op in operands[1:]]

    out = pl.pallas_call(
        _fused_body,
        grid=(GRID,),
        in_specs=in_specs,
        out_specs=spec_out,
        out_shape=jax.ShapeDtypeStruct((HALF, 2, C), f32),
        compiler_params=pltpu.CompilerParams(
            dimension_semantics=("arbitrary",),
            vmem_limit_bytes=63 * 1024 * 1024,
        ),
    )(*operands)
    return out.transpose(1, 0, 2).reshape(B, C)

# --- scband reference (transcript-rebuilt; emitter-appended) ---
"""Pipeline reference for scband-gatcooccurrence-model-25013889532275 (READ-ONLY COPY).

The authoritative reference and input builder live on the scoring server;
editing this copy changes nothing except your own understanding.
"""

import jax, jax.numpy as jnp
import numpy as np

C = 15
EMBED = 1024
NODE_FEAT = EMBED + C  # 1039


def setup_inputs(seed: int = 0) -> dict:
    key = jax.random.key(seed)
    ks = jax.random.split(key, 16)
    B = 1024
    cnn_embeddings = jax.random.normal(ks[0], (B, EMBED), dtype=jnp.float32)
    edge_index = jax.random.randint(ks[1], (2, 210), 0, C).astype(jnp.int64)

    def p(k, shape, scale=0.05):
        return jax.random.normal(k, shape, dtype=jnp.float32) * scale

    return {
        "cnn_embeddings": cnn_embeddings,
        "edge_index": edge_index,
        # GAT layer 1: in 1039 -> 8 heads x 512, concat
        "W1": p(ks[2], (NODE_FEAT, 8 * 512)),
        "a_src1": p(ks[3], (8, 512)),
        "a_dst1": p(ks[4], (8, 512)),
        "b1": jnp.zeros((8 * 512,), jnp.float32),
        # GAT layer 2: in 4096 -> 8 heads x 256, concat
        "W2": p(ks[5], (4096, 8 * 256)),
        "a_src2": p(ks[6], (8, 256)),
        "a_dst2": p(ks[7], (8, 256)),
        "b2": jnp.zeros((8 * 256,), jnp.float32),
        # GAT layer 3: in 2048 -> 4 heads x 64, mean (concat=False)
        "W3": p(ks[8], (2048, 4 * 64)),
        "a_src3": p(ks[9], (4, 64)),
        "a_dst3": p(ks[10], (4, 64)),
        "b3": jnp.zeros((64,), jnp.float32),
        # classifier
        "Wc1": p(ks[11], (64, 32)),
        "bc1": jnp.zeros((32,), jnp.float32),
        "Wc2": p(ks[12], (32, C)),
        "bc2": jnp.zeros((C,), jnp.float32),
    }


def _gat_layer(x, ei, W, a_src, a_dst, b, heads, out_ch, concat):
    N = x.shape[0]
    loop = jnp.arange(N, dtype=ei.dtype)
    ei_full = jnp.concatenate([ei, jnp.stack([loop, loop])], axis=1)
    h = (x @ W).reshape(N, heads, out_ch)
    alpha_s = jnp.sum(h * a_src[None], axis=-1)  # (N, heads)
    alpha_d = jnp.sum(h * a_dst[None], axis=-1)
    src, dst = ei_full[0], ei_full[1]
    e = jax.nn.leaky_relu(alpha_s[src] + alpha_d[dst], 0.2)  # (E', heads)
    e_max = jax.ops.segment_max(e, dst, num_segments=N)
    ex = jnp.exp(e - e_max[dst])
    denom = jax.ops.segment_sum(ex, dst, num_segments=N)
    alpha = ex / (denom[dst] + 1e-16)
    out = jax.ops.segment_sum(h[src] * alpha[:, :, None], dst, num_segments=N)
    if concat:
        out = out.reshape(N, heads * out_ch)
    else:
        out = out.mean(axis=1)
    return out + b


def reference(cnn_embeddings, edge_index,
              W1, a_src1, a_dst1, b1,
              W2, a_src2, a_dst2, b2,
              W3, a_src3, a_dst3, b3,
              Wc1, bc1, Wc2, bc2):
    B = cnn_embeddings.shape[0]
    # _build_inputs
    one_hot = jnp.eye(C, dtype=cnn_embeddings.dtype)
    img_exp = jnp.broadcast_to(cnn_embeddings[:, None, :], (B, C, EMBED))
    oh_exp = jnp.broadcast_to(one_hot[None], (B, C, C))
    x = jnp.concatenate([img_exp, oh_exp], axis=-1).reshape(B * C, NODE_FEAT)
    offsets = (jnp.arange(B, dtype=edge_index.dtype) * C)[:, None, None]  # (B,1,1)
    ei = (edge_index[None, :, :] + offsets).reshape(2, -1)  # faithful to torch reshape semantics
    # eval mode: dropout is identity
    x = jax.nn.elu(_gat_layer(x, ei, W1, a_src1, a_dst1, b1, 8, 512, True))
    x = jax.nn.elu(_gat_layer(x, ei, W2, a_src2, a_dst2, b2, 8, 256, True))
    x = jax.nn.elu(_gat_layer(x, ei, W3, a_src3, a_dst3, b3, 4, 64, False))
    x = x.reshape(B, C, 64).mean(axis=1)
    h = jax.nn.relu(x @ Wc1 + bc1)
    probs = jax.nn.sigmoid(h @ Wc2 + bc2)
    return probs

if __name__ == "__main__":
    import jax
    _d = setup_inputs()
    print(jax.jit(kernel)(*tuple(_d.values())))

</pallas_src>

<mosaic_0001>
#map = affine_map<(d0, d1) -> (0)>
#map1 = affine_map<(d0, d1) -> (0, 0)>
module attributes {stable_mosaic.version = 14 : i64} {
  func.func @_sc_hist_body(%arg0: i32, %arg1: i32, %arg2: memref<448xi32, #tpu.memory_space<hbm>>, %arg3: memref<15x16xf32, #tpu.memory_space<hbm>>, %arg4: memref<448xi32, #tpu.memory_space<vmem>>, %arg5: memref<15x16xf32, #tpu.memory_space<vmem>>, %arg6: memref<!tpu.dma_semaphore, #tpu.memory_space<semaphore_mem>>) attributes {dimension_semantics = [#tpu.dimension_semantics<core_parallel>, #tpu.dimension_semantics<subcore_parallel>], iteration_bounds = array<i64: 2, 16>, scalar_prefetch = 0 : i64, scratch_operands = 3 : i64, tpu.core_type = #tpu.core_type<sc_vector_subcore>, window_params = [{transform_indices = #map}, {transform_indices = #map1}]} {
    %mul3A = arith.constant 2 : i32
    %mul3A_0 = arith.muli %arg1, %mul3A : i32
    %add3A = arith.addi %mul3A_0, %arg0 : i32
    %eq3A = arith.constant 0 : i32
    %eq3A_1 = arith.cmpi eq, %add3A, %eq3A : i32
    %convert_element_type3A = arith.extui %eq3A_1 : i1 to i32
    %cond3A = arith.constant 0 : i32
    %cond3A_2 = arith.cmpi ne, %convert_element_type3A, %cond3A : i32
    scf.if %cond3A_2 {
      tpu.enqueue_dma source(%arg2 : memref<448xi32, #tpu.memory_space<hbm>>) target(%arg4 : memref<448xi32, #tpu.memory_space<vmem>>) target_semaphore(%arg6 : memref<!tpu.dma_semaphore, #tpu.memory_space<semaphore_mem>>)
      tpu.wait_dma2 semaphore(%arg6 : memref<!tpu.dma_semaphore, #tpu.memory_space<semaphore_mem>>) src(%arg2 : memref<448xi32, #tpu.memory_space<hbm>>) dst(%arg4 : memref<448xi32, #tpu.memory_space<vmem>>)
      %broadcast_in_dim3A = arith.constant 0.000000e+00 : f32
      %broadcast_in_dim3A_3 = vector.broadcast %broadcast_in_dim3A : f32 to vector<16xf32>
      %broadcast_in_dim3A_4 = arith.constant 1.000000e+00 : f32
      %broadcast_in_dim3A_5 = vector.broadcast %broadcast_in_dim3A_4 : f32 to vector<16xf32>
      %get3A = arith.constant 0 : index
      %get3A_6 = tpu.vector_load %arg4[%get3A] {strides = array<i32>} : memref<448xi32, #tpu.memory_space<vmem>>, vector<16xi32>,
      %get3A_7 = vector.shape_cast %get3A_6 : vector<16xi32> to vector<16xi32>
      %eq3A_8 = arith.constant 0 : i32
      %eq3A_9 = vector.broadcast %eq3A_8 : i32 to vector<16xi32>
      %eq3A_10 = arith.cmpi eq, %get3A_7, %eq3A_9 : vector<16xi32>
      %select_n3A = arith.select %eq3A_10, %broadcast_in_dim3A_5, %broadcast_in_dim3A_3 : vector<16xi1>, vector<16xf32>
      %add3A_11 = arith.addf %broadcast_in_dim3A_3, %select_n3A : vector<16xf32>
      %eq3A_12 = arith.constant 1 : i32
      %eq3A_13 = vector.broadcast %eq3A_12 : i32 to vector<16xi32>
      %eq3A_14 = arith.cmpi eq, %get3A_7, %eq3A_13 : vector<16xi32>
      %select_n3A_15 = arith.select %eq3A_14, %broadcast_in_dim3A_5, %broadcast_in_dim3A_3 : vector<16xi1>, vector<16xf32>
      %add3A_16 = arith.addf %broadcast_in_dim3A_3, %select_n3A_15 : vector<16xf32>
      %eq3A_17 = arith.constant 2 : i32
      %eq3A_18 = vector.broadcast %eq3A_17 : i32 to vector<16xi32>
      %eq3A_19 = arith.cmpi eq, %get3A_7, %eq3A_18 : vector<16xi32>
      %select_n3A_20 = arith.select %eq3A_19, %broadcast_in_dim3A_5, %broadcast_in_dim3A_3 : vector<16xi1>, vector<16xf32>
      %add3A_21 = arith.addf %broadcast_in_dim3A_3, %select_n3A_20 : vector<16xf32>
      %eq3A_22 = arith.constant 3 : i32
      %eq3A_23 = vector.broadcast %eq3A_22 : i32 to vector<16xi32>
      %eq3A_24 = arith.cmpi eq, %get3A_7, %eq3A_23 : vector<16xi32>
      %select_n3A_25 = arith.select %eq3A_24, %broadcast_in_dim3A_5, %broadcast_in_dim3A_3 : vector<16xi1>, vector<16xf32>
      %add3A_26 = arith.addf %broadcast_in_dim3A_3, %select_n3A_25 : vector<16xf32>
      %eq3A_27 = arith.constant 4 : i32
      %eq3A_28 = vector.broadcast %eq3A_27 : i32 to vector<16xi32>
      %eq3A_29 = arith.cmpi eq, %get3A_7, %eq3A_28 : vector<16xi32>
      %select_n3A_30 = arith.select %eq3A_29, %broadcast_in_dim3A_5, %broadcast_in_dim3A_3 : vector<16xi1>, vector<16xf32>
      %add3A_31 = arith.addf %broadcast_in_dim3A_3, %select_n3A_30 : vector<16xf32>
      %eq3A_32 = arith.constant 5 : i32
      %eq3A_33 = vector.broadcast %eq3A_32 : i32 to vector<16xi32>
      %eq3A_34 = arith.cmpi eq, %get3A_7, %eq3A_33 : vector<16xi32>
      %select_n3A_35 = arith.select %eq3A_34, %broadcast_in_dim3A_5, %broadcast_in_dim3A_3 : vector<16xi1>, vector<16xf32>
      %add3A_36 = arith.addf %broadcast_in_dim3A_3, %select_n3A_35 : vector<16xf32>
      %eq3A_37 = arith.constant 6 : i32
      %eq3A_38 = vector.broadcast %eq3A_37 : i32 to vector<16xi32>
      %eq3A_39 = arith.cmpi eq, %get3A_7, %eq3A_38 : vector<16xi32>
      %select_n3A_40 = arith.select %eq3A_39, %broadcast_in_dim3A_5, %broadcast_in_dim3A_3 : vector<16xi1>, vector<16xf32>
      %add3A_41 = arith.addf %broadcast_in_dim3A_3, %select_n3A_40 : vector<16xf32>
      %eq3A_42 = arith.constant 7 : i32
      %eq3A_43 = vector.broadcast %eq3A_42 : i32 to vector<16xi32>
      %eq3A_44 = arith.cmpi eq, %get3A_7, %eq3A_43 : vector<16xi32>
      %select_n3A_45 = arith.select %eq3A_44, %broadcast_in_dim3A_5, %broadcast_in_dim3A_3 : vector<16xi1>, vector<16xf32>
      %add3A_46 = arith.addf %broadcast_in_dim3A_3, %select_n3A_45 : vector<16xf32>
      %eq3A_47 = arith.constant 8 : i32
      %eq3A_48 = vector.broadcast %eq3A_47 : i32 to vector<16xi32>
      %eq3A_49 = arith.cmpi eq, %get3A_7, %eq3A_48 : vector<16xi32>
      %select_n3A_50 = arith.select %eq3A_49, %broadcast_in_dim3A_5, %broadcast_in_dim3A_3 : vector<16xi1>, vector<16xf32>
      %add3A_51 = arith.addf %broadcast_in_dim3A_3, %select_n3A_50 : vector<16xf32>
      %eq3A_52 = arith.constant 9 : i32
      %eq3A_53 = vector.broadcast %eq3A_52 : i32 to vector<16xi32>
      %eq3A_54 = arith.cmpi eq, %get3A_7, %eq3A_53 : vector<16xi32>
      %select_n3A_55 = arith.select %eq3A_54, %broadcast_in_dim3A_5, %broadcast_in_dim3A_3 : vector<16xi1>, vector<16xf32>
      %add3A_56 = arith.addf %broadcast_in_dim3A_3, %select_n3A_55 : vector<16xf32>
      %eq3A_57 = arith.constant 10 : i32
      %eq3A_58 = vector.broadcast %eq3A_57 : i32 to vector<16xi32>
      %eq3A_59 = arith.cmpi eq, %get3A_7, %eq3A_58 : vector<16xi32>
      %select_n3A_60 = arith.select %eq3A_59, %broadcast_in_dim3A_5, %broadcast_in_dim3A_3 : vector<16xi1>, vector<16xf32>
      %add3A_61 = arith.addf %broadcast_in_dim3A_3, %select_n3A_60 : vector<16xf32>
      %eq3A_62 = arith.constant 11 : i32
      %eq3A_63 = vector.broadcast %eq3A_62 : i32 to vector<16xi32>
      %eq3A_64 = arith.cmpi eq, %get3A_7, %eq3A_63 : vector<16xi32>
      %select_n3A_65 = arith.select %eq3A_64, %broadcast_in_dim3A_5, %broadcast_in_dim3A_3 : vector<16xi1>, vector<16xf32>
      %add3A_66 = arith.addf %broadcast_in_dim3A_3, %select_n3A_65 : vector<16xf32>
      %eq3A_67 = arith.constant 12 : i32
      %eq3A_68 = vector.broadcast %eq3A_67 : i32 to vector<16xi32>
      %eq3A_69 = arith.cmpi eq, %get3A_7, %eq3A_68 : vector<16xi32>
      %select_n3A_70 = arith.select %eq3A_69, %broadcast_in_dim3A_5, %broadcast_in_dim3A_3 : vector<16xi1>, vector<16xf32>
      %add3A_71 = arith.addf %broadcast_in_dim3A_3, %select_n3A_70 : vector<16xf32>
      %eq3A_72 = arith.constant 13 : i32
      %eq3A_73 = vector.broadcast %eq3A_72 : i32 to vector<16xi32>
      %eq3A_74 = arith.cmpi eq, %get3A_7, %eq3A_73 : vector<16xi32>
      %select_n3A_75 = arith.select %eq3A_74, %broadcast_in_dim3A_5, %broadcast_in_dim3A_3 : vector<16xi1>, vector<16xf32>
      %add3A_76 = arith.addf %broadcast_in_dim3A_3, %select_n3A_75 : vector<16xf32>
      %eq3A_77 = arith.constant 14 : i32
      %eq3A_78 = vector.broadcast %eq3A_77 : i32 to vector<16xi32>
      %eq3A_79 = arith.cmpi eq, %get3A_7, %eq3A_78 : vector<16xi32>
      %select_n3A_80 = arith.select %eq3A_79, %broadcast_in_dim3A_5, %broadcast_in_dim3A_3 : vector<16xi1>, vector<16xf32>
      %add3A_81 = arith.addf %broadcast_in_dim3A_3, %select_n3A_80 : vector<16xf32>
      %get3A_82 = arith.constant 16 : index
      %get3A_83 = tpu.vector_load %arg4[%get3A_82] {strides = array<i32>} : memref<448xi32, #tpu.memory_space<vmem>>, vector<16xi32>,
      %get3A_84 = vector.shape_cast %get3A_83 : vector<16xi32> to vector<16xi32>
      %eq3A_85 = arith.constant 0 : i32
      %eq3A_86 = vector.broadcast %eq3A_85 : i32 to vector<16xi32>
      %eq3A_87 = arith.cmpi eq, %get3A_84, %eq3A_86 : vector<16xi32>
      %select_n3A_88 = arith.select %eq3A_87, %broadcast_in_dim3A_5, %broadcast_in_dim3A_3 : vector<16xi1>, vector<16xf32>
      %add3A_89 = arith.addf %add3A_11, %select_n3A_88 : vector<16xf32>
      %eq3A_90 = arith.constant 1 : i32
      %eq3A_91 = vector.broadcast %eq3A_90 : i32 to vector<16xi32>
      %eq3A_92 = arith.cmpi eq, %get3A_84, %eq3A_91 : vector<16xi32>
      %select_n3A_93 = arith.select %eq3A_92, %broadcast_in_dim3A_5, %broadcast_in_dim3A_3 : vector<16xi1>, vector<16xf32>
      %add3A_94 = arith.addf %add3A_16, %select_n3A_93 : vector<16xf32>
      %eq3A_95 = arith.constant 2 : i32
      %eq3A_96 = vector.broadcast %eq3A_95 : i32 to vector<16xi32>
      %eq3A_97 = arith.cmpi eq, %get3A_84, %eq3A_96 : vector<16xi32>
      %select_n3A_98 = arith.select %eq3A_97, %broadcast_in_dim3A_5, %broadcast_in_dim3A_3 : vector<16xi1>, vector<16xf32>
      %add3A_99 = arith.addf %add3A_21, %select_n3A_98 : vector<16xf32>
      %eq3A_100 = arith.constant 3 : i32
      %eq3A_101 = vector.broadcast %eq3A_100 : i32 to vector<16xi32>
      %eq3A_102 = arith.cmpi eq, %get3A_84, %eq3A_101 : vector<16xi32>
      %select_n3A_103 = arith.select %eq3A_102, %broadcast_in_dim3A_5, %broadcast_in_dim3A_3 : vector<16xi1>, vector<16xf32>
      %add3A_104 = arith.addf %add3A_26, %select_n3A_103 : vector<16xf32>
      %eq3A_105 = arith.constant 4 : i32
      %eq3A_106 = vector.broadcast %eq3A_105 : i32 to vector<16xi32>
      %eq3A_107 = arith.cmpi eq, %get3A_84, %eq3A_106 : vector<16xi32>
      %select_n3A_108 = arith.select %eq3A_107, %broadcast_in_dim3A_5, %broadcast_in_dim3A_3 : vector<16xi1>, vector<16xf32>
      %add3A_109 = arith.addf %add3A_31, %select_n3A_108 : vector<16xf32>
      %eq3A_110 = arith.constant 5 : i32
      %eq3A_111 = vector.broadcast %eq3A_110 : i32 to vector<16xi32>
      %eq3A_112 = arith.cmpi eq, %get3A_84, %eq3A_111 : vector<16xi32>
      %select_n3A_113 = arith.select %eq3A_112, %broadcast_in_dim3A_5, %broadcast_in_dim3A_3 : vector<16xi1>, vector<16xf32>
      %add3A_114 = arith.addf %add3A_36, %select_n3A_113 : vector<16xf32>
      %eq3A_115 = arith.constant 6 : i32
      %eq3A_116 = vector.broadcast %eq3A_115 : i32 to vector<16xi32>
      %eq3A_117 = arith.cmpi eq, %get3A_84, %eq3A_116 : vector<16xi32>
      %select_n3A_118 = arith.select %eq3A_117, %broadcast_in_dim3A_5, %broadcast_in_dim3A_3 : vector<16xi1>, vector<16xf32>
      %add3A_119 = arith.addf %add3A_41, %select_n3A_118 : vector<16xf32>
      %eq3A_120 = arith.constant 7 : i32
      %eq3A_121 = vector.broadcast %eq3A_120 : i32 to vector<16xi32>
      %eq3A_122 = arith.cmpi eq, %get3A_84, %eq3A_121 : vector<16xi32>
      %select_n3A_123 = arith.select %eq3A_122, %broadcast_in_dim3A_5, %broadcast_in_dim3A_3 : vector<16xi1>, vector<16xf32>
      %add3A_124 = arith.addf %add3A_46, %select_n3A_123 : vector<16xf32>
      %eq3A_125 = arith.constant 8 : i32
      %eq3A_126 = vector.broadcast %eq3A_125 : i32 to vector<16xi32>
      %eq3A_127 = arith.cmpi eq, %get3A_84, %eq3A_126 : vector<16xi32>
      %select_n3A_128 = arith.select %eq3A_127, %broadcast_in_dim3A_5, %broadcast_in_dim3A_3 : vector<16xi1>, vector<16xf32>
      %add3A_129 = arith.addf %add3A_51, %select_n3A_128 : vector<16xf32>
      %eq3A_130 = arith.constant 9 : i32
      %eq3A_131 = vector.broadcast %eq3A_130 : i32 to vector<16xi32>
      %eq3A_132 = arith.cmpi eq, %get3A_84, %eq3A_131 : vector<16xi32>
      %select_n3A_133 = arith.select %eq3A_132, %broadcast_in_dim3A_5, %broadcast_in_dim3A_3 : vector<16xi1>, vector<16xf32>
      %add3A_134 = arith.addf %add3A_56, %select_n3A_133 : vector<16xf32>
      %eq3A_135 = arith.constant 10 : i32
      %eq3A_136 = vector.broadcast %eq3A_135 : i32 to vector<16xi32>
      %eq3A_137 = arith.cmpi eq, %get3A_84, %eq3A_136 : vector<16xi32>
      %select_n3A_138 = arith.select %eq3A_137, %broadcast_in_dim3A_5, %broadcast_in_dim3A_3 : vector<16xi1>, vector<16xf32>
      %add3A_139 = arith.addf %add3A_61, %select_n3A_138 : vector<16xf32>
      %eq3A_140 = arith.constant 11 : i32
      %eq3A_141 = vector.broadcast %eq3A_140 : i32 to vector<16xi32>
      %eq3A_142 = arith.cmpi eq, %get3A_84, %eq3A_141 : vector<16xi32>
      %select_n3A_143 = arith.select %eq3A_142, %broadcast_in_dim3A_5, %broadcast_in_dim3A_3 : vector<16xi1>, vector<16xf32>
      %add3A_144 = arith.addf %add3A_66, %select_n3A_143 : vector<16xf32>
      %eq3A_145 = arith.constant 12 : i32
      %eq3A_146 = vector.broadcast %eq3A_145 : i32 to vector<16xi32>
      %eq3A_147 = arith.cmpi eq, %get3A_84, %eq3A_146 : vector<16xi32>
      %select_n3A_148 = arith.select %eq3A_147, %broadcast_in_dim3A_5, %broadcast_in_dim3A_3 : vector<16xi1>, vector<16xf32>
      %add3A_149 = arith.addf %add3A_71, %select_n3A_148 : vector<16xf32>
      %eq3A_150 = arith.constant 13 : i32
      %eq3A_151 = vector.broadcast %eq3A_150 : i32 to vector<16xi32>
      %eq3A_152 = arith.cmpi eq, %get3A_84, %eq3A_151 : vector<16xi32>
      %select_n3A_153 = arith.select %eq3A_152, %broadcast_in_dim3A_5, %broadcast_in_dim3A_3 : vector<16xi1>, vector<16xf32>
      %add3A_154 = arith.addf %add3A_76, %select_n3A_153 : vector<16xf32>
      %eq3A_155 = arith.constant 14 : i32
      %eq3A_156 = vector.broadcast %eq3A_155 : i32 to vector<16xi32>
      %eq3A_157 = arith.cmpi eq, %get3A_84, %eq3A_156 : vector<16xi32>
      %select_n3A_158 = arith.select %eq3A_157, %broadcast_in_dim3A_5, %broadcast_in_dim3A_3 : vector<16xi1>, vector<16xf32>
      %add3A_159 = arith.addf %add3A_81, %select_n3A_158 : vector<16xf32>
      %get3A_160 = arith.constant 32 : index
      %get3A_161 = tpu.vector_load %arg4[%get3A_160] {strides = array<i32>} : memref<448xi32, #tpu.memory_space<vmem>>, vector<16xi32>,
      %get3A_162 = vector.shape_cast %get3A_161 : vector<16xi32> to vector<16xi32>
      %eq3A_163 = arith.constant 0 : i32
      %eq3A_164 = vector.broadcast %eq3A_163 : i32 to vector<16xi32>
      %eq3A_165 = arith.cmpi eq, %get3A_162, %eq3A_164 : vector<16xi32>
      %select_n3A_166 = arith.select %eq3A_165, %broadcast_in_dim3A_5, %broadcast_in_dim3A_3 : vector<16xi1>, vector<16xf32>
      %add3A_167 = arith.addf %add3A_89, %select_n3A_166 : vector<16xf32>
      %eq3A_168 = arith.constant 1 : i32
      %eq3A_169 = vector.broadcast %eq3A_168 : i32 to vector<16xi32>
      %eq3A_170 = arith.cmpi eq, %get3A_162, %eq3A_169 : vector<16xi32>
      %select_n3A_171 = arith.select %eq3A_170, %broadcast_in_dim3A_5, %broadcast_in_dim3A_3 : vector<16xi1>, vector<16xf32>
      %add3A_172 = arith.addf %add3A_94, %select_n3A_171 : vector<16xf32>
      %eq3A_173 = arith.constant 2 : i32
      %eq3A_174 = vector.broadcast %eq3A_173 : i32 to vector<16xi32>
      %eq3A_175 = arith.cmpi eq, %get3A_162, %eq3A_174 : vector<16xi32>
      %select_n3A_176 = arith.select %eq3A_175, %broadcast_in_dim3A_5, %broadcast_in_dim3A_3 : vector<16xi1>, vector<16xf32>
      %add3A_177 = arith.addf %add3A_99, %select_n3A_176 : vector<16xf32>
      %eq3A_178 = arith.constant 3 : i32
      %eq3A_179 = vector.broadcast %eq3A_178 : i32 to vector<16xi32>
      %eq3A_180 = arith.cmpi eq, %get3A_162, %eq3A_179 : vector<16xi32>
      %select_n3A_181 = arith.select %eq3A_180, %broadcast_in_dim3A_5, %broadcast_in_dim3A_3 : vector<16xi1>, vector<16xf32>
      %add3A_182 = arith.addf %add3A_104, %select_n3A_181 : vector<16xf32>
      %eq3A_183 = arith.constant 4 : i32
      %eq3A_184 = vector.broadcast %eq3A_183 : i32 to vector<16xi32>
      %eq3A_185 = arith.cmpi eq, %get3A_162, %eq3A_184 : vector<16xi32>
      %select_n3A_186 = arith.select %eq3A_185, %broadcast_in_dim3A_5, %broadcast_in_dim3A_3 : vector<16xi1>, vector<16xf32>
      %add3A_187 = arith.addf %add3A_109, %select_n3A_186 : vector<16xf32>
      %eq3A_188 = arith.constant 5 : i32
      %eq3A_189 = vector.broadcast %eq3A_188 : i32 to vector<16xi32>
      %eq3A_190 = arith.cmpi eq, %get3A_162, %eq3A_189 : vector<16xi32>
      %select_n3A_191 = arith.select %eq3A_190, %broadcast_in_dim3A_5, %broadcast_in_dim3A_3 : vector<16xi1>, vector<16xf32>
      %add3A_192 = arith.addf %add3A_114, %select_n3A_191 : vector<16xf32>
      %eq3A_193 = arith.constant 6 : i32
      %eq3A_194 = vector.broadcast %eq3A_193 : i32 to vector<16xi32>
      %eq3A_195 = arith.cmpi eq, %get3A_162, %eq3A_194 : vector<16xi32>
      %select_n3A_196 = arith.select %eq3A_195, %broadcast_in_dim3A_5, %broadcast_in_dim3A_3 : vector<16xi1>, vector<16xf32>
      %add3A_197 = arith.addf %add3A_119, %select_n3A_196 : vector<16xf32>
      %eq3A_198 = arith.constant 7 : i32
      %eq3A_199 = vector.broadcast %eq3A_198 : i32 to vector<16xi32>
      %eq3A_200 = arith.cmpi eq, %get3A_162, %eq3A_199 : vector<16xi32>
      %select_n3A_201 = arith.select %eq3A_200, %broadcast_in_dim3A_5, %broadcast_in_dim3A_3 : vector<16xi1>, vector<16xf32>
      %add3A_202 = arith.addf %add3A_124, %select_n3A_201 : vector<16xf32>
      %eq3A_203 = arith.constant 8 : i32
      %eq3A_204 = vector.broadcast %eq3A_203 : i32 to vector<16xi32>
      %eq3A_205 = arith.cmpi eq, %get3A_162, %eq3A_204 : vector<16xi32>
      %select_n3A_206 = arith.select %eq3A_205, %broadcast_in_dim3A_5, %broadcast_in_dim3A_3 : vector<16xi1>, vector<16xf32>
      %add3A_207 = arith.addf %add3A_129, %select_n3A_206 : vector<16xf32>
      %eq3A_208 = arith.constant 9 : i32
      %eq3A_209 = vector.broadcast %eq3A_208 : i32 to vector<16xi32>
      %eq3A_210 = arith.cmpi eq, %get3A_162, %eq3A_209 : vector<16xi32>
      %select_n3A_211 = arith.select %eq3A_210, %broadcast_in_dim3A_5, %broadcast_in_dim3A_3 : vector<16xi1>, vector<16xf32>
      %add3A_212 = arith.addf %add3A_134, %select_n3A_211 : vector<16xf32>
      %eq3A_213 = arith.constant 10 : i32
      %eq3A_214 = vector.broadcast %eq3A_213 : i32 to vector<16xi32>
      %eq3A_215 = arith.cmpi eq, %get3A_162, %eq3A_214 : vector<16xi32>
      %select_n3A_216 = arith.select %eq3A_215, %broadcast_in_dim3A_5, %broadcast_in_dim3A_3 : vector<16xi1>, vector<16xf32>
      %add3A_217 = arith.addf %add3A_139, %select_n3A_216 : vector<16xf32>
      %eq3A_218 = arith.constant 11 : i32
      %eq3A_219 = vector.broadcast %eq3A_218 : i32 to vector<16xi32>
      %eq3A_220 = arith.cmpi eq, %get3A_162, %eq3A_219 : vector<16xi32>
      %select_n3A_221 = arith.select %eq3A_220, %broadcast_in_dim3A_5, %broadcast_in_dim3A_3 : vector<16xi1>, vector<16xf32>
      %add3A_222 = arith.addf %add3A_144, %select_n3A_221 : vector<16xf32>
      %eq3A_223 = arith.constant 12 : i32
      %eq3A_224 = vector.broadcast %eq3A_223 : i32 to vector<16xi32>
      %eq3A_225 = arith.cmpi eq, %get3A_162, %eq3A_224 : vector<16xi32>
      %select_n3A_226 = arith.select %eq3A_225, %broadcast_in_dim3A_5, %broadcast_in_dim3A_3 : vector<16xi1>, vector<16xf32>
      %add3A_227 = arith.addf %add3A_149, %select_n3A_226 : vector<16xf32>
      %eq3A_228 = arith.constant 13 : i32
      %eq3A_229 = vector.broadcast %eq3A_228 : i32 to vector<16xi32>
      %eq3A_230 = arith.cmpi eq, %get3A_162, %eq3A_229 : vector<16xi32>
      %select_n3A_231 = arith.select %eq3A_230, %broadcast_in_dim3A_5, %broadcast_in_dim3A_3 : vector<16xi1>, vector<16xf32>
      %add3A_232 = arith.addf %add3A_154, %select_n3A_231 : vector<16xf32>
      %eq3A_233 = arith.constant 14 : i32
      %eq3A_234 = vector.broadcast %eq3A_233 : i32 to vector<16xi32>
      %eq3A_235 = arith.cmpi eq, %get3A_162, %eq3A_234 : vector<16xi32>
      %select_n3A_236 = arith.select %eq3A_235, %broadcast_in_dim3A_5, %broadcast_in_dim3A_3 : vector<16xi1>, vector<16xf32>
      %add3A_237 = arith.addf %add3A_159, %select_n3A_236 : vector<16xf32>
      %get3A_238 = arith.constant 48 : index
      %get3A_239 = tpu.vector_load %arg4[%get3A_238] {strides = array<i32>} : memref<448xi32, #tpu.memory_space<vmem>>, vector<16xi32>,
      %get3A_240 = vector.shape_cast %get3A_239 : vector<16xi32> to vector<16xi32>
      %eq3A_241 = arith.constant 0 : i32
      %eq3A_242 = vector.broadcast %eq3A_241 : i32 to vector<16xi32>
      %eq3A_243 = arith.cmpi eq, %get3A_240, %eq3A_242 : vector<16xi32>
      %select_n3A_244 = arith.select %eq3A_243, %broadcast_in_dim3A_5, %broadcast_in_dim3A_3 : vector<16xi1>, vector<16xf32>
      %add3A_245 = arith.addf %add3A_167, %select_n3A_244 : vector<16xf32>
      %eq3A_246 = arith.constant 1 : i32
      %eq3A_247 = vector.broadcast %eq3A_246 : i32 to vector<16xi32>
      %eq3A_248 = arith.cmpi eq, %get3A_240, %eq3A_247 : vector<16xi32>
      %select_n3A_249 = arith.select %eq3A_248, %broadcast_in_dim3A_5, %broadcast_in_dim3A_3 : vector<16xi1>, vector<16xf32>
      %add3A_250 = arith.addf %add3A_172, %select_n3A_249 : vector<16xf32>
      %eq3A_251 = arith.constant 2 : i32
      %eq3A_252 = vector.broadcast %eq3A_251 : i32 to vector<16xi32>
      %eq3A_253 = arith.cmpi eq, %get3A_240, %eq3A_252 : vector<16xi32>
      %select_n3A_254 = arith.select %eq3A_253, %broadcast_in_dim3A_5, %broadcast_in_dim3A_3 : vector<16xi1>, vector<16xf32>
      %add3A_255 = arith.addf %add3A_177, %select_n3A_254 : vector<16xf32>
      %eq3A_256 = arith.constant 3 : i32
      %eq3A_257 = vector.broadcast %eq3A_256 : i32 to vector<16xi32>
      %eq3A_258 = arith.cmpi eq, %get3A_240, %eq3A_257 : vector<16xi32>
      %select_n3A_259 = arith.select %eq3A_258, %broadcast_in_dim3A_5, %broadcast_in_dim3A_3 : vector<16xi1>, vector<16xf32>
      %add3A_260 = arith.addf %add3A_182, %select_n3A_259 : vector<16xf32>
      %eq3A_261 = arith.constant 4 : i32
      %eq3A_262 = vector.broadcast %eq3A_261 : i32 to vector<16xi32>
      %eq3A_263 = arith.cmpi eq, %get3A_240, %eq3A_262 : vector<16xi32>
      %select_n3A_264 = arith.select %eq3A_263, %broadcast_in_dim3A_5, %broadcast_in_dim3A_3 : vector<16xi1>, vector<16xf32>
      %add3A_265 = arith.addf %add3A_187, %select_n3A_264 : vector<16xf32>
      %eq3A_266 = arith.constant 5 : i32
      %eq3A_267 = vector.broadcast %eq3A_266 : i32 to vector<16xi32>
      %eq3A_268 = arith.cmpi eq, %get3A_240, %eq3A_267 : vector<16xi32>
      %select_n3A_269 = arith.select %eq3A_268, %broadcast_in_dim3A_5, %broadcast_in_dim3A_3 : vector<16xi1>, vector<16xf32>
      %add3A_270 = arith.addf %add3A_192, %select_n3A_269 : vector<16xf32>
      %eq3A_271 = arith.constant 6 : i32
      %eq3A_272 = vector.broadcast %eq3A_271 : i32 to vector<16xi32>
      %eq3A_273 = arith.cmpi eq, %get3A_240, %eq3A_272 : vector<16xi32>
      %select_n3A_274 = arith.select %eq3A_273, %broadcast_in_dim3A_5, %broadcast_in_dim3A_3 : vector<16xi1>, vector<16xf32>
      %add3A_275 = arith.addf %add3A_197, %select_n3A_274 : vector<16xf32>
      %eq3A_276 = arith.constant 7 : i32
      %eq3A_277 = vector.broadcast %eq3A_276 : i32 to vector<16xi32>
      %eq3A_278 = arith.cmpi eq, %get3A_240, %eq3A_277 : vector<16xi32>
      %select_n3A_279 = arith.select %eq3A_278, %broadcast_in_dim3A_5, %broadcast_in_dim3A_3 : vector<16xi1>, vector<16xf32>
      %add3A_280 = arith.addf %add3A_202, %select_n3A_279 : vector<16xf32>
      %eq3A_281 = arith.constant 8 : i32
      %eq3A_282 = vector.broadcast %eq3A_281 : i32 to vector<16xi32>
      %eq3A_283 = arith.cmpi eq, %get3A_240, %eq3A_282 : vector<16xi32>
      %select_n3A_284 = arith.select %eq3A_283, %broadcast_in_dim3A_5, %broadcast_in_dim3A_3 : vector<16xi1>, vector<16xf32>
      %add3A_285 = arith.addf %add3A_207, %select_n3A_284 : vector<16xf32>
      %eq3A_286 = arith.constant 9 : i32
      %eq3A_287 = vector.broadcast %eq3A_286 : i32 to vector<16xi32>
      %eq3A_288 = arith.cmpi eq, %get3A_240, %eq3A_287 : vector<16xi32>
      %select_n3A_289 = arith.select %eq3A_288, %broadcast_in_dim3A_5, %broadcast_in_dim3A_3 : vector<16xi1>, vector<16xf32>
      %add3A_290 = arith.addf %add3A_212, %select_n3A_289 : vector<16xf32>
      %eq3A_291 = arith.constant 10 : i32
      %eq3A_292 = vector.broadcast %eq3A_291 : i32 to vector<16xi32>
      %eq3A_293 = arith.cmpi eq, %get3A_240, %eq3A_292 : vector<16xi32>
      %select_n3A_294 = arith.select %eq3A_293, %broadcast_in_dim3A_5, %broadcast_in_dim3A_3 : vector<16xi1>, vector<16xf32>
      %add3A_295 = arith.addf %add3A_217, %select_n3A_294 : vector<16xf32>
      %eq3A_296 = arith.constant 11 : i32
      %eq3A_297 = vector.broadcast %eq3A_296 : i32 to vector<16xi32>
      %eq3A_298 = arith.cmpi eq, %get3A_240, %eq3A_297 : vector<16xi32>
      %select_n3A_299 = arith.select %eq3A_298, %broadcast_in_dim3A_5, %broadcast_in_dim3A_3 : vector<16xi1>, vector<16xf32>
      %add3A_300 = arith.addf %add3A_222, %select_n3A_299 : vector<16xf32>
      %eq3A_301 = arith.constant 12 : i32
      %eq3A_302 = vector.broadcast %eq3A_301 : i32 to vector<16xi32>
      %eq3A_303 = arith.cmpi eq, %get3A_240, %eq3A_302 : vector<16xi32>
      %select_n3A_304 = arith.select %eq3A_303, %broadcast_in_dim3A_5, %broadcast_in_dim3A_3 : vector<16xi1>, vector<16xf32>
      %add3A_305 = arith.addf %add3A_227, %select_n3A_304 : vector<16xf32>
      %eq3A_306 = arith.constant 13 : i32
      %eq3A_307 = vector.broadcast %eq3A_306 : i32 to vector<16xi32>
      %eq3A_308 = arith.cmpi eq, %get3A_240, %eq3A_307 : vector<16xi32>
      %select_n3A_309 = arith.select %eq3A_308, %broadcast_in_dim3A_5, %broadcast_in_dim3A_3 : vector<16xi1>, vector<16xf32>
      %add3A_310 = arith.addf %add3A_232, %select_n3A_309 : vector<16xf32>
      %eq3A_311 = arith.constant 14 : i32
      %eq3A_312 = vector.broadcast %eq3A_311 : i32 to vector<16xi32>
      %eq3A_313 = arith.cmpi eq, %get3A_240, %eq3A_312 : vector<16xi32>
      %select_n3A_314 = arith.select %eq3A_313, %broadcast_in_dim3A_5, %broadcast_in_dim3A_3 : vector<16xi1>, vector<16xf32>
      %add3A_315 = arith.addf %add3A_237, %select_n3A_314 : vector<16xf32>
      %get3A_316 = arith.constant 64 : index
      %get3A_317 = tpu.vector_load %arg4[%get3A_316] {strides = array<i32>} : memref<448xi32, #tpu.memory_space<vmem>>, vector<16xi32>,
      %get3A_318 = vector.shape_cast %get3A_317 : vector<16xi32> to vector<16xi32>
      %eq3A_319 = arith.constant 0 : i32
      %eq3A_320 = vector.broadcast %eq3A_319 : i32 to vector<16xi32>
      %eq3A_321 = arith.cmpi eq, %get3A_318, %eq3A_320 : vector<16xi32>
      %select_n3A_322 = arith.select %eq3A_321, %broadcast_in_dim3A_5, %broadcast_in_dim3A_3 : vector<16xi1>, vector<16xf32>
      %add3A_323 = arith.addf %add3A_245, %select_n3A_322 : vector<16xf32>
      %eq3A_324 = arith.constant 1 : i32
      %eq3A_325 = vector.broadcast %eq3A_324 : i32 to vector<16xi32>
      %eq3A_326 = arith.cmpi eq, %get3A_318, %eq3A_325 : vector<16xi32>
      %select_n3A_327 = arith.select %eq3A_326, %broadcast_in_dim3A_5, %broadcast_in_dim3A_3 : vector<16xi1>, vector<16xf32>
      %add3A_328 = arith.addf %add3A_250, %select_n3A_327 : vector<16xf32>
      %eq3A_329 = arith.constant 2 : i32
      %eq3A_330 = vector.broadcast %eq3A_329 : i32 to vector<16xi32>
      %eq3A_331 = arith.cmpi eq, %get3A_318, %eq3A_330 : vector<16xi32>
      %select_n3A_332 = arith.select %eq3A_331, %broadcast_in_dim3A_5, %broadcast_in_dim3A_3 : vector<16xi1>, vector<16xf32>
      %add3A_333 = arith.addf %add3A_255, %select_n3A_332 : vector<16xf32>
      %eq3A_334 = arith.constant 3 : i32
      %eq3A_335 = vector.broadcast %eq3A_334 : i32 to vector<16xi32>
      %eq3A_336 = arith.cmpi eq, %get3A_318, %eq3A_335 : vector<16xi32>
      %select_n3A_337 = arith.select %eq3A_336, %broadcast_in_dim3A_5, %broadcast_in_dim3A_3 : vector<16xi1>, vector<16xf32>
      %add3A_338 = arith.addf %add3A_260, %select_n3A_337 : vector<16xf32>
      %eq3A_339 = arith.constant 4 : i32
      %eq3A_340 = vector.broadcast %eq3A_339 : i32 to vector<16xi32>
      %eq3A_341 = arith.cmpi eq, %get3A_318, %eq3A_340 : vector<16xi32>
      %select_n3A_342 = arith.select %eq3A_341, %broadcast_in_dim3A_5, %broadcast_in_dim3A_3 : vector<16xi1>, vector<16xf32>
      %add3A_343 = arith.addf %add3A_265, %select_n3A_342 : vector<16xf32>
      %eq3A_344 = arith.constant 5 : i32
      %eq3A_345 = vector.broadcast %eq3A_344 : i32 to vector<16xi32>
      %eq3A_346 = arith.cmpi eq, %get3A_318, %eq3A_345 : vector<16xi32>
      %select_n3A_347 = arith.select %eq3A_346, %broadcast_in_dim3A_5, %broadcast_in_dim3A_3 : vector<16xi1>, vector<16xf32>
      %add3A_348 = arith.addf %add3A_270, %select_n3A_347 : vector<16xf32>
      %eq3A_349 = arith.constant 6 : i32
      %eq3A_350 = vector.broadcast %eq3A_349 : i32 to vector<16xi32>
      %eq3A_351 = arith.cmpi eq, %get3A_318, %eq3A_350 : vector<16xi32>
      %select_n3A_352 = arith.select %eq3A_351, %broadcast_in_dim3A_5, %broadcast_in_dim3A_3 : vector<16xi1>, vector<16xf32>
      %add3A_353 = arith.addf %add3A_275, %select_n3A_352 : vector<16xf32>
      %eq3A_354 = arith.constant 7 : i32
      %eq3A_355 = vector.broadcast %eq3A_354 : i32 to vector<16xi32>
      %eq3A_356 = arith.cmpi eq, %get3A_318, %eq3A_355 : vector<16xi32>
      %select_n3A_357 = arith.select %eq3A_356, %broadcast_in_dim3A_5, %broadcast_in_dim3A_3 : vector<16xi1>, vector<16xf32>
      %add3A_358 = arith.addf %add3A_280, %select_n3A_357 : vector<16xf32>
      %eq3A_359 = arith.constant 8 : i32
      %eq3A_360 = vector.broadcast %eq3A_359 : i32 to vector<16xi32>
      %eq3A_361 = arith.cmpi eq, %get3A_318, %eq3A_360 : vector<16xi32>
      %select_n3A_362 = arith.select %eq3A_361, %broadcast_in_dim3A_5, %broadcast_in_dim3A_3 : vector<16xi1>, vector<16xf32>
      %add3A_363 = arith.addf %add3A_285, %select_n3A_362 : vector<16xf32>
      %eq3A_364 = arith.constant 9 : i32
      %eq3A_365 = vector.broadcast %eq3A_364 : i32 to vector<16xi32>
      %eq3A_366 = arith.cmpi eq, %get3A_318, %eq3A_365 : vector<16xi32>
      %select_n3A_367 = arith.select %eq3A_366, %broadcast_in_dim3A_5, %broadcast_in_dim3A_3 : vector<16xi1>, vector<16xf32>
      %add3A_368 = arith.addf %add3A_290, %select_n3A_367 : vector<16xf32>
      %eq3A_369 = arith.constant 10 : i32
      %eq3A_370 = vector.broadcast %eq3A_369 : i32 to vector<16xi32>
      %eq3A_371 = arith.cmpi eq, %get3A_318, %eq3A_370 : vector<16xi32>
      %select_n3A_372 = arith.select %eq3A_371, %broadcast_in_dim3A_5, %broadcast_in_dim3A_3 : vector<16xi1>, vector<16xf32>
      %add3A_373 = arith.addf %add3A_295, %select_n3A_372 : vector<16xf32>
      %eq3A_374 = arith.constant 11 : i32
      %eq3A_375 = vector.broadcast %eq3A_374 : i32 to vector<16xi32>
      %eq3A_376 = arith.cmpi eq, %get3A_318, %eq3A_375 : vector<16xi32>
      %select_n3A_377 = arith.select %eq3A_376, %broadcast_in_dim3A_5, %broadcast_in_dim3A_3 : vector<16xi1>, vector<16xf32>
      %add3A_378 = arith.addf %add3A_300, %select_n3A_377 : vector<16xf32>
      %eq3A_379 = arith.constant 12 : i32
      %eq3A_380 = vector.broadcast %eq3A_379 : i32 to vector<16xi32>
      %eq3A_381 = arith.cmpi eq, %get3A_318, %eq3A_380 : vector<16xi32>
      %select_n3A_382 = arith.select %eq3A_381, %broadcast_in_dim3A_5, %broadcast_in_dim3A_3 : vector<16xi1>, vector<16xf32>
      %add3A_383 = arith.addf %add3A_305, %select_n3A_382 : vector<16xf32>
      %eq3A_384 = arith.constant 13 : i32
      %eq3A_385 = vector.broadcast %eq3A_384 : i32 to vector<16xi32>
      %eq3A_386 = arith.cmpi eq, %get3A_318, %eq3A_385 : vector<16xi32>
      %select_n3A_387 = arith.select %eq3A_386, %broadcast_in_dim3A_5, %broadcast_in_dim3A_3 : vector<16xi1>, vector<16xf32>
      %add3A_388 = arith.addf %add3A_310, %select_n3A_387 : vector<16xf32>
      %eq3A_389 = arith.constant 14 : i32
      %eq3A_390 = vector.broadcast %eq3A_389 : i32 to vector<16xi32>
      %eq3A_391 = arith.cmpi eq, %get3A_318, %eq3A_390 : vector<16xi32>
      %select_n3A_392 = arith.select %eq3A_391, %broadcast_in_dim3A_5, %broadcast_in_dim3A_3 : vector<16xi1>, vector<16xf32>
      %add3A_393 = arith.addf %add3A_315, %select_n3A_392 : vector<16xf32>
      %get3A_394 = arith.constant 80 : index
      %get3A_395 = tpu.vector_load %arg4[%get3A_394] {strides = array<i32>} : memref<448xi32, #tpu.memory_space<vmem>>, vector<16xi32>,
      %get3A_396 = vector.shape_cast %get3A_395 : vector<16xi32> to vector<16xi32>
      %eq3A_397 = arith.constant 0 : i32
      %eq3A_398 = vector.broadcast %eq3A_397 : i32 to vector<16xi32>
      %eq3A_399 = arith.cmpi eq, %get3A_396, %eq3A_398 : vector<16xi32>
      %select_n3A_400 = arith.select %eq3A_399, %broadcast_in_dim3A_5, %broadcast_in_dim3A_3 : vector<16xi1>, vector<16xf32>
      %add3A_401 = arith.addf %add3A_323, %select_n3A_400 : vector<16xf32>
      %eq3A_402 = arith.constant 1 : i32
      %eq3A_403 = vector.broadcast %eq3A_402 : i32 to vector<16xi32>
      %eq3A_404 = arith.cmpi eq, %get3A_396, %eq3A_403 : vector<16xi32>
      %select_n3A_405 = arith.select %eq3A_404, %broadcast_in_dim3A_5, %broadcast_in_dim3A_3 : vector<16xi1>, vector<16xf32>
      %add3A_406 = arith.addf %add3A_328, %select_n3A_405 : vector<16xf32>
      %eq3A_407 = arith.constant 2 : i32
      %eq3A_408 = vector.broadcast %eq3A_407 : i32 to vector<16xi32>
      %eq3A_409 = arith.cmpi eq, %get3A_396, %eq3A_408 : vector<16xi32>
      %select_n3A_410 = arith.select %eq3A_409, %broadcast_in_dim3A_5, %broadcast_in_dim3A_3 : vector<16xi1>, vector<16xf32>
      %add3A_411 = arith.addf %add3A_333, %select_n3A_410 : vector<16xf32>
      %eq3A_412 = arith.constant 3 : i32
      %eq3A_413 = vector.broadcast %eq3A_412 : i32 to vector<16xi32>
      %eq3A_414 = arith.cmpi eq, %get3A_396, %eq3A_413 : vector<16xi32>
      %select_n3A_415 = arith.select %eq3A_414, %broadcast_in_dim3A_5, %broadcast_in_dim3A_3 : vector<16xi1>, vector<16xf32>
      %add3A_416 = arith.addf %add3A_338, %select_n3A_415 : vector<16xf32>
      %eq3A_417 = arith.constant 4 : i32
      %eq3A_418 = vector.broadcast %eq3A_417 : i32 to vector<16xi32>
      %eq3A_419 = arith.cmpi eq, %get3A_396, %eq3A_418 : vector<16xi32>
      %select_n3A_420 = arith.select %eq3A_419, %broadcast_in_dim3A_5, %broadcast_in_dim3A_3 : vector<16xi1>, vector<16xf32>
      %add3A_421 = arith.addf %add3A_343, %select_n3A_420 : vector<16xf32>
      %eq3A_422 = arith.constant 5 : i32
      %eq3A_423 = vector.broadcast %eq3A_422 : i32 to vector<16xi32>
      %eq3A_424 = arith.cmpi eq, %get3A_396, %eq3A_423 : vector<16xi32>
      %select_n3A_425 = arith.select %eq3A_424, %broadcast_in_dim3A_5, %broadcast_in_dim3A_3 : vector<16xi1>, vector<16xf32>
      %add3A_426 = arith.addf %add3A_348, %select_n3A_425 : vector<16xf32>
      %eq3A_427 = arith.constant 6 : i32
      %eq3A_428 = vector.broadcast %eq3A_427 : i32 to vector<16xi32>
      %eq3A_429 = arith.cmpi eq, %get3A_396, %eq3A_428 : vector<16xi32>
      %select_n3A_430 = arith.select %eq3A_429, %broadcast_in_dim3A_5, %broadcast_in_dim3A_3 : vector<16xi1>, vector<16xf32>
      %add3A_431 = arith.addf %add3A_353, %select_n3A_430 : vector<16xf32>
      %eq3A_432 = arith.constant 7 : i32
      %eq3A_433 = vector.broadcast %eq3A_432 : i32 to vector<16xi32>
      %eq3A_434 = arith.cmpi eq, %get3A_396, %eq3A_433 : vector<16xi32>
      %select_n3A_435 = arith.select %eq3A_434, %broadcast_in_dim3A_5, %broadcast_in_dim3A_3 : vector<16xi1>, vector<16xf32>
      %add3A_436 = arith.addf %add3A_358, %select_n3A_435 : vector<16xf32>
      %eq3A_437 = arith.constant 8 : i32
      %eq3A_438 = vector.broadcast %eq3A_437 : i32 to vector<16xi32>
      %eq3A_439 = arith.cmpi eq, %get3A_396, %eq3A_438 : vector<16xi32>
      %select_n3A_440 = arith.select %eq3A_439, %broadcast_in_dim3A_5, %broadcast_in_dim3A_3 : vector<16xi1>, vector<16xf32>
      %add3A_441 = arith.addf %add3A_363, %select_n3A_440 : vector<16xf32>
      %eq3A_442 = arith.constant 9 : i32
      %eq3A_443 = vector.broadcast %eq3A_442 : i32 to vector<16xi32>
      %eq3A_444 = arith.cmpi eq, %get3A_396, %eq3A_443 : vector<16xi32>
      %select_n3A_445 = arith.select %eq3A_444, %broadcast_in_dim3A_5, %broadcast_in_dim3A_3 : vector<16xi1>, vector<16xf32>
      %add3A_446 = arith.addf %add3A_368, %select_n3A_445 : vector<16xf32>
      %eq3A_447 = arith.constant 10 : i32
      %eq3A_448 = vector.broadcast %eq3A_447 : i32 to vector<16xi32>
      %eq3A_449 = arith.cmpi eq, %get3A_396, %eq3A_448 : vector<16xi32>
      %select_n3A_450 = arith.select %eq3A_449, %broadcast_in_dim3A_5, %broadcast_in_dim3A_3 : vector<16xi1>, vector<16xf32>
      %add3A_451 = arith.addf %add3A_373, %select_n3A_450 : vector<16xf32>
      %eq3A_452 = arith.constant 11 : i32
      %eq3A_453 = vector.broadcast %eq3A_452 : i32 to vector<16xi32>
      %eq3A_454 = arith.cmpi eq, %get3A_396, %eq3A_453 : vector<16xi32>
      %select_n3A_455 = arith.select %eq3A_454, %broadcast_in_dim3A_5, %broadcast_in_dim3A_3 : vector<16xi1>, vector<16xf32>
      %add3A_456 = arith.addf %add3A_378, %select_n3A_455 : vector<16xf32>
      %eq3A_457 = arith.constant 12 : i32
      %eq3A_458 = vector.broadcast %eq3A_457 : i32 to vector<16xi32>
      %eq3A_459 = arith.cmpi eq, %get3A_396, %eq3A_458 : vector<16xi32>
      %select_n3A_460 = arith.select %eq3A_459, %broadcast_in_dim3A_5, %broadcast_in_dim3A_3 : vector<16xi1>, vector<16xf32>
      %add3A_461 = arith.addf %add3A_383, %select_n3A_460 : vector<16xf32>
      %eq3A_462 = arith.constant 13 : i32
      %eq3A_463 = vector.broadcast %eq3A_462 : i32 to vector<16xi32>
      %eq3A_464 = arith.cmpi eq, %get3A_396, %eq3A_463 : vector<16xi32>
      %select_n3A_465 = arith.select %eq3A_464, %broadcast_in_dim3A_5, %broadcast_in_dim3A_3 : vector<16xi1>, vector<16xf32>
      %add3A_466 = arith.addf %add3A_388, %select_n3A_465 : vector<16xf32>
      %eq3A_467 = arith.constant 14 : i32
      %eq3A_468 = vector.broadcast %eq3A_467 : i32 to vector<16xi32>
      %eq3A_469 = arith.cmpi eq, %get3A_396, %eq3A_468 : vector<16xi32>
      %select_n3A_470 = arith.select %eq3A_469, %broadcast_in_dim3A_5, %broadcast_in_dim3A_3 : vector<16xi1>, vector<16xf32>
      %add3A_471 = arith.addf %add3A_393, %select_n3A_470 : vector<16xf32>
      %get3A_472 = arith.constant 96 : index
      %get3A_473 = tpu.vector_load %arg4[%get3A_472] {strides = array<i32>} : memref<448xi32, #tpu.memory_space<vmem>>, vector<16xi32>,
      %get3A_474 = vector.shape_cast %get3A_473 : vector<16xi32> to vector<16xi32>
      %eq3A_475 = arith.constant 0 : i32
      %eq3A_476 = vector.broadcast %eq3A_475 : i32 to vector<16xi32>
      %eq3A_477 = arith.cmpi eq, %get3A_474, %eq3A_476 : vector<16xi32>
      %select_n3A_478 = arith.select %eq3A_477, %broadcast_in_dim3A_5, %broadcast_in_dim3A_3 : vector<16xi1>, vector<16xf32>
      %add3A_479 = arith.addf %add3A_401, %select_n3A_478 : vector<16xf32>
      %eq3A_480 = arith.constant 1 : i32
      %eq3A_481 = vector.broadcast %eq3A_480 : i32 to vector<16xi32>
      %eq3A_482 = arith.cmpi eq, %get3A_474, %eq3A_481 : vector<16xi32>
      %select_n3A_483 = arith.select %eq3A_482, %broadcast_in_dim3A_5, %broadcast_in_dim3A_3 : vector<16xi1>, vector<16xf32>
      %add3A_484 = arith.addf %add3A_406, %select_n3A_483 : vector<16xf32>
      %eq3A_485 = arith.constant 2 : i32
      %eq3A_486 = vector.broadcast %eq3A_485 : i32 to vector<16xi32>
      %eq3A_487 = arith.cmpi eq, %get3A_474, %eq3A_486 : vector<16xi32>
      %select_n3A_488 = arith.select %eq3A_487, %broadcast_in_dim3A_5, %broadcast_in_dim3A_3 : vector<16xi1>, vector<16xf32>
      %add3A_489 = arith.addf %add3A_411, %select_n3A_488 : vector<16xf32>
      %eq3A_490 = arith.constant 3 : i32
      %eq3A_491 = vector.broadcast %eq3A_490 : i32 to vector<16xi32>
      %eq3A_492 = arith.cmpi eq, %get3A_474, %eq3A_491 : vector<16xi32>
      %select_n3A_493 = arith.select %eq3A_492, %broadcast_in_dim3A_5, %broadcast_in_dim3A_3 : vector<16xi1>, vector<16xf32>
      %add3A_494 = arith.addf %add3A_416, %select_n3A_493 : vector<16xf32>
      %eq3A_495 = arith.constant 4 : i32
      %eq3A_496 = vector.broadcast %eq3A_495 : i32 to vector<16xi32>
      %eq3A_497 = arith.cmpi eq, %get3A_474, %eq3A_496 : vector<16xi32>
      %select_n3A_498 = arith.select %eq3A_497, %broadcast_in_dim3A_5, %broadcast_in_dim3A_3 : vector<16xi1>, vector<16xf32>
      %add3A_499 = arith.addf %add3A_421, %select_n3A_498 : vector<16xf32>
      %eq3A_500 = arith.constant 5 : i32
      %eq3A_501 = vector.broadcast %eq3A_500 : i32 to vector<16xi32>
      %eq3A_502 = arith.cmpi eq, %get3A_474, %eq3A_501 : vector<16xi32>
      %select_n3A_503 = arith.select %eq3A_502, %broadcast_in_dim3A_5, %broadcast_in_dim3A_3 : vector<16xi1>, vector<16xf32>
      %add3A_504 = arith.addf %add3A_426, %select_n3A_503 : vector<16xf32>
      %eq3A_505 = arith.constant 6 : i32
      %eq3A_506 = vector.broadcast %eq3A_505 : i32 to vector<16xi32>
      %eq3A_507 = arith.cmpi eq, %get3A_474, %eq3A_506 : vector<16xi32>
      %select_n3A_508 = arith.select %eq3A_507, %broadcast_in_dim3A_5, %broadcast_in_dim3A_3 : vector<16xi1>, vector<16xf32>
      %add3A_509 = arith.addf %add3A_431, %select_n3A_508 : vector<16xf32>
      %eq3A_510 = arith.constant 7 : i32
      %eq3A_511 = vector.broadcast %eq3A_510 : i32 to vector<16xi32>
      %eq3A_512 = arith.cmpi eq, %get3A_474, %eq3A_511 : vector<16xi32>
      %select_n3A_513 = arith.select %eq3A_512, %broadcast_in_dim3A_5, %broadcast_in_dim3A_3 : vector<16xi1>, vector<16xf32>
      %add3A_514 = arith.addf %add3A_436, %select_n3A_513 : vector<16xf32>
      %eq3A_515 = arith.constant 8 : i32
      %eq3A_516 = vector.broadcast %eq3A_515 : i32 to vector<16xi32>
      %eq3A_517 = arith.cmpi eq, %get3A_474, %eq3A_516 : vector<16xi32>
      %select_n3A_518 = arith.select %eq3A_517, %broadcast_in_dim3A_5, %broadcast_in_dim3A_3 : vector<16xi1>, vector<16xf32>
      %add3A_519 = arith.addf %add3A_441, %select_n3A_518 : vector<16xf32>
      %eq3A_520 = arith.constant 9 : i32
      %eq3A_521 = vector.broadcast %eq3A_520 : i32 to vector<16xi32>
      %eq3A_522 = arith.cmpi eq, %get3A_474, %eq3A_521 : vector<16xi32>
      %select_n3A_523 = arith.select %eq3A_522, %broadcast_in_dim3A_5, %broadcast_in_dim3A_3 : vector<16xi1>, vector<16xf32>
      %add3A_524 = arith.addf %add3A_446, %select_n3A_523 : vector<16xf32>
      %eq3A_525 = arith.constant 10 : i32
      %eq3A_526 = vector.broadcast %eq3A_525 : i32 to vector<16xi32>
      %eq3A_527 = arith.cmpi eq, %get3A_474, %eq3A_526 : vector<16xi32>
      %select_n3A_528 = arith.select %eq3A_527, %broadcast_in_dim3A_5, %broadcast_in_dim3A_3 : vector<16xi1>, vector<16xf32>
      %add3A_529 = arith.addf %add3A_451, %select_n3A_528 : vector<16xf32>
      %eq3A_530 = arith.constant 11 : i32
      %eq3A_531 = vector.broadcast %eq3A_530 : i32 to vector<16xi32>
      %eq3A_532 = arith.cmpi eq, %get3A_474, %eq3A_531 : vector<16xi32>
      %select_n3A_533 = arith.select %eq3A_532, %broadcast_in_dim3A_5, %broadcast_in_dim3A_3 : vector<16xi1>, vector<16xf32>
      %add3A_534 = arith.addf %add3A_456, %select_n3A_533 : vector<16xf32>
      %eq3A_535 = arith.constant 12 : i32
      %eq3A_536 = vector.broadcast %eq3A_535 : i32 to vector<16xi32>
      %eq3A_537 = arith.cmpi eq, %get3A_474, %eq3A_536 : vector<16xi32>
      %select_n3A_538 = arith.select %eq3A_537, %broadcast_in_dim3A_5, %broadcast_in_dim3A_3 : vector<16xi1>, vector<16xf32>
      %add3A_539 = arith.addf %add3A_461, %select_n3A_538 : vector<16xf32>
      %eq3A_540 = arith.constant 13 : i32
      %eq3A_541 = vector.broadcast %eq3A_540 : i32 to vector<16xi32>
      %eq3A_542 = arith.cmpi eq, %get3A_474, %eq3A_541 : vector<16xi32>
      %select_n3A_543 = arith.select %eq3A_542, %broadcast_in_dim3A_5, %broadcast_in_dim3A_3 : vector<16xi1>, vector<16xf32>
      %add3A_544 = arith.addf %add3A_466, %select_n3A_543 : vector<16xf32>
      %eq3A_545 = arith.constant 14 : i32
      %eq3A_546 = vector.broadcast %eq3A_545 : i32 to vector<16xi32>
      %eq3A_547 = arith.cmpi eq, %get3A_474, %eq3A_546 : vector<16xi32>
      %select_n3A_548 = arith.select %eq3A_547, %broadcast_in_dim3A_5, %broadcast_in_dim3A_3 : vector<16xi1>, vector<16xf32>
      %add3A_549 = arith.addf %add3A_471, %select_n3A_548 : vector<16xf32>
      %get3A_550 = arith.constant 112 : index
      %get3A_551 = tpu.vector_load %arg4[%get3A_550] {strides = array<i32>} : memref<448xi32, #tpu.memory_space<vmem>>, vector<16xi32>,
      %get3A_552 = vector.shape_cast %get3A_551 : vector<16xi32> to vector<16xi32>
      %eq3A_553 = arith.constant 0 : i32
      %eq3A_554 = vector.broadcast %eq3A_553 : i32 to vector<16xi32>
      %eq3A_555 = arith.cmpi eq, %get3A_552, %eq3A_554 : vector<16xi32>
      %select_n3A_556 = arith.select %eq3A_555, %broadcast_in_dim3A_5, %broadcast_in_dim3A_3 : vector<16xi1>, vector<16xf32>
      %add3A_557 = arith.addf %add3A_479, %select_n3A_556 : vector<16xf32>
      %eq3A_558 = arith.constant 1 : i32
      %eq3A_559 = vector.broadcast %eq3A_558 : i32 to vector<16xi32>
      %eq3A_560 = arith.cmpi eq, %get3A_552, %eq3A_559 : vector<16xi32>
      %select_n3A_561 = arith.select %eq3A_560, %broadcast_in_dim3A_5, %broadcast_in_dim3A_3 : vector<16xi1>, vector<16xf32>
      %add3A_562 = arith.addf %add3A_484, %select_n3A_561 : vector<16xf32>
      %eq3A_563 = arith.constant 2 : i32
      %eq3A_564 = vector.broadcast %eq3A_563 : i32 to vector<16xi32>
      %eq3A_565 = arith.cmpi eq, %get3A_552, %eq3A_564 : vector<16xi32>
      %select_n3A_566 = arith.select %eq3A_565, %broadcast_in_dim3A_5, %broadcast_in_dim3A_3 : vector<16xi1>, vector<16xf32>
      %add3A_567 = arith.addf %add3A_489, %select_n3A_566 : vector<16xf32>
      %eq3A_568 = arith.constant 3 : i32
      %eq3A_569 = vector.broadcast %eq3A_568 : i32 to vector<16xi32>
      %eq3A_570 = arith.cmpi eq, %get3A_552, %eq3A_569 : vector<16xi32>
      %select_n3A_571 = arith.select %eq3A_570, %broadcast_in_dim3A_5, %broadcast_in_dim3A_3 : vector<16xi1>, vector<16xf32>
      %add3A_572 = arith.addf %add3A_494, %select_n3A_571 : vector<16xf32>
      %eq3A_573 = arith.constant 4 : i32
      %eq3A_574 = vector.broadcast %eq3A_573 : i32 to vector<16xi32>
      %eq3A_575 = arith.cmpi eq, %get3A_552, %eq3A_574 : vector<16xi32>
      %select_n3A_576 = arith.select %eq3A_575, %broadcast_in_dim3A_5, %broadcast_in_dim3A_3 : vector<16xi1>, vector<16xf32>
      %add3A_577 = arith.addf %add3A_499, %select_n3A_576 : vector<16xf32>
      %eq3A_578 = arith.constant 5 : i32
      %eq3A_579 = vector.broadcast %eq3A_578 : i32 to vector<16xi32>
      %eq3A_580 = arith.cmpi eq, %get3A_552, %eq3A_579 : vector<16xi32>
      %select_n3A_581 = arith.select %eq3A_580, %broadcast_in_dim3A_5, %broadcast_in_dim3A_3 : vector<16xi1>, vector<16xf32>
      %add3A_582 = arith.addf %add3A_504, %select_n3A_581 : vector<16xf32>
      %eq3A_583 = arith.constant 6 : i32
      %eq3A_584 = vector.broadcast %eq3A_583 : i32 to vector<16xi32>
      %eq3A_585 = arith.cmpi eq, %get3A_552, %eq3A_584 : vector<16xi32>
      %select_n3A_586 = arith.select %eq3A_585, %broadcast_in_dim3A_5, %broadcast_in_dim3A_3 : vector<16xi1>, vector<16xf32>
      %add3A_587 = arith.addf %add3A_509, %select_n3A_586 : vector<16xf32>
      %eq3A_588 = arith.constant 7 : i32
      %eq3A_589 = vector.broadcast %eq3A_588 : i32 to vector<16xi32>
      %eq3A_590 = arith.cmpi eq, %get3A_552, %eq3A_589 : vector<16xi32>
      %select_n3A_591 = arith.select %eq3A_590, %broadcast_in_dim3A_5, %broadcast_in_dim3A_3 : vector<16xi1>, vector<16xf32>
      %add3A_592 = arith.addf %add3A_514, %select_n3A_591 : vector<16xf32>
      %eq3A_593 = arith.constant 8 : i32
      %eq3A_594 = vector.broadcast %eq3A_593 : i32 to vector<16xi32>
      %eq3A_595 = arith.cmpi eq, %get3A_552, %eq3A_594 : vector<16xi32>
      %select_n3A_596 = arith.select %eq3A_595, %broadcast_in_dim3A_5, %broadcast_in_dim3A_3 : vector<16xi1>, vector<16xf32>
      %add3A_597 = arith.addf %add3A_519, %select_n3A_596 : vector<16xf32>
      %eq3A_598 = arith.constant 9 : i32
      %eq3A_599 = vector.broadcast %eq3A_598 : i32 to vector<16xi32>
      %eq3A_600 = arith.cmpi eq, %get3A_552, %eq3A_599 : vector<16xi32>
      %select_n3A_601 = arith.select %eq3A_600, %broadcast_in_dim3A_5, %broadcast_in_dim3A_3 : vector<16xi1>, vector<16xf32>
      %add3A_602 = arith.addf %add3A_524, %select_n3A_601 : vector<16xf32>
      %eq3A_603 = arith.constant 10 : i32
      %eq3A_604 = vector.broadcast %eq3A_603 : i32 to vector<16xi32>
      %eq3A_605 = arith.cmpi eq, %get3A_552, %eq3A_604 : vector<16xi32>
      %select_n3A_606 = arith.select %eq3A_605, %broadcast_in_dim3A_5, %broadcast_in_dim3A_3 : vector<16xi1>, vector<16xf32>
      %add3A_607 = arith.addf %add3A_529, %select_n3A_606 : vector<16xf32>
      %eq3A_608 = arith.constant 11 : i32
      %eq3A_609 = vector.broadcast %eq3A_608 : i32 to vector<16xi32>
      %eq3A_610 = arith.cmpi eq, %get3A_552, %eq3A_609 : vector<16xi32>
      %select_n3A_611 = arith.select %eq3A_610, %broadcast_in_dim3A_5, %broadcast_in_dim3A_3 : vector<16xi1>, vector<16xf32>
      %add3A_612 = arith.addf %add3A_534, %select_n3A_611 : vector<16xf32>
      %eq3A_613 = arith.constant 12 : i32
      %eq3A_614 = vector.broadcast %eq3A_613 : i32 to vector<16xi32>
      %eq3A_615 = arith.cmpi eq, %get3A_552, %eq3A_614 : vector<16xi32>
      %select_n3A_616 = arith.select %eq3A_615, %broadcast_in_dim3A_5, %broadcast_in_dim3A_3 : vector<16xi1>, vector<16xf32>
      %add3A_617 = arith.addf %add3A_539, %select_n3A_616 : vector<16xf32>
      %eq3A_618 = arith.constant 13 : i32
      %eq3A_619 = vector.broadcast %eq3A_618 : i32 to vector<16xi32>
      %eq3A_620 = arith.cmpi eq, %get3A_552, %eq3A_619 : vector<16xi32>
      %select_n3A_621 = arith.select %eq3A_620, %broadcast_in_dim3A_5, %broadcast_in_dim3A_3 : vector<16xi1>, vector<16xf32>
      %add3A_622 = arith.addf %add3A_544, %select_n3A_621 : vector<16xf32>
      %eq3A_623 = arith.constant 14 : i32
      %eq3A_624 = vector.broadcast %eq3A_623 : i32 to vector<16xi32>
      %eq3A_625 = arith.cmpi eq, %get3A_552, %eq3A_624 : vector<16xi32>
      %select_n3A_626 = arith.select %eq3A_625, %broadcast_in_dim3A_5, %broadcast_in_dim3A_3 : vector<16xi1>, vector<16xf32>
      %add3A_627 = arith.addf %add3A_549, %select_n3A_626 : vector<16xf32>
      %get3A_628 = arith.constant 128 : index
      %get3A_629 = tpu.vector_load %arg4[%get3A_628] {strides = array<i32>} : memref<448xi32, #tpu.memory_space<vmem>>, vector<16xi32>,
      %get3A_630 = vector.shape_cast %get3A_629 : vector<16xi32> to vector<16xi32>
      %eq3A_631 = arith.constant 0 : i32
      %eq3A_632 = vector.broadcast %eq3A_631 : i32 to vector<16xi32>
      %eq3A_633 = arith.cmpi eq, %get3A_630, %eq3A_632 : vector<16xi32>
      %select_n3A_634 = arith.select %eq3A_633, %broadcast_in_dim3A_5, %broadcast_in_dim3A_3 : vector<16xi1>, vector<16xf32>
      %add3A_635 = arith.addf %add3A_557, %select_n3A_634 : vector<16xf32>
      %eq3A_636 = arith.constant 1 : i32
      %eq3A_637 = vector.broadcast %eq3A_636 : i32 to vector<16xi32>
      %eq3A_638 = arith.cmpi eq, %get3A_630, %eq3A_637 : vector<16xi32>
      %select_n3A_639 = arith.select %eq3A_638, %broadcast_in_dim3A_5, %broadcast_in_dim3A_3 : vector<16xi1>, vector<16xf32>
      %add3A_640 = arith.addf %add3A_562, %select_n3A_639 : vector<16xf32>
      %eq3A_641 = arith.constant 2 : i32
      %eq3A_642 = vector.broadcast %eq3A_641 : i32 to vector<16xi32>
      %eq3A_643 = arith.cmpi eq, %get3A_630, %eq3A_642 : vector<16xi32>
      %select_n3A_644 = arith.select %eq3A_643, %broadcast_in_dim3A_5, %broadcast_in_dim3A_3 : vector<16xi1>, vector<16xf32>
      %add3A_645 = arith.addf %add3A_567, %select_n3A_644 : vector<16xf32>
      %eq3A_646 = arith.constant 3 : i32
      %eq3A_647 = vector.broadcast %eq3A_646 : i32 to vector<16xi32>
      %eq3A_648 = arith.cmpi eq, %get3A_630, %eq3A_647 : vector<16xi32>
      %select_n3A_649 = arith.select %eq3A_648, %broadcast_in_dim3A_5, %broadcast_in_dim3A_3 : vector<16xi1>, vector<16xf32>
      %add3A_650 = arith.addf %add3A_572, %select_n3A_649 : vector<16xf32>
      %eq3A_651 = arith.constant 4 : i32
      %eq3A_652 = vector.broadcast %eq3A_651 : i32 to vector<16xi32>
      %eq3A_653 = arith.cmpi eq, %get3A_630, %eq3A_652 : vector<16xi32>
      %select_n3A_654 = arith.select %eq3A_653, %broadcast_in_dim3A_5, %broadcast_in_dim3A_3 : vector<16xi1>, vector<16xf32>
      %add3A_655 = arith.addf %add3A_577, %select_n3A_654 : vector<16xf32>
      %eq3A_656 = arith.constant 5 : i32
      %eq3A_657 = vector.broadcast %eq3A_656 : i32 to vector<16xi32>
      %eq3A_658 = arith.cmpi eq, %get3A_630, %eq3A_657 : vector<16xi32>
      %select_n3A_659 = arith.select %eq3A_658, %broadcast_in_dim3A_5, %broadcast_in_dim3A_3 : vector<16xi1>, vector<16xf32>
      %add3A_660 = arith.addf %add3A_582, %select_n3A_659 : vector<16xf32>
      %eq3A_661 = arith.constant 6 : i32
      %eq3A_662 = vector.broadcast %eq3A_661 : i32 to vector<16xi32>
      %eq3A_663 = arith.cmpi eq, %get3A_630, %eq3A_662 : vector<16xi32>
      %select_n3A_664 = arith.select %eq3A_663, %broadcast_in_dim3A_5, %broadcast_in_dim3A_3 : vector<16xi1>, vector<16xf32>
      %add3A_665 = arith.addf %add3A_587, %select_n3A_664 : vector<16xf32>
      %eq3A_666 = arith.constant 7 : i32
      %eq3A_667 = vector.broadcast %eq3A_666 : i32 to vector<16xi32>
      %eq3A_668 = arith.cmpi eq, %get3A_630, %eq3A_667 : vector<16xi32>
      %select_n3A_669 = arith.select %eq3A_668, %broadcast_in_dim3A_5, %broadcast_in_dim3A_3 : vector<16xi1>, vector<16xf32>
      %add3A_670 = arith.addf %add3A_592, %select_n3A_669 : vector<16xf32>
      %eq3A_671 = arith.constant 8 : i32
      %eq3A_672 = vector.broadcast %eq3A_671 : i32 to vector<16xi32>
      %eq3A_673 = arith.cmpi eq, %get3A_630, %eq3A_672 : vector<16xi32>
      %select_n3A_674 = arith.select %eq3A_673, %broadcast_in_dim3A_5, %broadcast_in_dim3A_3 : vector<16xi1>, vector<16xf32>
      %add3A_675 = arith.addf %add3A_597, %select_n3A_674 : vector<16xf32>
      %eq3A_676 = arith.constant 9 : i32
      %eq3A_677 = vector.broadcast %eq3A_676 : i32 to vector<16xi32>
      %eq3A_678 = arith.cmpi eq, %get3A_630, %eq3A_677 : vector<16xi32>
      %select_n3A_679 = arith.select %eq3A_678, %broadcast_in_dim3A_5, %broadcast_in_dim3A_3 : vector<16xi1>, vector<16xf32>
      %add3A_680 = arith.addf %add3A_602, %select_n3A_679 : vector<16xf32>
      %eq3A_681 = arith.constant 10 : i32
      %eq3A_682 = vector.broadcast %eq3A_681 : i32 to vector<16xi32>
      %eq3A_683 = arith.cmpi eq, %get3A_630, %eq3A_682 : vector<16xi32>
      %select_n3A_684 = arith.select %eq3A_683, %broadcast_in_dim3A_5, %broadcast_in_dim3A_3 : vector<16xi1>, vector<16xf32>
      %add3A_685 = arith.addf %add3A_607, %select_n3A_684 : vector<16xf32>
      %eq3A_686 = arith.constant 11 : i32
      %eq3A_687 = vector.broadcast %eq3A_686 : i32 to vector<16xi32>
      %eq3A_688 = arith.cmpi eq, %get3A_630, %eq3A_687 : vector<16xi32>
      %select_n3A_689 = arith.select %eq3A_688, %broadcast_in_dim3A_5, %broadcast_in_dim3A_3 : vector<16xi1>, vector<16xf32>
      %add3A_690 = arith.addf %add3A_612, %select_n3A_689 : vector<16xf32>
      %eq3A_691 = arith.constant 12 : i32
      %eq3A_692 = vector.broadcast %eq3A_691 : i32 to vector<16xi32>
      %eq3A_693 = arith.cmpi eq, %get3A_630, %eq3A_692 : vector<16xi32>
      %select_n3A_694 = arith.select %eq3A_693, %broadcast_in_dim3A_5, %broadcast_in_dim3A_3 : vector<16xi1>, vector<16xf32>
      %add3A_695 = arith.addf %add3A_617, %select_n3A_694 : vector<16xf32>
      %eq3A_696 = arith.constant 13 : i32
      %eq3A_697 = vector.broadcast %eq3A_696 : i32 to vector<16xi32>
      %eq3A_698 = arith.cmpi eq, %get3A_630, %eq3A_697 : vector<16xi32>
      %select_n3A_699 = arith.select %eq3A_698, %broadcast_in_dim3A_5, %broadcast_in_dim3A_3 : vector<16xi1>, vector<16xf32>
      %add3A_700 = arith.addf %add3A_622, %select_n3A_699 : vector<16xf32>
      %eq3A_701 = arith.constant 14 : i32
      %eq3A_702 = vector.broadcast %eq3A_701 : i32 to vector<16xi32>
      %eq3A_703 = arith.cmpi eq, %get3A_630, %eq3A_702 : vector<16xi32>
      %select_n3A_704 = arith.select %eq3A_703, %broadcast_in_dim3A_5, %broadcast_in_dim3A_3 : vector<16xi1>, vector<16xf32>
      %add3A_705 = arith.addf %add3A_627, %select_n3A_704 : vector<16xf32>
      %get3A_706 = arith.constant 144 : index
      %get3A_707 = tpu.vector_load %arg4[%get3A_706] {strides = array<i32>} : memref<448xi32, #tpu.memory_space<vmem>>, vector<16xi32>,
      %get3A_708 = vector.shape_cast %get3A_707 : vector<16xi32> to vector<16xi32>
      %eq3A_709 = arith.constant 0 : i32
      %eq3A_710 = vector.broadcast %eq3A_709 : i32 to vector<16xi32>
      %eq3A_711 = arith.cmpi eq, %get3A_708, %eq3A_710 : vector<16xi32>
      %select_n3A_712 = arith.select %eq3A_711, %broadcast_in_dim3A_5, %broadcast_in_dim3A_3 : vector<16xi1>, vector<16xf32>
      %add3A_713 = arith.addf %add3A_635, %select_n3A_712 : vector<16xf32>
      %eq3A_714 = arith.constant 1 : i32
      %eq3A_715 = vector.broadcast %eq3A_714 : i32 to vector<16xi32>
      %eq3A_716 = arith.cmpi eq, %get3A_708, %eq3A_715 : vector<16xi32>
      %select_n3A_717 = arith.select %eq3A_716, %broadcast_in_dim3A_5, %broadcast_in_dim3A_3 : vector<16xi1>, vector<16xf32>
      %add3A_718 = arith.addf %add3A_640, %select_n3A_717 : vector<16xf32>
      %eq3A_719 = arith.constant 2 : i32
      %eq3A_720 = vector.broadcast %eq3A_719 : i32 to vector<16xi32>
      %eq3A_721 = arith.cmpi eq, %get3A_708, %eq3A_720 : vector<16xi32>
      %select_n3A_722 = arith.select %eq3A_721, %broadcast_in_dim3A_5, %broadcast_in_dim3A_3 : vector<16xi1>, vector<16xf32>
      %add3A_723 = arith.addf %add3A_645, %select_n3A_722 : vector<16xf32>
      %eq3A_724 = arith.constant 3 : i32
      %eq3A_725 = vector.broadcast %eq3A_724 : i32 to vector<16xi32>
      %eq3A_726 = arith.cmpi eq, %get3A_708, %eq3A_725 : vector<16xi32>
      %select_n3A_727 = arith.select %eq3A_726, %broadcast_in_dim3A_5, %broadcast_in_dim3A_3 : vector<16xi1>, vector<16xf32>
      %add3A_728 = arith.addf %add3A_650, %select_n3A_727 : vector<16xf32>
      %eq3A_729 = arith.constant 4 : i32
      %eq3A_730 = vector.broadcast %eq3A_729 : i32 to vector<16xi32>
      %eq3A_731 = arith.cmpi eq, %get3A_708, %eq3A_730 : vector<16xi32>
      %select_n3A_732 = arith.select %eq3A_731, %broadcast_in_dim3A_5, %broadcast_in_dim3A_3 : vector<16xi1>, vector<16xf32>
      %add3A_733 = arith.addf %add3A_655, %select_n3A_732 : vector<16xf32>
      %eq3A_734 = arith.constant 5 : i32
      %eq3A_735 = vector.broadcast %eq3A_734 : i32 to vector<16xi32>
      %eq3A_736 = arith.cmpi eq, %get3A_708, %eq3A_735 : vector<16xi32>
      %select_n3A_737 = arith.select %eq3A_736, %broadcast_in_dim3A_5, %broadcast_in_dim3A_3 : vector<16xi1>, vector<16xf32>
      %add3A_738 = arith.addf %add3A_660, %select_n3A_737 : vector<16xf32>
      %eq3A_739 = arith.constant 6 : i32
      %eq3A_740 = vector.broadcast %eq3A_739 : i32 to vector<16xi32>
      %eq3A_741 = arith.cmpi eq, %get3A_708, %eq3A_740 : vector<16xi32>
      %select_n3A_742 = arith.select %eq3A_741, %broadcast_in_dim3A_5, %broadcast_in_dim3A_3 : vector<16xi1>, vector<16xf32>
      %add3A_743 = arith.addf %add3A_665, %select_n3A_742 : vector<16xf32>
      %eq3A_744 = arith.constant 7 : i32
      %eq3A_745 = vector.broadcast %eq3A_744 : i32 to vector<16xi32>
      %eq3A_746 = arith.cmpi eq, %get3A_708, %eq3A_745 : vector<16xi32>
      %select_n3A_747 = arith.select %eq3A_746, %broadcast_in_dim3A_5, %broadcast_in_dim3A_3 : vector<16xi1>, vector<16xf32>
      %add3A_748 = arith.addf %add3A_670, %select_n3A_747 : vector<16xf32>
      %eq3A_749 = arith.constant 8 : i32
      %eq3A_750 = vector.broadcast %eq3A_749 : i32 to vector<16xi32>
      %eq3A_751 = arith.cmpi eq, %get3A_708, %eq3A_750 : vector<16xi32>
      %select_n3A_752 = arith.select %eq3A_751, %broadcast_in_dim3A_5, %broadcast_in_dim3A_3 : vector<16xi1>, vector<16xf32>
      %add3A_753 = arith.addf %add3A_675, %select_n3A_752 : vector<16xf32>
      %eq3A_754 = arith.constant 9 : i32
      %eq3A_755 = vector.broadcast %eq3A_754 : i32 to vector<16xi32>
      %eq3A_756 = arith.cmpi eq, %get3A_708, %eq3A_755 : vector<16xi32>
      %select_n3A_757 = arith.select %eq3A_756, %broadcast_in_dim3A_5, %broadcast_in_dim3A_3 : vector<16xi1>, vector<16xf32>
      %add3A_758 = arith.addf %add3A_680, %select_n3A_757 : vector<16xf32>
      %eq3A_759 = arith.constant 10 : i32
      %eq3A_760 = vector.broadcast %eq3A_759 : i32 to vector<16xi32>
      %eq3A_761 = arith.cmpi eq, %get3A_708, %eq3A_760 : vector<16xi32>
      %select_n3A_762 = arith.select %eq3A_761, %broadcast_in_dim3A_5, %broadcast_in_dim3A_3 : vector<16xi1>, vector<16xf32>
      %add3A_763 = arith.addf %add3A_685, %select_n3A_762 : vector<16xf32>
      %eq3A_764 = arith.constant 11 : i32
      %eq3A_765 = vector.broadcast %eq3A_764 : i32 to vector<16xi32>
      %eq3A_766 = arith.cmpi eq, %get3A_708, %eq3A_765 : vector<16xi32>
      %select_n3A_767 = arith.select %eq3A_766, %broadcast_in_dim3A_5, %broadcast_in_dim3A_3 : vector<16xi1>, vector<16xf32>
      %add3A_768 = arith.addf %add3A_690, %select_n3A_767 : vector<16xf32>
      %eq3A_769 = arith.constant 12 : i32
      %eq3A_770 = vector.broadcast %eq3A_769 : i32 to vector<16xi32>
      %eq3A_771 = arith.cmpi eq, %get3A_708, %eq3A_770 : vector<16xi32>
      %select_n3A_772 = arith.select %eq3A_771, %broadcast_in_dim3A_5, %broadcast_in_dim3A_3 : vector<16xi1>, vector<16xf32>
      %add3A_773 = arith.addf %add3A_695, %select_n3A_772 : vector<16xf32>
      %eq3A_774 = arith.constant 13 : i32
      %eq3A_775 = vector.broadcast %eq3A_774 : i32 to vector<16xi32>
      %eq3A_776 = arith.cmpi eq, %get3A_708, %eq3A_775 : vector<16xi32>
      %select_n3A_777 = arith.select %eq3A_776, %broadcast_in_dim3A_5, %broadcast_in_dim3A_3 : vector<16xi1>, vector<16xf32>
      %add3A_778 = arith.addf %add3A_700, %select_n3A_777 : vector<16xf32>
      %eq3A_779 = arith.constant 14 : i32
      %eq3A_780 = vector.broadcast %eq3A_779 : i32 to vector<16xi32>
      %eq3A_781 = arith.cmpi eq, %get3A_708, %eq3A_780 : vector<16xi32>
      %select_n3A_782 = arith.select %eq3A_781, %broadcast_in_dim3A_5, %broadcast_in_dim3A_3 : vector<16xi1>, vector<16xf32>
      %add3A_783 = arith.addf %add3A_705, %select_n3A_782 : vector<16xf32>
      %get3A_784 = arith.constant 160 : index
      %get3A_785 = tpu.vector_load %arg4[%get3A_784] {strides = array<i32>} : memref<448xi32, #tpu.memory_space<vmem>>, vector<16xi32>,
      %get3A_786 = vector.shape_cast %get3A_785 : vector<16xi32> to vector<16xi32>
      %eq3A_787 = arith.constant 0 : i32
      %eq3A_788 = vector.broadcast %eq3A_787 : i32 to vector<16xi32>
      %eq3A_789 = arith.cmpi eq, %get3A_786, %eq3A_788 : vector<16xi32>
      %select_n3A_790 = arith.select %eq3A_789, %broadcast_in_dim3A_5, %broadcast_in_dim3A_3 : vector<16xi1>, vector<16xf32>
      %add3A_791 = arith.addf %add3A_713, %select_n3A_790 : vector<16xf32>
      %eq3A_792 = arith.constant 1 : i32
      %eq3A_793 = vector.broadcast %eq3A_792 : i32 to vector<16xi32>
      %eq3A_794 = arith.cmpi eq, %get3A_786, %eq3A_793 : vector<16xi32>
      %select_n3A_795 = arith.select %eq3A_794, %broadcast_in_dim3A_5, %broadcast_in_dim3A_3 : vector<16xi1>, vector<16xf32>
      %add3A_796 = arith.addf %add3A_718, %select_n3A_795 : vector<16xf32>
      %eq3A_797 = arith.constant 2 : i32
      %eq3A_798 = vector.broadcast %eq3A_797 : i32 to vector<16xi32>
      %eq3A_799 = arith.cmpi eq, %get3A_786, %eq3A_798 : vector<16xi32>
      %select_n3A_800 = arith.select %eq3A_799, %broadcast_in_dim3A_5, %broadcast_in_dim3A_3 : vector<16xi1>, vector<16xf32>
      %add3A_801 = arith.addf %add3A_723, %select_n3A_800 : vector<16xf32>
      %eq3A_802 = arith.constant 3 : i32
      %eq3A_803 = vector.broadcast %eq3A_802 : i32 to vector<16xi32>
      %eq3A_804 = arith.cmpi eq, %get3A_786, %eq3A_803 : vector<16xi32>
      %select_n3A_805 = arith.select %eq3A_804, %broadcast_in_dim3A_5, %broadcast_in_dim3A_3 : vector<16xi1>, vector<16xf32>
      %add3A_806 = arith.addf %add3A_728, %select_n3A_805 : vector<16xf32>
      %eq3A_807 = arith.constant 4 : i32
      %eq3A_808 = vector.broadcast %eq3A_807 : i32 to vector<16xi32>
      %eq3A_809 = arith.cmpi eq, %get3A_786, %eq3A_808 : vector<16xi32>
      %select_n3A_810 = arith.select %eq3A_809, %broadcast_in_dim3A_5, %broadcast_in_dim3A_3 : vector<16xi1>, vector<16xf32>
      %add3A_811 = arith.addf %add3A_733, %select_n3A_810 : vector<16xf32>
      %eq3A_812 = arith.constant 5 : i32
      %eq3A_813 = vector.broadcast %eq3A_812 : i32 to vector<16xi32>
      %eq3A_814 = arith.cmpi eq, %get3A_786, %eq3A_813 : vector<16xi32>
      %select_n3A_815 = arith.select %eq3A_814, %broadcast_in_dim3A_5, %broadcast_in_dim3A_3 : vector<16xi1>, vector<16xf32>
      %add3A_816 = arith.addf %add3A_738, %select_n3A_815 : vector<16xf32>
      %eq3A_817 = arith.constant 6 : i32
      %eq3A_818 = vector.broadcast %eq3A_817 : i32 to vector<16xi32>
      %eq3A_819 = arith.cmpi eq, %get3A_786, %eq3A_818 : vector<16xi32>
      %select_n3A_820 = arith.select %eq3A_819, %broadcast_in_dim3A_5, %broadcast_in_dim3A_3 : vector<16xi1>, vector<16xf32>
      %add3A_821 = arith.addf %add3A_743, %select_n3A_820 : vector<16xf32>
      %eq3A_822 = arith.constant 7 : i32
      %eq3A_823 = vector.broadcast %eq3A_822 : i32 to vector<16xi32>
      %eq3A_824 = arith.cmpi eq, %get3A_786, %eq3A_823 : vector<16xi32>
      %select_n3A_825 = arith.select %eq3A_824, %broadcast_in_dim3A_5, %broadcast_in_dim3A_3 : vector<16xi1>, vector<16xf32>
      %add3A_826 = arith.addf %add3A_748, %select_n3A_825 : vector<16xf32>
      %eq3A_827 = arith.constant 8 : i32
      %eq3A_828 = vector.broadcast %eq3A_827 : i32 to vector<16xi32>
      %eq3A_829 = arith.cmpi eq, %get3A_786, %eq3A_828 : vector<16xi32>
      %select_n3A_830 = arith.select %eq3A_829, %broadcast_in_dim3A_5, %broadcast_in_dim3A_3 : vector<16xi1>, vector<16xf32>
      %add3A_831 = arith.addf %add3A_753, %select_n3A_830 : vector<16xf32>
      %eq3A_832 = arith.constant 9 : i32
      %eq3A_833 = vector.broadcast %eq3A_832 : i32 to vector<16xi32>
      %eq3A_834 = arith.cmpi eq, %get3A_786, %eq3A_833 : vector<16xi32>
      %select_n3A_835 = arith.select %eq3A_834, %broadcast_in_dim3A_5, %broadcast_in_dim3A_3 : vector<16xi1>, vector<16xf32>
      %add3A_836 = arith.addf %add3A_758, %select_n3A_835 : vector<16xf32>
      %eq3A_837 = arith.constant 10 : i32
      %eq3A_838 = vector.broadcast %eq3A_837 : i32 to vector<16xi32>
      %eq3A_839 = arith.cmpi eq, %get3A_786, %eq3A_838 : vector<16xi32>
      %select_n3A_840 = arith.select %eq3A_839, %broadcast_in_dim3A_5, %broadcast_in_dim3A_3 : vector<16xi1>, vector<16xf32>
      %add3A_841 = arith.addf %add3A_763, %select_n3A_840 : vector<16xf32>
      %eq3A_842 = arith.constant 11 : i32
      %eq3A_843 = vector.broadcast %eq3A_842 : i32 to vector<16xi32>
      %eq3A_844 = arith.cmpi eq, %get3A_786, %eq3A_843 : vector<16xi32>
      %select_n3A_845 = arith.select %eq3A_844, %broadcast_in_dim3A_5, %broadcast_in_dim3A_3 : vector<16xi1>, vector<16xf32>
      %add3A_846 = arith.addf %add3A_768, %select_n3A_845 : vector<16xf32>
      %eq3A_847 = arith.constant 12 : i32
      %eq3A_848 = vector.broadcast %eq3A_847 : i32 to vector<16xi32>
      %eq3A_849 = arith.cmpi eq, %get3A_786, %eq3A_848 : vector<16xi32>
      %select_n3A_850 = arith.select %eq3A_849, %broadcast_in_dim3A_5, %broadcast_in_dim3A_3 : vector<16xi1>, vector<16xf32>
      %add3A_851 = arith.addf %add3A_773, %select_n3A_850 : vector<16xf32>
      %eq3A_852 = arith.constant 13 : i32
      %eq3A_853 = vector.broadcast %eq3A_852 : i32 to vector<16xi32>
      %eq3A_854 = arith.cmpi eq, %get3A_786, %eq3A_853 : vector<16xi32>
      %select_n3A_855 = arith.select %eq3A_854, %broadcast_in_dim3A_5, %broadcast_in_dim3A_3 : vector<16xi1>, vector<16xf32>
      %add3A_856 = arith.addf %add3A_778, %select_n3A_855 : vector<16xf32>
      %eq3A_857 = arith.constant 14 : i32
      %eq3A_858 = vector.broadcast %eq3A_857 : i32 to vector<16xi32>
      %eq3A_859 = arith.cmpi eq, %get3A_786, %eq3A_858 : vector<16xi32>
      %select_n3A_860 = arith.select %eq3A_859, %broadcast_in_dim3A_5, %broadcast_in_dim3A_3 : vector<16xi1>, vector<16xf32>
      %add3A_861 = arith.addf %add3A_783, %select_n3A_860 : vector<16xf32>
      %get3A_862 = arith.constant 176 : index
      %get3A_863 = tpu.vector_load %arg4[%get3A_862] {strides = array<i32>} : memref<448xi32, #tpu.memory_space<vmem>>, vector<16xi32>,
      %get3A_864 = vector.shape_cast %get3A_863 : vector<16xi32> to vector<16xi32>
      %eq3A_865 = arith.constant 0 : i32
      %eq3A_866 = vector.broadcast %eq3A_865 : i32 to vector<16xi32>
      %eq3A_867 = arith.cmpi eq, %get3A_864, %eq3A_866 : vector<16xi32>
      %select_n3A_868 = arith.select %eq3A_867, %broadcast_in_dim3A_5, %broadcast_in_dim3A_3 : vector<16xi1>, vector<16xf32>
      %add3A_869 = arith.addf %add3A_791, %select_n3A_868 : vector<16xf32>
      %eq3A_870 = arith.constant 1 : i32
      %eq3A_871 = vector.broadcast %eq3A_870 : i32 to vector<16xi32>
      %eq3A_872 = arith.cmpi eq, %get3A_864, %eq3A_871 : vector<16xi32>
      %select_n3A_873 = arith.select %eq3A_872, %broadcast_in_dim3A_5, %broadcast_in_dim3A_3 : vector<16xi1>, vector<16xf32>
      %add3A_874 = arith.addf %add3A_796, %select_n3A_873 : vector<16xf32>
      %eq3A_875 = arith.constant 2 : i32
      %eq3A_876 = vector.broadcast %eq3A_875 : i32 to vector<16xi32>
      %eq3A_877 = arith.cmpi eq, %get3A_864, %eq3A_876 : vector<16xi32>
      %select_n3A_878 = arith.select %eq3A_877, %broadcast_in_dim3A_5, %broadcast_in_dim3A_3 : vector<16xi1>, vector<16xf32>
      %add3A_879 = arith.addf %add3A_801, %select_n3A_878 : vector<16xf32>
      %eq3A_880 = arith.constant 3 : i32
      %eq3A_881 = vector.broadcast %eq3A_880 : i32 to vector<16xi32>
      %eq3A_882 = arith.cmpi eq, %get3A_864, %eq3A_881 : vector<16xi32>
      %select_n3A_883 = arith.select %eq3A_882, %broadcast_in_dim3A_5, %broadcast_in_dim3A_3 : vector<16xi1>, vector<16xf32>
      %add3A_884 = arith.addf %add3A_806, %select_n3A_883 : vector<16xf32>
      %eq3A_885 = arith.constant 4 : i32
      %eq3A_886 = vector.broadcast %eq3A_885 : i32 to vector<16xi32>
      %eq3A_887 = arith.cmpi eq, %get3A_864, %eq3A_886 : vector<16xi32>
      %select_n3A_888 = arith.select %eq3A_887, %broadcast_in_dim3A_5, %broadcast_in_dim3A_3 : vector<16xi1>, vector<16xf32>
      %add3A_889 = arith.addf %add3A_811, %select_n3A_888 : vector<16xf32>
      %eq3A_890 = arith.constant 5 : i32
      %eq3A_891 = vector.broadcast %eq3A_890 : i32 to vector<16xi32>
      %eq3A_892 = arith.cmpi eq, %get3A_864, %eq3A_891 : vector<16xi32>
      %select_n3A_893 = arith.select %eq3A_892, %broadcast_in_dim3A_5, %broadcast_in_dim3A_3 : vector<16xi1>, vector<16xf32>
      %add3A_894 = arith.addf %add3A_816, %select_n3A_893 : vector<16xf32>
      %eq3A_895 = arith.constant 6 : i32
      %eq3A_896 = vector.broadcast %eq3A_895 : i32 to vector<16xi32>
      %eq3A_897 = arith.cmpi eq, %get3A_864, %eq3A_896 : vector<16xi32>
      %select_n3A_898 = arith.select %eq3A_897, %broadcast_in_dim3A_5, %broadcast_in_dim3A_3 : vector<16xi1>, vector<16xf32>
      %add3A_899 = arith.addf %add3A_821, %select_n3A_898 : vector<16xf32>
      %eq3A_900 = arith.constant 7 : i32
      %eq3A_901 = vector.broadcast %eq3A_900 : i32 to vector<16xi32>
      %eq3A_902 = arith.cmpi eq, %get3A_864, %eq3A_901 : vector<16xi32>
      %select_n3A_903 = arith.select %eq3A_902, %broadcast_in_dim3A_5, %broadcast_in_dim3A_3 : vector<16xi1>, vector<16xf32>
      %add3A_904 = arith.addf %add3A_826, %select_n3A_903 : vector<16xf32>
      %eq3A_905 = arith.constant 8 : i32
      %eq3A_906 = vector.broadcast %eq3A_905 : i32 to vector<16xi32>
      %eq3A_907 = arith.cmpi eq, %get3A_864, %eq3A_906 : vector<16xi32>
      %select_n3A_908 = arith.select %eq3A_907, %broadcast_in_dim3A_5, %broadcast_in_dim3A_3 : vector<16xi1>, vector<16xf32>
      %add3A_909 = arith.addf %add3A_831, %select_n3A_908 : vector<16xf32>
      %eq3A_910 = arith.constant 9 : i32
      %eq3A_911 = vector.broadcast %eq3A_910 : i32 to vector<16xi32>
      %eq3A_912 = arith.cmpi eq, %get3A_864, %eq3A_911 : vector<16xi32>
      %select_n3A_913 = arith.select %eq3A_912, %broadcast_in_dim3A_5, %broadcast_in_dim3A_3 : vector<16xi1>, vector<16xf32>
      %add3A_914 = arith.addf %add3A_836, %select_n3A_913 : vector<16xf32>
      %eq3A_915 = arith.constant 10 : i32
      %eq3A_916 = vector.broadcast %eq3A_915 : i32 to vector<16xi32>
      %eq3A_917 = arith.cmpi eq, %get3A_864, %eq3A_916 : vector<16xi32>
      %select_n3A_918 = arith.select %eq3A_917, %broadcast_in_dim3A_5, %broadcast_in_dim3A_3 : vector<16xi1>, vector<16xf32>
      %add3A_919 = arith.addf %add3A_841, %select_n3A_918 : vector<16xf32>
      %eq3A_920 = arith.constant 11 : i32
      %eq3A_921 = vector.broadcast %eq3A_920 : i32 to vector<16xi32>
      %eq3A_922 = arith.cmpi eq, %get3A_864, %eq3A_921 : vector<16xi32>
      %select_n3A_923 = arith.select %eq3A_922, %broadcast_in_dim3A_5, %broadcast_in_dim3A_3 : vector<16xi1>, vector<16xf32>
      %add3A_924 = arith.addf %add3A_846, %select_n3A_923 : vector<16xf32>
      %eq3A_925 = arith.constant 12 : i32
      %eq3A_926 = vector.broadcast %eq3A_925 : i32 to vector<16xi32>
      %eq3A_927 = arith.cmpi eq, %get3A_864, %eq3A_926 : vector<16xi32>
      %select_n3A_928 = arith.select %eq3A_927, %broadcast_in_dim3A_5, %broadcast_in_dim3A_3 : vector<16xi1>, vector<16xf32>
      %add3A_929 = arith.addf %add3A_851, %select_n3A_928 : vector<16xf32>
      %eq3A_930 = arith.constant 13 : i32
      %eq3A_931 = vector.broadcast %eq3A_930 : i32 to vector<16xi32>
      %eq3A_932 = arith.cmpi eq, %get3A_864, %eq3A_931 : vector<16xi32>
      %select_n3A_933 = arith.select %eq3A_932, %broadcast_in_dim3A_5, %broadcast_in_dim3A_3 : vector<16xi1>, vector<16xf32>
      %add3A_934 = arith.addf %add3A_856, %select_n3A_933 : vector<16xf32>
      %eq3A_935 = arith.constant 14 : i32
      %eq3A_936 = vector.broadcast %eq3A_935 : i32 to vector<16xi32>
      %eq3A_937 = arith.cmpi eq, %get3A_864, %eq3A_936 : vector<16xi32>
      %select_n3A_938 = arith.select %eq3A_937, %broadcast_in_dim3A_5, %broadcast_in_dim3A_3 : vector<16xi1>, vector<16xf32>
      %add3A_939 = arith.addf %add3A_861, %select_n3A_938 : vector<16xf32>
      %get3A_940 = arith.constant 192 : index
      %get3A_941 = tpu.vector_load %arg4[%get3A_940] {strides = array<i32>} : memref<448xi32, #tpu.memory_space<vmem>>, vector<16xi32>,
      %get3A_942 = vector.shape_cast %get3A_941 : vector<16xi32> to vector<16xi32>
      %eq3A_943 = arith.constant 0 : i32
      %eq3A_944 = vector.broadcast %eq3A_943 : i32 to vector<16xi32>
      %eq3A_945 = arith.cmpi eq, %get3A_942, %eq3A_944 : vector<16xi32>
      %select_n3A_946 = arith.select %eq3A_945, %broadcast_in_dim3A_5, %broadcast_in_dim3A_3 : vector<16xi1>, vector<16xf32>
      %add3A_947 = arith.addf %add3A_869, %select_n3A_946 : vector<16xf32>
      %eq3A_948 = arith.constant 1 : i32
      %eq3A_949 = vector.broadcast %eq3A_948 : i32 to vector<16xi32>
      %eq3A_950 = arith.cmpi eq, %get3A_942, %eq3A_949 : vector<16xi32>
      %select_n3A_951 = arith.select %eq3A_950, %broadcast_in_dim3A_5, %broadcast_in_dim3A_3 : vector<16xi1>, vector<16xf32>
      %add3A_952 = arith.addf %add3A_874, %select_n3A_951 : vector<16xf32>
      %eq3A_953 = arith.constant 2 : i32
      %eq3A_954 = vector.broadcast %eq3A_953 : i32 to vector<16xi32>
      %eq3A_955 = arith.cmpi eq, %get3A_942, %eq3A_954 : vector<16xi32>
      %select_n3A_956 = arith.select %eq3A_955, %broadcast_in_dim3A_5, %broadcast_in_dim3A_3 : vector<16xi1>, vector<16xf32>
      %add3A_957 = arith.addf %add3A_879, %select_n3A_956 : vector<16xf32>
      %eq3A_958 = arith.constant 3 : i32
      %eq3A_959 = vector.broadcast %eq3A_958 : i32 to vector<16xi32>
      %eq3A_960 = arith.cmpi eq, %get3A_942, %eq3A_959 : vector<16xi32>
      %select_n3A_961 = arith.select %eq3A_960, %broadcast_in_dim3A_5, %broadcast_in_dim3A_3 : vector<16xi1>, vector<16xf32>
      %add3A_962 = arith.addf %add3A_884, %select_n3A_961 : vector<16xf32>
      %eq3A_963 = arith.constant 4 : i32
      %eq3A_964 = vector.broadcast %eq3A_963 : i32 to vector<16xi32>
      %eq3A_965 = arith.cmpi eq, %get3A_942, %eq3A_964 : vector<16xi32>
      %select_n3A_966 = arith.select %eq3A_965, %broadcast_in_dim3A_5, %broadcast_in_dim3A_3 : vector<16xi1>, vector<16xf32>
      %add3A_967 = arith.addf %add3A_889, %select_n3A_966 : vector<16xf32>
      %eq3A_968 = arith.constant 5 : i32
      %eq3A_969 = vector.broadcast %eq3A_968 : i32 to vector<16xi32>
      %eq3A_970 = arith.cmpi eq, %get3A_942, %eq3A_969 : vector<16xi32>
      %select_n3A_971 = arith.select %eq3A_970, %broadcast_in_dim3A_5, %broadcast_in_dim3A_3 : vector<16xi1>, vector<16xf32>
      %add3A_972 = arith.addf %add3A_894, %select_n3A_971 : vector<16xf32>
      %eq3A_973 = arith.constant 6 : i32
      %eq3A_974 = vector.broadcast %eq3A_973 : i32 to vector<16xi32>
      %eq3A_975 = arith.cmpi eq, %get3A_942, %eq3A_974 : vector<16xi32>
      %select_n3A_976 = arith.select %eq3A_975, %broadcast_in_dim3A_5, %broadcast_in_dim3A_3 : vector<16xi1>, vector<16xf32>
      %add3A_977 = arith.addf %add3A_899, %select_n3A_976 : vector<16xf32>
      %eq3A_978 = arith.constant 7 : i32
      %eq3A_979 = vector.broadcast %eq3A_978 : i32 to vector<16xi32>
      %eq3A_980 = arith.cmpi eq, %get3A_942, %eq3A_979 : vector<16xi32>
      %select_n3A_981 = arith.select %eq3A_980, %broadcast_in_dim3A_5, %broadcast_in_dim3A_3 : vector<16xi1>, vector<16xf32>
      %add3A_982 = arith.addf %add3A_904, %select_n3A_981 : vector<16xf32>
      %eq3A_983 = arith.constant 8 : i32
      %eq3A_984 = vector.broadcast %eq3A_983 : i32 to vector<16xi32>
      %eq3A_985 = arith.cmpi eq, %get3A_942, %eq3A_984 : vector<16xi32>
      %select_n3A_986 = arith.select %eq3A_985, %broadcast_in_dim3A_5, %broadcast_in_dim3A_3 : vector<16xi1>, vector<16xf32>
      %add3A_987 = arith.addf %add3A_909, %select_n3A_986 : vector<16xf32>
      %eq3A_988 = arith.constant 9 : i32
      %eq3A_989 = vector.broadcast %eq3A_988 : i32 to vector<16xi32>
      %eq3A_990 = arith.cmpi eq, %get3A_942, %eq3A_989 : vector<16xi32>
      %select_n3A_991 = arith.select %eq3A_990, %broadcast_in_dim3A_5, %broadcast_in_dim3A_3 : vector<16xi1>, vector<16xf32>
      %add3A_992 = arith.addf %add3A_914, %select_n3A_991 : vector<16xf32>
      %eq3A_993 = arith.constant 10 : i32
      %eq3A_994 = vector.broadcast %eq3A_993 : i32 to vector<16xi32>
      %eq3A_995 = arith.cmpi eq, %get3A_942, %eq3A_994 : vector<16xi32>
      %select_n3A_996 = arith.select %eq3A_995, %broadcast_in_dim3A_5, %broadcast_in_dim3A_3 : vector<16xi1>, vector<16xf32>
      %add3A_997 = arith.addf %add3A_919, %select_n3A_996 : vector<16xf32>
      %eq3A_998 = arith.constant 11 : i32
      %eq3A_999 = vector.broadcast %eq3A_998 : i32 to vector<16xi32>
      %eq3A_1000 = arith.cmpi eq, %get3A_942, %eq3A_999 : vector<16xi32>
      %select_n3A_1001 = arith.select %eq3A_1000, %broadcast_in_dim3A_5, %broadcast_in_dim3A_3 : vector<16xi1>, vector<16xf32>
      %add3A_1002 = arith.addf %add3A_924, %select_n3A_1001 : vector<16xf32>
      %eq3A_1003 = arith.constant 12 : i32
      %eq3A_1004 = vector.broadcast %eq3A_1003 : i32 to vector<16xi32>
      %eq3A_1005 = arith.cmpi eq, %get3A_942, %eq3A_1004 : vector<16xi32>
      %select_n3A_1006 = arith.select %eq3A_1005, %broadcast_in_dim3A_5, %broadcast_in_dim3A_3 : vector<16xi1>, vector<16xf32>
      %add3A_1007 = arith.addf %add3A_929, %select_n3A_1006 : vector<16xf32>
      %eq3A_1008 = arith.constant 13 : i32
      %eq3A_1009 = vector.broadcast %eq3A_1008 : i32 to vector<16xi32>
      %eq3A_1010 = arith.cmpi eq, %get3A_942, %eq3A_1009 : vector<16xi32>
      %select_n3A_1011 = arith.select %eq3A_1010, %broadcast_in_dim3A_5, %broadcast_in_dim3A_3 : vector<16xi1>, vector<16xf32>
      %add3A_1012 = arith.addf %add3A_934, %select_n3A_1011 : vector<16xf32>
      %eq3A_1013 = arith.constant 14 : i32
      %eq3A_1014 = vector.broadcast %eq3A_1013 : i32 to vector<16xi32>
      %eq3A_1015 = arith.cmpi eq, %get3A_942, %eq3A_1014 : vector<16xi32>
      %select_n3A_1016 = arith.select %eq3A_1015, %broadcast_in_dim3A_5, %broadcast_in_dim3A_3 : vector<16xi1>, vector<16xf32>
      %add3A_1017 = arith.addf %add3A_939, %select_n3A_1016 : vector<16xf32>
      %get3A_1018 = arith.constant 208 : index
      %get3A_1019 = tpu.vector_load %arg4[%get3A_1018] {strides = array<i32>} : memref<448xi32, #tpu.memory_space<vmem>>, vector<16xi32>,
      %get3A_1020 = vector.shape_cast %get3A_1019 : vector<16xi32> to vector<16xi32>
      %eq3A_1021 = arith.constant 0 : i32
      %eq3A_1022 = vector.broadcast %eq3A_1021 : i32 to vector<16xi32>
      %eq3A_1023 = arith.cmpi eq, %get3A_1020, %eq3A_1022 : vector<16xi32>
      %select_n3A_1024 = arith.select %eq3A_1023, %broadcast_in_dim3A_5, %broadcast_in_dim3A_3 : vector<16xi1>, vector<16xf32>
      %add3A_1025 = arith.addf %add3A_947, %select_n3A_1024 : vector<16xf32>
      %eq3A_1026 = arith.constant 1 : i32
      %eq3A_1027 = vector.broadcast %eq3A_1026 : i32 to vector<16xi32>
      %eq3A_1028 = arith.cmpi eq, %get3A_1020, %eq3A_1027 : vector<16xi32>
      %select_n3A_1029 = arith.select %eq3A_1028, %broadcast_in_dim3A_5, %broadcast_in_dim3A_3 : vector<16xi1>, vector<16xf32>
      %add3A_1030 = arith.addf %add3A_952, %select_n3A_1029 : vector<16xf32>
      %eq3A_1031 = arith.constant 2 : i32
      %eq3A_1032 = vector.broadcast %eq3A_1031 : i32 to vector<16xi32>
      %eq3A_1033 = arith.cmpi eq, %get3A_1020, %eq3A_1032 : vector<16xi32>
      %select_n3A_1034 = arith.select %eq3A_1033, %broadcast_in_dim3A_5, %broadcast_in_dim3A_3 : vector<16xi1>, vector<16xf32>
      %add3A_1035 = arith.addf %add3A_957, %select_n3A_1034 : vector<16xf32>
      %eq3A_1036 = arith.constant 3 : i32
      %eq3A_1037 = vector.broadcast %eq3A_1036 : i32 to vector<16xi32>
      %eq3A_1038 = arith.cmpi eq, %get3A_1020, %eq3A_1037 : vector<16xi32>
      %select_n3A_1039 = arith.select %eq3A_1038, %broadcast_in_dim3A_5, %broadcast_in_dim3A_3 : vector<16xi1>, vector<16xf32>
      %add3A_1040 = arith.addf %add3A_962, %select_n3A_1039 : vector<16xf32>
      %eq3A_1041 = arith.constant 4 : i32
      %eq3A_1042 = vector.broadcast %eq3A_1041 : i32 to vector<16xi32>
      %eq3A_1043 = arith.cmpi eq, %get3A_1020, %eq3A_1042 : vector<16xi32>
      %select_n3A_1044 = arith.select %eq3A_1043, %broadcast_in_dim3A_5, %broadcast_in_dim3A_3 : vector<16xi1>, vector<16xf32>
      %add3A_1045 = arith.addf %add3A_967, %select_n3A_1044 : vector<16xf32>
      %eq3A_1046 = arith.constant 5 : i32
      %eq3A_1047 = vector.broadcast %eq3A_1046 : i32 to vector<16xi32>
      %eq3A_1048 = arith.cmpi eq, %get3A_1020, %eq3A_1047 : vector<16xi32>
      %select_n3A_1049 = arith.select %eq3A_1048, %broadcast_in_dim3A_5, %broadcast_in_dim3A_3 : vector<16xi1>, vector<16xf32>
      %add3A_1050 = arith.addf %add3A_972, %select_n3A_1049 : vector<16xf32>
      %eq3A_1051 = arith.constant 6 : i32
      %eq3A_1052 = vector.broadcast %eq3A_1051 : i32 to vector<16xi32>
      %eq3A_1053 = arith.cmpi eq, %get3A_1020, %eq3A_1052 : vector<16xi32>
      %select_n3A_1054 = arith.select %eq3A_1053, %broadcast_in_dim3A_5, %broadcast_in_dim3A_3 : vector<16xi1>, vector<16xf32>
      %add3A_1055 = arith.addf %add3A_977, %select_n3A_1054 : vector<16xf32>
      %eq3A_1056 = arith.constant 7 : i32
      %eq3A_1057 = vector.broadcast %eq3A_1056 : i32 to vector<16xi32>
      %eq3A_1058 = arith.cmpi eq, %get3A_1020, %eq3A_1057 : vector<16xi32>
      %select_n3A_1059 = arith.select %eq3A_1058, %broadcast_in_dim3A_5, %broadcast_in_dim3A_3 : vector<16xi1>, vector<16xf32>
      %add3A_1060 = arith.addf %add3A_982, %select_n3A_1059 : vector<16xf32>
      %eq3A_1061 = arith.constant 8 : i32
      %eq3A_1062 = vector.broadcast %eq3A_1061 : i32 to vector<16xi32>
      %eq3A_1063 = arith.cmpi eq, %get3A_1020, %eq3A_1062 : vector<16xi32>
      %select_n3A_1064 = arith.select %eq3A_1063, %broadcast_in_dim3A_5, %broadcast_in_dim3A_3 : vector<16xi1>, vector<16xf32>
      %add3A_1065 = arith.addf %add3A_987, %select_n3A_1064 : vector<16xf32>
      %eq3A_1066 = arith.constant 9 : i32
      %eq3A_1067 = vector.broadcast %eq3A_1066 : i32 to vector<16xi32>
      %eq3A_1068 = arith.cmpi eq, %get3A_1020, %eq3A_1067 : vector<16xi32>
      %select_n3A_1069 = arith.select %eq3A_1068, %broadcast_in_dim3A_5, %broadcast_in_dim3A_3 : vector<16xi1>, vector<16xf32>
      %add3A_1070 = arith.addf %add3A_992, %select_n3A_1069 : vector<16xf32>
      %eq3A_1071 = arith.constant 10 : i32
      %eq3A_1072 = vector.broadcast %eq3A_1071 : i32 to vector<16xi32>
      %eq3A_1073 = arith.cmpi eq, %get3A_1020, %eq3A_1072 : vector<16xi32>
      %select_n3A_1074 = arith.select %eq3A_1073, %broadcast_in_dim3A_5, %broadcast_in_dim3A_3 : vector<16xi1>, vector<16xf32>
      %add3A_1075 = arith.addf %add3A_997, %select_n3A_1074 : vector<16xf32>
      %eq3A_1076 = arith.constant 11 : i32
      %eq3A_1077 = vector.broadcast %eq3A_1076 : i32 to vector<16xi32>
      %eq3A_1078 = arith.cmpi eq, %get3A_1020, %eq3A_1077 : vector<16xi32>
      %select_n3A_1079 = arith.select %eq3A_1078, %broadcast_in_dim3A_5, %broadcast_in_dim3A_3 : vector<16xi1>, vector<16xf32>
      %add3A_1080 = arith.addf %add3A_1002, %select_n3A_1079 : vector<16xf32>
      %eq3A_1081 = arith.constant 12 : i32
      %eq3A_1082 = vector.broadcast %eq3A_1081 : i32 to vector<16xi32>
      %eq3A_1083 = arith.cmpi eq, %get3A_1020, %eq3A_1082 : vector<16xi32>
      %select_n3A_1084 = arith.select %eq3A_1083, %broadcast_in_dim3A_5, %broadcast_in_dim3A_3 : vector<16xi1>, vector<16xf32>
      %add3A_1085 = arith.addf %add3A_1007, %select_n3A_1084 : vector<16xf32>
      %eq3A_1086 = arith.constant 13 : i32
      %eq3A_1087 = vector.broadcast %eq3A_1086 : i32 to vector<16xi32>
      %eq3A_1088 = arith.cmpi eq, %get3A_1020, %eq3A_1087 : vector<16xi32>
      %select_n3A_1089 = arith.select %eq3A_1088, %broadcast_in_dim3A_5, %broadcast_in_dim3A_3 : vector<16xi1>, vector<16xf32>
      %add3A_1090 = arith.addf %add3A_1012, %select_n3A_1089 : vector<16xf32>
      %eq3A_1091 = arith.constant 14 : i32
      %eq3A_1092 = vector.broadcast %eq3A_1091 : i32 to vector<16xi32>
      %eq3A_1093 = arith.cmpi eq, %get3A_1020, %eq3A_1092 : vector<16xi32>
      %select_n3A_1094 = arith.select %eq3A_1093, %broadcast_in_dim3A_5, %broadcast_in_dim3A_3 : vector<16xi1>, vector<16xf32>
      %add3A_1095 = arith.addf %add3A_1017, %select_n3A_1094 : vector<16xf32>
      %get3A_1096 = arith.constant 224 : index
      %get3A_1097 = tpu.vector_load %arg4[%get3A_1096] {strides = array<i32>} : memref<448xi32, #tpu.memory_space<vmem>>, vector<16xi32>,
      %get3A_1098 = vector.shape_cast %get3A_1097 : vector<16xi32> to vector<16xi32>
      %eq3A_1099 = arith.constant 0 : i32
      %eq3A_1100 = vector.broadcast %eq3A_1099 : i32 to vector<16xi32>
      %eq3A_1101 = arith.cmpi eq, %get3A_1098, %eq3A_1100 : vector<16xi32>
      %select_n3A_1102 = arith.select %eq3A_1101, %broadcast_in_dim3A_5, %broadcast_in_dim3A_3 : vector<16xi1>, vector<16xf32>
      %add3A_1103 = arith.addf %add3A_1025, %select_n3A_1102 : vector<16xf32>
      %eq3A_1104 = arith.constant 1 : i32
      %eq3A_1105 = vector.broadcast %eq3A_1104 : i32 to vector<16xi32>
      %eq3A_1106 = arith.cmpi eq, %get3A_1098, %eq3A_1105 : vector<16xi32>
      %select_n3A_1107 = arith.select %eq3A_1106, %broadcast_in_dim3A_5, %broadcast_in_dim3A_3 : vector<16xi1>, vector<16xf32>
      %add3A_1108 = arith.addf %add3A_1030, %select_n3A_1107 : vector<16xf32>
      %eq3A_1109 = arith.constant 2 : i32
      %eq3A_1110 = vector.broadcast %eq3A_1109 : i32 to vector<16xi32>
      %eq3A_1111 = arith.cmpi eq, %get3A_1098, %eq3A_1110 : vector<16xi32>
      %select_n3A_1112 = arith.select %eq3A_1111, %broadcast_in_dim3A_5, %broadcast_in_dim3A_3 : vector<16xi1>, vector<16xf32>
      %add3A_1113 = arith.addf %add3A_1035, %select_n3A_1112 : vector<16xf32>
      %eq3A_1114 = arith.constant 3 : i32
      %eq3A_1115 = vector.broadcast %eq3A_1114 : i32 to vector<16xi32>
      %eq3A_1116 = arith.cmpi eq, %get3A_1098, %eq3A_1115 : vector<16xi32>
      %select_n3A_1117 = arith.select %eq3A_1116, %broadcast_in_dim3A_5, %broadcast_in_dim3A_3 : vector<16xi1>, vector<16xf32>
      %add3A_1118 = arith.addf %add3A_1040, %select_n3A_1117 : vector<16xf32>
      %eq3A_1119 = arith.constant 4 : i32
      %eq3A_1120 = vector.broadcast %eq3A_1119 : i32 to vector<16xi32>
      %eq3A_1121 = arith.cmpi eq, %get3A_1098, %eq3A_1120 : vector<16xi32>
      %select_n3A_1122 = arith.select %eq3A_1121, %broadcast_in_dim3A_5, %broadcast_in_dim3A_3 : vector<16xi1>, vector<16xf32>
      %add3A_1123 = arith.addf %add3A_1045, %select_n3A_1122 : vector<16xf32>
      %eq3A_1124 = arith.constant 5 : i32
      %eq3A_1125 = vector.broadcast %eq3A_1124 : i32 to vector<16xi32>
      %eq3A_1126 = arith.cmpi eq, %get3A_1098, %eq3A_1125 : vector<16xi32>
      %select_n3A_1127 = arith.select %eq3A_1126, %broadcast_in_dim3A_5, %broadcast_in_dim3A_3 : vector<16xi1>, vector<16xf32>
      %add3A_1128 = arith.addf %add3A_1050, %select_n3A_1127 : vector<16xf32>
      %eq3A_1129 = arith.constant 6 : i32
      %eq3A_1130 = vector.broadcast %eq3A_1129 : i32 to vector<16xi32>
      %eq3A_1131 = arith.cmpi eq, %get3A_1098, %eq3A_1130 : vector<16xi32>
      %select_n3A_1132 = arith.select %eq3A_1131, %broadcast_in_dim3A_5, %broadcast_in_dim3A_3 : vector<16xi1>, vector<16xf32>
      %add3A_1133 = arith.addf %add3A_1055, %select_n3A_1132 : vector<16xf32>
      %eq3A_1134 = arith.constant 7 : i32
      %eq3A_1135 = vector.broadcast %eq3A_1134 : i32 to vector<16xi32>
      %eq3A_1136 = arith.cmpi eq, %get3A_1098, %eq3A_1135 : vector<16xi32>
      %select_n3A_1137 = arith.select %eq3A_1136, %broadcast_in_dim3A_5, %broadcast_in_dim3A_3 : vector<16xi1>, vector<16xf32>
      %add3A_1138 = arith.addf %add3A_1060, %select_n3A_1137 : vector<16xf32>
      %eq3A_1139 = arith.constant 8 : i32
      %eq3A_1140 = vector.broadcast %eq3A_1139 : i32 to vector<16xi32>
      %eq3A_1141 = arith.cmpi eq, %get3A_1098, %eq3A_1140 : vector<16xi32>
      %select_n3A_1142 = arith.select %eq3A_1141, %broadcast_in_dim3A_5, %broadcast_in_dim3A_3 : vector<16xi1>, vector<16xf32>
      %add3A_1143 = arith.addf %add3A_1065, %select_n3A_1142 : vector<16xf32>
      %eq3A_1144 = arith.constant 9 : i32
      %eq3A_1145 = vector.broadcast %eq3A_1144 : i32 to vector<16xi32>
      %eq3A_1146 = arith.cmpi eq, %get3A_1098, %eq3A_1145 : vector<16xi32>
      %select_n3A_1147 = arith.select %eq3A_1146, %broadcast_in_dim3A_5, %broadcast_in_dim3A_3 : vector<16xi1>, vector<16xf32>
      %add3A_1148 = arith.addf %add3A_1070, %select_n3A_1147 : vector<16xf32>
      %eq3A_1149 = arith.constant 10 : i32
      %eq3A_1150 = vector.broadcast %eq3A_1149 : i32 to vector<16xi32>
      %eq3A_1151 = arith.cmpi eq, %get3A_1098, %eq3A_1150 : vector<16xi32>
      %select_n3A_1152 = arith.select %eq3A_1151, %broadcast_in_dim3A_5, %broadcast_in_dim3A_3 : vector<16xi1>, vector<16xf32>
      %add3A_1153 = arith.addf %add3A_1075, %select_n3A_1152 : vector<16xf32>
      %eq3A_1154 = arith.constant 11 : i32
      %eq3A_1155 = vector.broadcast %eq3A_1154 : i32 to vector<16xi32>
      %eq3A_1156 = arith.cmpi eq, %get3A_1098, %eq3A_1155 : vector<16xi32>
      %select_n3A_1157 = arith.select %eq3A_1156, %broadcast_in_dim3A_5, %broadcast_in_dim3A_3 : vector<16xi1>, vector<16xf32>
      %add3A_1158 = arith.addf %add3A_1080, %select_n3A_1157 : vector<16xf32>
      %eq3A_1159 = arith.constant 12 : i32
      %eq3A_1160 = vector.broadcast %eq3A_1159 : i32 to vector<16xi32>
      %eq3A_1161 = arith.cmpi eq, %get3A_1098, %eq3A_1160 : vector<16xi32>
      %select_n3A_1162 = arith.select %eq3A_1161, %broadcast_in_dim3A_5, %broadcast_in_dim3A_3 : vector<16xi1>, vector<16xf32>
      %add3A_1163 = arith.addf %add3A_1085, %select_n3A_1162 : vector<16xf32>
      %eq3A_1164 = arith.constant 13 : i32
      %eq3A_1165 = vector.broadcast %eq3A_1164 : i32 to vector<16xi32>
      %eq3A_1166 = arith.cmpi eq, %get3A_1098, %eq3A_1165 : vector<16xi32>
      %select_n3A_1167 = arith.select %eq3A_1166, %broadcast_in_dim3A_5, %broadcast_in_dim3A_3 : vector<16xi1>, vector<16xf32>
      %add3A_1168 = arith.addf %add3A_1090, %select_n3A_1167 : vector<16xf32>
      %eq3A_1169 = arith.constant 14 : i32
      %eq3A_1170 = vector.broadcast %eq3A_1169 : i32 to vector<16xi32>
      %eq3A_1171 = arith.cmpi eq, %get3A_1098, %eq3A_1170 : vector<16xi32>
      %select_n3A_1172 = arith.select %eq3A_1171, %broadcast_in_dim3A_5, %broadcast_in_dim3A_3 : vector<16xi1>, vector<16xf32>
      %add3A_1173 = arith.addf %add3A_1095, %select_n3A_1172 : vector<16xf32>
      %get3A_1174 = arith.constant 240 : index
      %get3A_1175 = tpu.vector_load %arg4[%get3A_1174] {strides = array<i32>} : memref<448xi32, #tpu.memory_space<vmem>>, vector<16xi32>,
      %get3A_1176 = vector.shape_cast %get3A_1175 : vector<16xi32> to vector<16xi32>
      %eq3A_1177 = arith.constant 0 : i32
      %eq3A_1178 = vector.broadcast %eq3A_1177 : i32 to vector<16xi32>
      %eq3A_1179 = arith.cmpi eq, %get3A_1176, %eq3A_1178 : vector<16xi32>
      %select_n3A_1180 = arith.select %eq3A_1179, %broadcast_in_dim3A_5, %broadcast_in_dim3A_3 : vector<16xi1>, vector<16xf32>
      %add3A_1181 = arith.addf %add3A_1103, %select_n3A_1180 : vector<16xf32>
      %eq3A_1182 = arith.constant 1 : i32
      %eq3A_1183 = vector.broadcast %eq3A_1182 : i32 to vector<16xi32>
      %eq3A_1184 = arith.cmpi eq, %get3A_1176, %eq3A_1183 : vector<16xi32>
      %select_n3A_1185 = arith.select %eq3A_1184, %broadcast_in_dim3A_5, %broadcast_in_dim3A_3 : vector<16xi1>, vector<16xf32>
      %add3A_1186 = arith.addf %add3A_1108, %select_n3A_1185 : vector<16xf32>
      %eq3A_1187 = arith.constant 2 : i32
      %eq3A_1188 = vector.broadcast %eq3A_1187 : i32 to vector<16xi32>
      %eq3A_1189 = arith.cmpi eq, %get3A_1176, %eq3A_1188 : vector<16xi32>
      %select_n3A_1190 = arith.select %eq3A_1189, %broadcast_in_dim3A_5, %broadcast_in_dim3A_3 : vector<16xi1>, vector<16xf32>
      %add3A_1191 = arith.addf %add3A_1113, %select_n3A_1190 : vector<16xf32>
      %eq3A_1192 = arith.constant 3 : i32
      %eq3A_1193 = vector.broadcast %eq3A_1192 : i32 to vector<16xi32>
      %eq3A_1194 = arith.cmpi eq, %get3A_1176, %eq3A_1193 : vector<16xi32>
      %select_n3A_1195 = arith.select %eq3A_1194, %broadcast_in_dim3A_5, %broadcast_in_dim3A_3 : vector<16xi1>, vector<16xf32>
      %add3A_1196 = arith.addf %add3A_1118, %select_n3A_1195 : vector<16xf32>
      %eq3A_1197 = arith.constant 4 : i32
      %eq3A_1198 = vector.broadcast %eq3A_1197 : i32 to vector<16xi32>
      %eq3A_1199 = arith.cmpi eq, %get3A_1176, %eq3A_1198 : vector<16xi32>
      %select_n3A_1200 = arith.select %eq3A_1199, %broadcast_in_dim3A_5, %broadcast_in_dim3A_3 : vector<16xi1>, vector<16xf32>
      %add3A_1201 = arith.addf %add3A_1123, %select_n3A_1200 : vector<16xf32>
      %eq3A_1202 = arith.constant 5 : i32
      %eq3A_1203 = vector.broadcast %eq3A_1202 : i32 to vector<16xi32>
      %eq3A_1204 = arith.cmpi eq, %get3A_1176, %eq3A_1203 : vector<16xi32>
      %select_n3A_1205 = arith.select %eq3A_1204, %broadcast_in_dim3A_5, %broadcast_in_dim3A_3 : vector<16xi1>, vector<16xf32>
      %add3A_1206 = arith.addf %add3A_1128, %select_n3A_1205 : vector<16xf32>
      %eq3A_1207 = arith.constant 6 : i32
      %eq3A_1208 = vector.broadcast %eq3A_1207 : i32 to vector<16xi32>
      %eq3A_1209 = arith.cmpi eq, %get3A_1176, %eq3A_1208 : vector<16xi32>
      %select_n3A_1210 = arith.select %eq3A_1209, %broadcast_in_dim3A_5, %broadcast_in_dim3A_3 : vector<16xi1>, vector<16xf32>
      %add3A_1211 = arith.addf %add3A_1133, %select_n3A_1210 : vector<16xf32>
      %eq3A_1212 = arith.constant 7 : i32
      %eq3A_1213 = vector.broadcast %eq3A_1212 : i32 to vector<16xi32>
      %eq3A_1214 = arith.cmpi eq, %get3A_1176, %eq3A_1213 : vector<16xi32>
      %select_n3A_1215 = arith.select %eq3A_1214, %broadcast_in_dim3A_5, %broadcast_in_dim3A_3 : vector<16xi1>, vector<16xf32>
      %add3A_1216 = arith.addf %add3A_1138, %select_n3A_1215 : vector<16xf32>
      %eq3A_1217 = arith.constant 8 : i32
      %eq3A_1218 = vector.broadcast %eq3A_1217 : i32 to vector<16xi32>
      %eq3A_1219 = arith.cmpi eq, %get3A_1176, %eq3A_1218 : vector<16xi32>
      %select_n3A_1220 = arith.select %eq3A_1219, %broadcast_in_dim3A_5, %broadcast_in_dim3A_3 : vector<16xi1>, vector<16xf32>
      %add3A_1221 = arith.addf %add3A_1143, %select_n3A_1220 : vector<16xf32>
      %eq3A_1222 = arith.constant 9 : i32
      %eq3A_1223 = vector.broadcast %eq3A_1222 : i32 to vector<16xi32>
      %eq3A_1224 = arith.cmpi eq, %get3A_1176, %eq3A_1223 : vector<16xi32>
      %select_n3A_1225 = arith.select %eq3A_1224, %broadcast_in_dim3A_5, %broadcast_in_dim3A_3 : vector<16xi1>, vector<16xf32>
      %add3A_1226 = arith.addf %add3A_1148, %select_n3A_1225 : vector<16xf32>
      %eq3A_1227 = arith.constant 10 : i32
      %eq3A_1228 = vector.broadcast %eq3A_1227 : i32 to vector<16xi32>
      %eq3A_1229 = arith.cmpi eq, %get3A_1176, %eq3A_1228 : vector<16xi32>
      %select_n3A_1230 = arith.select %eq3A_1229, %broadcast_in_dim3A_5, %broadcast_in_dim3A_3 : vector<16xi1>, vector<16xf32>
      %add3A_1231 = arith.addf %add3A_1153, %select_n3A_1230 : vector<16xf32>
      %eq3A_1232 = arith.constant 11 : i32
      %eq3A_1233 = vector.broadcast %eq3A_1232 : i32 to vector<16xi32>
      %eq3A_1234 = arith.cmpi eq, %get3A_1176, %eq3A_1233 : vector<16xi32>
      %select_n3A_1235 = arith.select %eq3A_1234, %broadcast_in_dim3A_5, %broadcast_in_dim3A_3 : vector<16xi1>, vector<16xf32>
      %add3A_1236 = arith.addf %add3A_1158, %select_n3A_1235 : vector<16xf32>
      %eq3A_1237 = arith.constant 12 : i32
      %eq3A_1238 = vector.broadcast %eq3A_1237 : i32 to vector<16xi32>
      %eq3A_1239 = arith.cmpi eq, %get3A_1176, %eq3A_1238 : vector<16xi32>
      %select_n3A_1240 = arith.select %eq3A_1239, %broadcast_in_dim3A_5, %broadcast_in_dim3A_3 : vector<16xi1>, vector<16xf32>
      %add3A_1241 = arith.addf %add3A_1163, %select_n3A_1240 : vector<16xf32>
      %eq3A_1242 = arith.constant 13 : i32
      %eq3A_1243 = vector.broadcast %eq3A_1242 : i32 to vector<16xi32>
      %eq3A_1244 = arith.cmpi eq, %get3A_1176, %eq3A_1243 : vector<16xi32>
      %select_n3A_1245 = arith.select %eq3A_1244, %broadcast_in_dim3A_5, %broadcast_in_dim3A_3 : vector<16xi1>, vector<16xf32>
      %add3A_1246 = arith.addf %add3A_1168, %select_n3A_1245 : vector<16xf32>
      %eq3A_1247 = arith.constant 14 : i32
      %eq3A_1248 = vector.broadcast %eq3A_1247 : i32 to vector<16xi32>
      %eq3A_1249 = arith.cmpi eq, %get3A_1176, %eq3A_1248 : vector<16xi32>
      %select_n3A_1250 = arith.select %eq3A_1249, %broadcast_in_dim3A_5, %broadcast_in_dim3A_3 : vector<16xi1>, vector<16xf32>
      %add3A_1251 = arith.addf %add3A_1173, %select_n3A_1250 : vector<16xf32>
      %get3A_1252 = arith.constant 256 : index
      %get3A_1253 = tpu.vector_load %arg4[%get3A_1252] {strides = array<i32>} : memref<448xi32, #tpu.memory_space<vmem>>, vector<16xi32>,
      %get3A_1254 = vector.shape_cast %get3A_1253 : vector<16xi32> to vector<16xi32>
      %eq3A_1255 = arith.constant 0 : i32
      %eq3A_1256 = vector.broadcast %eq3A_1255 : i32 to vector<16xi32>
      %eq3A_1257 = arith.cmpi eq, %get3A_1254, %eq3A_1256 : vector<16xi32>
      %select_n3A_1258 = arith.select %eq3A_1257, %broadcast_in_dim3A_5, %broadcast_in_dim3A_3 : vector<16xi1>, vector<16xf32>
      %add3A_1259 = arith.addf %add3A_1181, %select_n3A_1258 : vector<16xf32>
      %eq3A_1260 = arith.constant 1 : i32
      %eq3A_1261 = vector.broadcast %eq3A_1260 : i32 to vector<16xi32>
      %eq3A_1262 = arith.cmpi eq, %get3A_1254, %eq3A_1261 : vector<16xi32>
      %select_n3A_1263 = arith.select %eq3A_1262, %broadcast_in_dim3A_5, %broadcast_in_dim3A_3 : vector<16xi1>, vector<16xf32>
      %add3A_1264 = arith.addf %add3A_1186, %select_n3A_1263 : vector<16xf32>
      %eq3A_1265 = arith.constant 2 : i32
      %eq3A_1266 = vector.broadcast %eq3A_1265 : i32 to vector<16xi32>
      %eq3A_1267 = arith.cmpi eq, %get3A_1254, %eq3A_1266 : vector<16xi32>
      %select_n3A_1268 = arith.select %eq3A_1267, %broadcast_in_dim3A_5, %broadcast_in_dim3A_3 : vector<16xi1>, vector<16xf32>
      %add3A_1269 = arith.addf %add3A_1191, %select_n3A_1268 : vector<16xf32>
      %eq3A_1270 = arith.constant 3 : i32
      %eq3A_1271 = vector.broadcast %eq3A_1270 : i32 to vector<16xi32>
      %eq3A_1272 = arith.cmpi eq, %get3A_1254, %eq3A_1271 : vector<16xi32>
      %select_n3A_1273 = arith.select %eq3A_1272, %broadcast_in_dim3A_5, %broadcast_in_dim3A_3 : vector<16xi1>, vector<16xf32>
      %add3A_1274 = arith.addf %add3A_1196, %select_n3A_1273 : vector<16xf32>
      %eq3A_1275 = arith.constant 4 : i32
      %eq3A_1276 = vector.broadcast %eq3A_1275 : i32 to vector<16xi32>
      %eq3A_1277 = arith.cmpi eq, %get3A_1254, %eq3A_1276 : vector<16xi32>
      %select_n3A_1278 = arith.select %eq3A_1277, %broadcast_in_dim3A_5, %broadcast_in_dim3A_3 : vector<16xi1>, vector<16xf32>
      %add3A_1279 = arith.addf %add3A_1201, %select_n3A_1278 : vector<16xf32>
      %eq3A_1280 = arith.constant 5 : i32
      %eq3A_1281 = vector.broadcast %eq3A_1280 : i32 to vector<16xi32>
      %eq3A_1282 = arith.cmpi eq, %get3A_1254, %eq3A_1281 : vector<16xi32>
      %select_n3A_1283 = arith.select %eq3A_1282, %broadcast_in_dim3A_5, %broadcast_in_dim3A_3 : vector<16xi1>, vector<16xf32>
      %add3A_1284 = arith.addf %add3A_1206, %select_n3A_1283 : vector<16xf32>
      %eq3A_1285 = arith.constant 6 : i32
      %eq3A_1286 = vector.broadcast %eq3A_1285 : i32 to vector<16xi32>
      %eq3A_1287 = arith.cmpi eq, %get3A_1254, %eq3A_1286 : vector<16xi32>
      %select_n3A_1288 = arith.select %eq3A_1287, %broadcast_in_dim3A_5, %broadcast_in_dim3A_3 : vector<16xi1>, vector<16xf32>
      %add3A_1289 = arith.addf %add3A_1211, %select_n3A_1288 : vector<16xf32>
      %eq3A_1290 = arith.constant 7 : i32
      %eq3A_1291 = vector.broadcast %eq3A_1290 : i32 to vector<16xi32>
      %eq3A_1292 = arith.cmpi eq, %get3A_1254, %eq3A_1291 : vector<16xi32>
      %select_n3A_1293 = arith.select %eq3A_1292, %broadcast_in_dim3A_5, %broadcast_in_dim3A_3 : vector<16xi1>, vector<16xf32>
      %add3A_1294 = arith.addf %add3A_1216, %select_n3A_1293 : vector<16xf32>
      %eq3A_1295 = arith.constant 8 : i32
      %eq3A_1296 = vector.broadcast %eq3A_1295 : i32 to vector<16xi32>
      %eq3A_1297 = arith.cmpi eq, %get3A_1254, %eq3A_1296 : vector<16xi32>
      %select_n3A_1298 = arith.select %eq3A_1297, %broadcast_in_dim3A_5, %broadcast_in_dim3A_3 : vector<16xi1>, vector<16xf32>
      %add3A_1299 = arith.addf %add3A_1221, %select_n3A_1298 : vector<16xf32>
      %eq3A_1300 = arith.constant 9 : i32
      %eq3A_1301 = vector.broadcast %eq3A_1300 : i32 to vector<16xi32>
      %eq3A_1302 = arith.cmpi eq, %get3A_1254, %eq3A_1301 : vector<16xi32>
      %select_n3A_1303 = arith.select %eq3A_1302, %broadcast_in_dim3A_5, %broadcast_in_dim3A_3 : vector<16xi1>, vector<16xf32>
      %add3A_1304 = arith.addf %add3A_1226, %select_n3A_1303 : vector<16xf32>
      %eq3A_1305 = arith.constant 10 : i32
      %eq3A_1306 = vector.broadcast %eq3A_1305 : i32 to vector<16xi32>
      %eq3A_1307 = arith.cmpi eq, %get3A_1254, %eq3A_1306 : vector<16xi32>
      %select_n3A_1308 = arith.select %eq3A_1307, %broadcast_in_dim3A_5, %broadcast_in_dim3A_3 : vector<16xi1>, vector<16xf32>
      %add3A_1309 = arith.addf %add3A_1231, %select_n3A_1308 : vector<16xf32>
      %eq3A_1310 = arith.constant 11 : i32
      %eq3A_1311 = vector.broadcast %eq3A_1310 : i32 to vector<16xi32>
      %eq3A_1312 = arith.cmpi eq, %get3A_1254, %eq3A_1311 : vector<16xi32>
      %select_n3A_1313 = arith.select %eq3A_1312, %broadcast_in_dim3A_5, %broadcast_in_dim3A_3 : vector<16xi1>, vector<16xf32>
      %add3A_1314 = arith.addf %add3A_1236, %select_n3A_1313 : vector<16xf32>
      %eq3A_1315 = arith.constant 12 : i32
      %eq3A_1316 = vector.broadcast %eq3A_1315 : i32 to vector<16xi32>
      %eq3A_1317 = arith.cmpi eq, %get3A_1254, %eq3A_1316 : vector<16xi32>
      %select_n3A_1318 = arith.select %eq3A_1317, %broadcast_in_dim3A_5, %broadcast_in_dim3A_3 : vector<16xi1>, vector<16xf32>
      %add3A_1319 = arith.addf %add3A_1241, %select_n3A_1318 : vector<16xf32>
      %eq3A_1320 = arith.constant 13 : i32
      %eq3A_1321 = vector.broadcast %eq3A_1320 : i32 to vector<16xi32>
      %eq3A_1322 = arith.cmpi eq, %get3A_1254, %eq3A_1321 : vector<16xi32>
      %select_n3A_1323 = arith.select %eq3A_1322, %broadcast_in_dim3A_5, %broadcast_in_dim3A_3 : vector<16xi1>, vector<16xf32>
      %add3A_1324 = arith.addf %add3A_1246, %select_n3A_1323 : vector<16xf32>
      %eq3A_1325 = arith.constant 14 : i32
      %eq3A_1326 = vector.broadcast %eq3A_1325 : i32 to vector<16xi32>
      %eq3A_1327 = arith.cmpi eq, %get3A_1254, %eq3A_1326 : vector<16xi32>
      %select_n3A_1328 = arith.select %eq3A_1327, %broadcast_in_dim3A_5, %broadcast_in_dim3A_3 : vector<16xi1>, vector<16xf32>
      %add3A_1329 = arith.addf %add3A_1251, %select_n3A_1328 : vector<16xf32>
      %get3A_1330 = arith.constant 272 : index
      %get3A_1331 = tpu.vector_load %arg4[%get3A_1330] {strides = array<i32>} : memref<448xi32, #tpu.memory_space<vmem>>, vector<16xi32>,
      %get3A_1332 = vector.shape_cast %get3A_1331 : vector<16xi32> to vector<16xi32>
      %eq3A_1333 = arith.constant 0 : i32
      %eq3A_1334 = vector.broadcast %eq3A_1333 : i32 to vector<16xi32>
      %eq3A_1335 = arith.cmpi eq, %get3A_1332, %eq3A_1334 : vector<16xi32>
      %select_n3A_1336 = arith.select %eq3A_1335, %broadcast_in_dim3A_5, %broadcast_in_dim3A_3 : vector<16xi1>, vector<16xf32>
      %add3A_1337 = arith.addf %add3A_1259, %select_n3A_1336 : vector<16xf32>
      %eq3A_1338 = arith.constant 1 : i32
      %eq3A_1339 = vector.broadcast %eq3A_1338 : i32 to vector<16xi32>
      %eq3A_1340 = arith.cmpi eq, %get3A_1332, %eq3A_1339 : vector<16xi32>
      %select_n3A_1341 = arith.select %eq3A_1340, %broadcast_in_dim3A_5, %broadcast_in_dim3A_3 : vector<16xi1>, vector<16xf32>
      %add3A_1342 = arith.addf %add3A_1264, %select_n3A_1341 : vector<16xf32>
      %eq3A_1343 = arith.constant 2 : i32
      %eq3A_1344 = vector.broadcast %eq3A_1343 : i32 to vector<16xi32>
      %eq3A_1345 = arith.cmpi eq, %get3A_1332, %eq3A_1344 : vector<16xi32>
      %select_n3A_1346 = arith.select %eq3A_1345, %broadcast_in_dim3A_5, %broadcast_in_dim3A_3 : vector<16xi1>, vector<16xf32>
      %add3A_1347 = arith.addf %add3A_1269, %select_n3A_1346 : vector<16xf32>
      %eq3A_1348 = arith.constant 3 : i32
      %eq3A_1349 = vector.broadcast %eq3A_1348 : i32 to vector<16xi32>
      %eq3A_1350 = arith.cmpi eq, %get3A_1332, %eq3A_1349 : vector<16xi32>
      %select_n3A_1351 = arith.select %eq3A_1350, %broadcast_in_dim3A_5, %broadcast_in_dim3A_3 : vector<16xi1>, vector<16xf32>
      %add3A_1352 = arith.addf %add3A_1274, %select_n3A_1351 : vector<16xf32>
      %eq3A_1353 = arith.constant 4 : i32
      %eq3A_1354 = vector.broadcast %eq3A_1353 : i32 to vector<16xi32>
      %eq3A_1355 = arith.cmpi eq, %get3A_1332, %eq3A_1354 : vector<16xi32>
      %select_n3A_1356 = arith.select %eq3A_1355, %broadcast_in_dim3A_5, %broadcast_in_dim3A_3 : vector<16xi1>, vector<16xf32>
      %add3A_1357 = arith.addf %add3A_1279, %select_n3A_1356 : vector<16xf32>
      %eq3A_1358 = arith.constant 5 : i32
      %eq3A_1359 = vector.broadcast %eq3A_1358 : i32 to vector<16xi32>
      %eq3A_1360 = arith.cmpi eq, %get3A_1332, %eq3A_1359 : vector<16xi32>
      %select_n3A_1361 = arith.select %eq3A_1360, %broadcast_in_dim3A_5, %broadcast_in_dim3A_3 : vector<16xi1>, vector<16xf32>
      %add3A_1362 = arith.addf %add3A_1284, %select_n3A_1361 : vector<16xf32>
      %eq3A_1363 = arith.constant 6 : i32
      %eq3A_1364 = vector.broadcast %eq3A_1363 : i32 to vector<16xi32>
      %eq3A_1365 = arith.cmpi eq, %get3A_1332, %eq3A_1364 : vector<16xi32>
      %select_n3A_1366 = arith.select %eq3A_1365, %broadcast_in_dim3A_5, %broadcast_in_dim3A_3 : vector<16xi1>, vector<16xf32>
      %add3A_1367 = arith.addf %add3A_1289, %select_n3A_1366 : vector<16xf32>
      %eq3A_1368 = arith.constant 7 : i32
      %eq3A_1369 = vector.broadcast %eq3A_1368 : i32 to vector<16xi32>
      %eq3A_1370 = arith.cmpi eq, %get3A_1332, %eq3A_1369 : vector<16xi32>
      %select_n3A_1371 = arith.select %eq3A_1370, %broadcast_in_dim3A_5, %broadcast_in_dim3A_3 : vector<16xi1>, vector<16xf32>
      %add3A_1372 = arith.addf %add3A_1294, %select_n3A_1371 : vector<16xf32>
      %eq3A_1373 = arith.constant 8 : i32
      %eq3A_1374 = vector.broadcast %eq3A_1373 : i32 to vector<16xi32>
      %eq3A_1375 = arith.cmpi eq, %get3A_1332, %eq3A_1374 : vector<16xi32>
      %select_n3A_1376 = arith.select %eq3A_1375, %broadcast_in_dim3A_5, %broadcast_in_dim3A_3 : vector<16xi1>, vector<16xf32>
      %add3A_1377 = arith.addf %add3A_1299, %select_n3A_1376 : vector<16xf32>
      %eq3A_1378 = arith.constant 9 : i32
      %eq3A_1379 = vector.broadcast %eq3A_1378 : i32 to vector<16xi32>
      %eq3A_1380 = arith.cmpi eq, %get3A_1332, %eq3A_1379 : vector<16xi32>
      %select_n3A_1381 = arith.select %eq3A_1380, %broadcast_in_dim3A_5, %broadcast_in_dim3A_3 : vector<16xi1>, vector<16xf32>
      %add3A_1382 = arith.addf %add3A_1304, %select_n3A_1381 : vector<16xf32>
      %eq3A_1383 = arith.constant 10 : i32
      %eq3A_1384 = vector.broadcast %eq3A_1383 : i32 to vector<16xi32>
      %eq3A_1385 = arith.cmpi eq, %get3A_1332, %eq3A_1384 : vector<16xi32>
      %select_n3A_1386 = arith.select %eq3A_1385, %broadcast_in_dim3A_5, %broadcast_in_dim3A_3 : vector<16xi1>, vector<16xf32>
      %add3A_1387 = arith.addf %add3A_1309, %select_n3A_1386 : vector<16xf32>
      %eq3A_1388 = arith.constant 11 : i32
      %eq3A_1389 = vector.broadcast %eq3A_1388 : i32 to vector<16xi32>
      %eq3A_1390 = arith.cmpi eq, %get3A_1332, %eq3A_1389 : vector<16xi32>
      %select_n3A_1391 = arith.select %eq3A_1390, %broadcast_in_dim3A_5, %broadcast_in_dim3A_3 : vector<16xi1>, vector<16xf32>
      %add3A_1392 = arith.addf %add3A_1314, %select_n3A_1391 : vector<16xf32>
      %eq3A_1393 = arith.constant 12 : i32
      %eq3A_1394 = vector.broadcast %eq3A_1393 : i32 to vector<16xi32>
      %eq3A_1395 = arith.cmpi eq, %get3A_1332, %eq3A_1394 : vector<16xi32>
      %select_n3A_1396 = arith.select %eq3A_1395, %broadcast_in_dim3A_5, %broadcast_in_dim3A_3 : vector<16xi1>, vector<16xf32>
      %add3A_1397 = arith.addf %add3A_1319, %select_n3A_1396 : vector<16xf32>
      %eq3A_1398 = arith.constant 13 : i32
      %eq3A_1399 = vector.broadcast %eq3A_1398 : i32 to vector<16xi32>
      %eq3A_1400 = arith.cmpi eq, %get3A_1332, %eq3A_1399 : vector<16xi32>
      %select_n3A_1401 = arith.select %eq3A_1400, %broadcast_in_dim3A_5, %broadcast_in_dim3A_3 : vector<16xi1>, vector<16xf32>
      %add3A_1402 = arith.addf %add3A_1324, %select_n3A_1401 : vector<16xf32>
      %eq3A_1403 = arith.constant 14 : i32
      %eq3A_1404 = vector.broadcast %eq3A_1403 : i32 to vector<16xi32>
      %eq3A_1405 = arith.cmpi eq, %get3A_1332, %eq3A_1404 : vector<16xi32>
      %select_n3A_1406 = arith.select %eq3A_1405, %broadcast_in_dim3A_5, %broadcast_in_dim3A_3 : vector<16xi1>, vector<16xf32>
      %add3A_1407 = arith.addf %add3A_1329, %select_n3A_1406 : vector<16xf32>
      %get3A_1408 = arith.constant 288 : index
      %get3A_1409 = tpu.vector_load %arg4[%get3A_1408] {strides = array<i32>} : memref<448xi32, #tpu.memory_space<vmem>>, vector<16xi32>,
      %get3A_1410 = vector.shape_cast %get3A_1409 : vector<16xi32> to vector<16xi32>
      %eq3A_1411 = arith.constant 0 : i32
      %eq3A_1412 = vector.broadcast %eq3A_1411 : i32 to vector<16xi32>
      %eq3A_1413 = arith.cmpi eq, %get3A_1410, %eq3A_1412 : vector<16xi32>
      %select_n3A_1414 = arith.select %eq3A_1413, %broadcast_in_dim3A_5, %broadcast_in_dim3A_3 : vector<16xi1>, vector<16xf32>
      %add3A_1415 = arith.addf %add3A_1337, %select_n3A_1414 : vector<16xf32>
      %eq3A_1416 = arith.constant 1 : i32
      %eq3A_1417 = vector.broadcast %eq3A_1416 : i32 to vector<16xi32>
      %eq3A_1418 = arith.cmpi eq, %get3A_1410, %eq3A_1417 : vector<16xi32>
      %select_n3A_1419 = arith.select %eq3A_1418, %broadcast_in_dim3A_5, %broadcast_in_dim3A_3 : vector<16xi1>, vector<16xf32>
      %add3A_1420 = arith.addf %add3A_1342, %select_n3A_1419 : vector<16xf32>
      %eq3A_1421 = arith.constant 2 : i32
      %eq3A_1422 = vector.broadcast %eq3A_1421 : i32 to vector<16xi32>
      %eq3A_1423 = arith.cmpi eq, %get3A_1410, %eq3A_1422 : vector<16xi32>
      %select_n3A_1424 = arith.select %eq3A_1423, %broadcast_in_dim3A_5, %broadcast_in_dim3A_3 : vector<16xi1>, vector<16xf32>
      %add3A_1425 = arith.addf %add3A_1347, %select_n3A_1424 : vector<16xf32>
      %eq3A_1426 = arith.constant 3 : i32
      %eq3A_1427 = vector.broadcast %eq3A_1426 : i32 to vector<16xi32>
      %eq3A_1428 = arith.cmpi eq, %get3A_1410, %eq3A_1427 : vector<16xi32>
      %select_n3A_1429 = arith.select %eq3A_1428, %broadcast_in_dim3A_5, %broadcast_in_dim3A_3 : vector<16xi1>, vector<16xf32>
      %add3A_1430 = arith.addf %add3A_1352, %select_n3A_1429 : vector<16xf32>
      %eq3A_1431 = arith.constant 4 : i32
      %eq3A_1432 = vector.broadcast %eq3A_1431 : i32 to vector<16xi32>
      %eq3A_1433 = arith.cmpi eq, %get3A_1410, %eq3A_1432 : vector<16xi32>
      %select_n3A_1434 = arith.select %eq3A_1433, %broadcast_in_dim3A_5, %broadcast_in_dim3A_3 : vector<16xi1>, vector<16xf32>
      %add3A_1435 = arith.addf %add3A_1357, %select_n3A_1434 : vector<16xf32>
      %eq3A_1436 = arith.constant 5 : i32
      %eq3A_1437 = vector.broadcast %eq3A_1436 : i32 to vector<16xi32>
      %eq3A_1438 = arith.cmpi eq, %get3A_1410, %eq3A_1437 : vector<16xi32>
      %select_n3A_1439 = arith.select %eq3A_1438, %broadcast_in_dim3A_5, %broadcast_in_dim3A_3 : vector<16xi1>, vector<16xf32>
      %add3A_1440 = arith.addf %add3A_1362, %select_n3A_1439 : vector<16xf32>
      %eq3A_1441 = arith.constant 6 : i32
      %eq3A_1442 = vector.broadcast %eq3A_1441 : i32 to vector<16xi32>
      %eq3A_1443 = arith.cmpi eq, %get3A_1410, %eq3A_1442 : vector<16xi32>
      %select_n3A_1444 = arith.select %eq3A_1443, %broadcast_in_dim3A_5, %broadcast_in_dim3A_3 : vector<16xi1>, vector<16xf32>
      %add3A_1445 = arith.addf %add3A_1367, %select_n3A_1444 : vector<16xf32>
      %eq3A_1446 = arith.constant 7 : i32
      %eq3A_1447 = vector.broadcast %eq3A_1446 : i32 to vector<16xi32>
      %eq3A_1448 = arith.cmpi eq, %get3A_1410, %eq3A_1447 : vector<16xi32>
      %select_n3A_1449 = arith.select %eq3A_1448, %broadcast_in_dim3A_5, %broadcast_in_dim3A_3 : vector<16xi1>, vector<16xf32>
      %add3A_1450 = arith.addf %add3A_1372, %select_n3A_1449 : vector<16xf32>
      %eq3A_1451 = arith.constant 8 : i32
      %eq3A_1452 = vector.broadcast %eq3A_1451 : i32 to vector<16xi32>
      %eq3A_1453 = arith.cmpi eq, %get3A_1410, %eq3A_1452 : vector<16xi32>
      %select_n3A_1454 = arith.select %eq3A_1453, %broadcast_in_dim3A_5, %broadcast_in_dim3A_3 : vector<16xi1>, vector<16xf32>
      %add3A_1455 = arith.addf %add3A_1377, %select_n3A_1454 : vector<16xf32>
      %eq3A_1456 = arith.constant 9 : i32
      %eq3A_1457 = vector.broadcast %eq3A_1456 : i32 to vector<16xi32>
      %eq3A_1458 = arith.cmpi eq, %get3A_1410, %eq3A_1457 : vector<16xi32>
      %select_n3A_1459 = arith.select %eq3A_1458, %broadcast_in_dim3A_5, %broadcast_in_dim3A_3 : vector<16xi1>, vector<16xf32>
      %add3A_1460 = arith.addf %add3A_1382, %select_n3A_1459 : vector<16xf32>
      %eq3A_1461 = arith.constant 10 : i32
      %eq3A_1462 = vector.broadcast %eq3A_1461 : i32 to vector<16xi32>
      %eq3A_1463 = arith.cmpi eq, %get3A_1410, %eq3A_1462 : vector<16xi32>
      %select_n3A_1464 = arith.select %eq3A_1463, %broadcast_in_dim3A_5, %broadcast_in_dim3A_3 : vector<16xi1>, vector<16xf32>
      %add3A_1465 = arith.addf %add3A_1387, %select_n3A_1464 : vector<16xf32>
      %eq3A_1466 = arith.constant 11 : i32
      %eq3A_1467 = vector.broadcast %eq3A_1466 : i32 to vector<16xi32>
      %eq3A_1468 = arith.cmpi eq, %get3A_1410, %eq3A_1467 : vector<16xi32>
      %select_n3A_1469 = arith.select %eq3A_1468, %broadcast_in_dim3A_5, %broadcast_in_dim3A_3 : vector<16xi1>, vector<16xf32>
      %add3A_1470 = arith.addf %add3A_1392, %select_n3A_1469 : vector<16xf32>
      %eq3A_1471 = arith.constant 12 : i32
      %eq3A_1472 = vector.broadcast %eq3A_1471 : i32 to vector<16xi32>
      %eq3A_1473 = arith.cmpi eq, %get3A_1410, %eq3A_1472 : vector<16xi32>
      %select_n3A_1474 = arith.select %eq3A_1473, %broadcast_in_dim3A_5, %broadcast_in_dim3A_3 : vector<16xi1>, vector<16xf32>
      %add3A_1475 = arith.addf %add3A_1397, %select_n3A_1474 : vector<16xf32>
      %eq3A_1476 = arith.constant 13 : i32
      %eq3A_1477 = vector.broadcast %eq3A_1476 : i32 to vector<16xi32>
      %eq3A_1478 = arith.cmpi eq, %get3A_1410, %eq3A_1477 : vector<16xi32>
      %select_n3A_1479 = arith.select %eq3A_1478, %broadcast_in_dim3A_5, %broadcast_in_dim3A_3 : vector<16xi1>, vector<16xf32>
      %add3A_1480 = arith.addf %add3A_1402, %select_n3A_1479 : vector<16xf32>
      %eq3A_1481 = arith.constant 14 : i32
      %eq3A_1482 = vector.broadcast %eq3A_1481 : i32 to vector<16xi32>
      %eq3A_1483 = arith.cmpi eq, %get3A_1410, %eq3A_1482 : vector<16xi32>
      %select_n3A_1484 = arith.select %eq3A_1483, %broadcast_in_dim3A_5, %broadcast_in_dim3A_3 : vector<16xi1>, vector<16xf32>
      %add3A_1485 = arith.addf %add3A_1407, %select_n3A_1484 : vector<16xf32>
      %get3A_1486 = arith.constant 304 : index
      %get3A_1487 = tpu.vector_load %arg4[%get3A_1486] {strides = array<i32>} : memref<448xi32, #tpu.memory_space<vmem>>, vector<16xi32>,
      %get3A_1488 = vector.shape_cast %get3A_1487 : vector<16xi32> to vector<16xi32>
      %eq3A_1489 = arith.constant 0 : i32
      %eq3A_1490 = vector.broadcast %eq3A_1489 : i32 to vector<16xi32>
      %eq3A_1491 = arith.cmpi eq, %get3A_1488, %eq3A_1490 : vector<16xi32>
      %select_n3A_1492 = arith.select %eq3A_1491, %broadcast_in_dim3A_5, %broadcast_in_dim3A_3 : vector<16xi1>, vector<16xf32>
      %add3A_1493 = arith.addf %add3A_1415, %select_n3A_1492 : vector<16xf32>
      %eq3A_1494 = arith.constant 1 : i32
      %eq3A_1495 = vector.broadcast %eq3A_1494 : i32 to vector<16xi32>
      %eq3A_1496 = arith.cmpi eq, %get3A_1488, %eq3A_1495 : vector<16xi32>
      %select_n3A_1497 = arith.select %eq3A_1496, %broadcast_in_dim3A_5, %broadcast_in_dim3A_3 : vector<16xi1>, vector<16xf32>
      %add3A_1498 = arith.addf %add3A_1420, %select_n3A_1497 : vector<16xf32>
      %eq3A_1499 = arith.constant 2 : i32
      %eq3A_1500 = vector.broadcast %eq3A_1499 : i32 to vector<16xi32>
      %eq3A_1501 = arith.cmpi eq, %get3A_1488, %eq3A_1500 : vector<16xi32>
      %select_n3A_1502 = arith.select %eq3A_1501, %broadcast_in_dim3A_5, %broadcast_in_dim3A_3 : vector<16xi1>, vector<16xf32>
      %add3A_1503 = arith.addf %add3A_1425, %select_n3A_1502 : vector<16xf32>
      %eq3A_1504 = arith.constant 3 : i32
      %eq3A_1505 = vector.broadcast %eq3A_1504 : i32 to vector<16xi32>
      %eq3A_1506 = arith.cmpi eq, %get3A_1488, %eq3A_1505 : vector<16xi32>
      %select_n3A_1507 = arith.select %eq3A_1506, %broadcast_in_dim3A_5, %broadcast_in_dim3A_3 : vector<16xi1>, vector<16xf32>
      %add3A_1508 = arith.addf %add3A_1430, %select_n3A_1507 : vector<16xf32>
      %eq3A_1509 = arith.constant 4 : i32
      %eq3A_1510 = vector.broadcast %eq3A_1509 : i32 to vector<16xi32>
      %eq3A_1511 = arith.cmpi eq, %get3A_1488, %eq3A_1510 : vector<16xi32>
      %select_n3A_1512 = arith.select %eq3A_1511, %broadcast_in_dim3A_5, %broadcast_in_dim3A_3 : vector<16xi1>, vector<16xf32>
      %add3A_1513 = arith.addf %add3A_1435, %select_n3A_1512 : vector<16xf32>
      %eq3A_1514 = arith.constant 5 : i32
      %eq3A_1515 = vector.broadcast %eq3A_1514 : i32 to vector<16xi32>
      %eq3A_1516 = arith.cmpi eq, %get3A_1488, %eq3A_1515 : vector<16xi32>
      %select_n3A_1517 = arith.select %eq3A_1516, %broadcast_in_dim3A_5, %broadcast_in_dim3A_3 : vector<16xi1>, vector<16xf32>
      %add3A_1518 = arith.addf %add3A_1440, %select_n3A_1517 : vector<16xf32>
      %eq3A_1519 = arith.constant 6 : i32
      %eq3A_1520 = vector.broadcast %eq3A_1519 : i32 to vector<16xi32>
      %eq3A_1521 = arith.cmpi eq, %get3A_1488, %eq3A_1520 : vector<16xi32>
      %select_n3A_1522 = arith.select %eq3A_1521, %broadcast_in_dim3A_5, %broadcast_in_dim3A_3 : vector<16xi1>, vector<16xf32>
      %add3A_1523 = arith.addf %add3A_1445, %select_n3A_1522 : vector<16xf32>
      %eq3A_1524 = arith.constant 7 : i32
      %eq3A_1525 = vector.broadcast %eq3A_1524 : i32 to vector<16xi32>
      %eq3A_1526 = arith.cmpi eq, %get3A_1488, %eq3A_1525 : vector<16xi32>
      %select_n3A_1527 = arith.select %eq3A_1526, %broadcast_in_dim3A_5, %broadcast_in_dim3A_3 : vector<16xi1>, vector<16xf32>
      %add3A_1528 = arith.addf %add3A_1450, %select_n3A_1527 : vector<16xf32>
      %eq3A_1529 = arith.constant 8 : i32
      %eq3A_1530 = vector.broadcast %eq3A_1529 : i32 to vector<16xi32>
      %eq3A_1531 = arith.cmpi eq, %get3A_1488, %eq3A_1530 : vector<16xi32>
      %select_n3A_1532 = arith.select %eq3A_1531, %broadcast_in_dim3A_5, %broadcast_in_dim3A_3 : vector<16xi1>, vector<16xf32>
      %add3A_1533 = arith.addf %add3A_1455, %select_n3A_1532 : vector<16xf32>
      %eq3A_1534 = arith.constant 9 : i32
      %eq3A_1535 = vector.broadcast %eq3A_1534 : i32 to vector<16xi32>
      %eq3A_1536 = arith.cmpi eq, %get3A_1488, %eq3A_1535 : vector<16xi32>
      %select_n3A_1537 = arith.select %eq3A_1536, %broadcast_in_dim3A_5, %broadcast_in_dim3A_3 : vector<16xi1>, vector<16xf32>
      %add3A_1538 = arith.addf %add3A_1460, %select_n3A_1537 : vector<16xf32>
      %eq3A_1539 = arith.constant 10 : i32
      %eq3A_1540 = vector.broadcast %eq3A_1539 : i32 to vector<16xi32>
      %eq3A_1541 = arith.cmpi eq, %get3A_1488, %eq3A_1540 : vector<16xi32>
      %select_n3A_1542 = arith.select %eq3A_1541, %broadcast_in_dim3A_5, %broadcast_in_dim3A_3 : vector<16xi1>, vector<16xf32>
      %add3A_1543 = arith.addf %add3A_1465, %select_n3A_1542 : vector<16xf32>
      %eq3A_1544 = arith.constant 11 : i32
      %eq3A_1545 = vector.broadcast %eq3A_1544 : i32 to vector<16xi32>
      %eq3A_1546 = arith.cmpi eq, %get3A_1488, %eq3A_1545 : vector<16xi32>
      %select_n3A_1547 = arith.select %eq3A_1546, %broadcast_in_dim3A_5, %broadcast_in_dim3A_3 : vector<16xi1>, vector<16xf32>
      %add3A_1548 = arith.addf %add3A_1470, %select_n3A_1547 : vector<16xf32>
      %eq3A_1549 = arith.constant 12 : i32
      %eq3A_1550 = vector.broadcast %eq3A_1549 : i32 to vector<16xi32>
      %eq3A_1551 = arith.cmpi eq, %get3A_1488, %eq3A_1550 : vector<16xi32>
      %select_n3A_1552 = arith.select %eq3A_1551, %broadcast_in_dim3A_5, %broadcast_in_dim3A_3 : vector<16xi1>, vector<16xf32>
      %add3A_1553 = arith.addf %add3A_1475, %select_n3A_1552 : vector<16xf32>
      %eq3A_1554 = arith.constant 13 : i32
      %eq3A_1555 = vector.broadcast %eq3A_1554 : i32 to vector<16xi32>
      %eq3A_1556 = arith.cmpi eq, %get3A_1488, %eq3A_1555 : vector<16xi32>
      %select_n3A_1557 = arith.select %eq3A_1556, %broadcast_in_dim3A_5, %broadcast_in_dim3A_3 : vector<16xi1>, vector<16xf32>
      %add3A_1558 = arith.addf %add3A_1480, %select_n3A_1557 : vector<16xf32>
      %eq3A_1559 = arith.constant 14 : i32
      %eq3A_1560 = vector.broadcast %eq3A_1559 : i32 to vector<16xi32>
      %eq3A_1561 = arith.cmpi eq, %get3A_1488, %eq3A_1560 : vector<16xi32>
      %select_n3A_1562 = arith.select %eq3A_1561, %broadcast_in_dim3A_5, %broadcast_in_dim3A_3 : vector<16xi1>, vector<16xf32>
      %add3A_1563 = arith.addf %add3A_1485, %select_n3A_1562 : vector<16xf32>
      %get3A_1564 = arith.constant 320 : index
      %get3A_1565 = tpu.vector_load %arg4[%get3A_1564] {strides = array<i32>} : memref<448xi32, #tpu.memory_space<vmem>>, vector<16xi32>,
      %get3A_1566 = vector.shape_cast %get3A_1565 : vector<16xi32> to vector<16xi32>
      %eq3A_1567 = arith.constant 0 : i32
      %eq3A_1568 = vector.broadcast %eq3A_1567 : i32 to vector<16xi32>
      %eq3A_1569 = arith.cmpi eq, %get3A_1566, %eq3A_1568 : vector<16xi32>
      %select_n3A_1570 = arith.select %eq3A_1569, %broadcast_in_dim3A_5, %broadcast_in_dim3A_3 : vector<16xi1>, vector<16xf32>
      %add3A_1571 = arith.addf %add3A_1493, %select_n3A_1570 : vector<16xf32>
      %eq3A_1572 = arith.constant 1 : i32
      %eq3A_1573 = vector.broadcast %eq3A_1572 : i32 to vector<16xi32>
      %eq3A_1574 = arith.cmpi eq, %get3A_1566, %eq3A_1573 : vector<16xi32>
      %select_n3A_1575 = arith.select %eq3A_1574, %broadcast_in_dim3A_5, %broadcast_in_dim3A_3 : vector<16xi1>, vector<16xf32>
      %add3A_1576 = arith.addf %add3A_1498, %select_n3A_1575 : vector<16xf32>
      %eq3A_1577 = arith.constant 2 : i32
      %eq3A_1578 = vector.broadcast %eq3A_1577 : i32 to vector<16xi32>
      %eq3A_1579 = arith.cmpi eq, %get3A_1566, %eq3A_1578 : vector<16xi32>
      %select_n3A_1580 = arith.select %eq3A_1579, %broadcast_in_dim3A_5, %broadcast_in_dim3A_3 : vector<16xi1>, vector<16xf32>
      %add3A_1581 = arith.addf %add3A_1503, %select_n3A_1580 : vector<16xf32>
      %eq3A_1582 = arith.constant 3 : i32
      %eq3A_1583 = vector.broadcast %eq3A_1582 : i32 to vector<16xi32>
      %eq3A_1584 = arith.cmpi eq, %get3A_1566, %eq3A_1583 : vector<16xi32>
      %select_n3A_1585 = arith.select %eq3A_1584, %broadcast_in_dim3A_5, %broadcast_in_dim3A_3 : vector<16xi1>, vector<16xf32>
      %add3A_1586 = arith.addf %add3A_1508, %select_n3A_1585 : vector<16xf32>
      %eq3A_1587 = arith.constant 4 : i32
      %eq3A_1588 = vector.broadcast %eq3A_1587 : i32 to vector<16xi32>
      %eq3A_1589 = arith.cmpi eq, %get3A_1566, %eq3A_1588 : vector<16xi32>
      %select_n3A_1590 = arith.select %eq3A_1589, %broadcast_in_dim3A_5, %broadcast_in_dim3A_3 : vector<16xi1>, vector<16xf32>
      %add3A_1591 = arith.addf %add3A_1513, %select_n3A_1590 : vector<16xf32>
      %eq3A_1592 = arith.constant 5 : i32
      %eq3A_1593 = vector.broadcast %eq3A_1592 : i32 to vector<16xi32>
      %eq3A_1594 = arith.cmpi eq, %get3A_1566, %eq3A_1593 : vector<16xi32>
      %select_n3A_1595 = arith.select %eq3A_1594, %broadcast_in_dim3A_5, %broadcast_in_dim3A_3 : vector<16xi1>, vector<16xf32>
      %add3A_1596 = arith.addf %add3A_1518, %select_n3A_1595 : vector<16xf32>
      %eq3A_1597 = arith.constant 6 : i32
      %eq3A_1598 = vector.broadcast %eq3A_1597 : i32 to vector<16xi32>
      %eq3A_1599 = arith.cmpi eq, %get3A_1566, %eq3A_1598 : vector<16xi32>
      %select_n3A_1600 = arith.select %eq3A_1599, %broadcast_in_dim3A_5, %broadcast_in_dim3A_3 : vector<16xi1>, vector<16xf32>
      %add3A_1601 = arith.addf %add3A_1523, %select_n3A_1600 : vector<16xf32>
      %eq3A_1602 = arith.constant 7 : i32
      %eq3A_1603 = vector.broadcast %eq3A_1602 : i32 to vector<16xi32>
      %eq3A_1604 = arith.cmpi eq, %get3A_1566, %eq3A_1603 : vector<16xi32>
      %select_n3A_1605 = arith.select %eq3A_1604, %broadcast_in_dim3A_5, %broadcast_in_dim3A_3 : vector<16xi1>, vector<16xf32>
      %add3A_1606 = arith.addf %add3A_1528, %select_n3A_1605 : vector<16xf32>
      %eq3A_1607 = arith.constant 8 : i32
      %eq3A_1608 = vector.broadcast %eq3A_1607 : i32 to vector<16xi32>
      %eq3A_1609 = arith.cmpi eq, %get3A_1566, %eq3A_1608 : vector<16xi32>
      %select_n3A_1610 = arith.select %eq3A_1609, %broadcast_in_dim3A_5, %broadcast_in_dim3A_3 : vector<16xi1>, vector<16xf32>
      %add3A_1611 = arith.addf %add3A_1533, %select_n3A_1610 : vector<16xf32>
      %eq3A_1612 = arith.constant 9 : i32
      %eq3A_1613 = vector.broadcast %eq3A_1612 : i32 to vector<16xi32>
      %eq3A_1614 = arith.cmpi eq, %get3A_1566, %eq3A_1613 : vector<16xi32>
      %select_n3A_1615 = arith.select %eq3A_1614, %broadcast_in_dim3A_5, %broadcast_in_dim3A_3 : vector<16xi1>, vector<16xf32>
      %add3A_1616 = arith.addf %add3A_1538, %select_n3A_1615 : vector<16xf32>
      %eq3A_1617 = arith.constant 10 : i32
      %eq3A_1618 = vector.broadcast %eq3A_1617 : i32 to vector<16xi32>
      %eq3A_1619 = arith.cmpi eq, %get3A_1566, %eq3A_1618 : vector<16xi32>
      %select_n3A_1620 = arith.select %eq3A_1619, %broadcast_in_dim3A_5, %broadcast_in_dim3A_3 : vector<16xi1>, vector<16xf32>
      %add3A_1621 = arith.addf %add3A_1543, %select_n3A_1620 : vector<16xf32>
      %eq3A_1622 = arith.constant 11 : i32
      %eq3A_1623 = vector.broadcast %eq3A_1622 : i32 to vector<16xi32>
      %eq3A_1624 = arith.cmpi eq, %get3A_1566, %eq3A_1623 : vector<16xi32>
      %select_n3A_1625 = arith.select %eq3A_1624, %broadcast_in_dim3A_5, %broadcast_in_dim3A_3 : vector<16xi1>, vector<16xf32>
      %add3A_1626 = arith.addf %add3A_1548, %select_n3A_1625 : vector<16xf32>
      %eq3A_1627 = arith.constant 12 : i32
      %eq3A_1628 = vector.broadcast %eq3A_1627 : i32 to vector<16xi32>
      %eq3A_1629 = arith.cmpi eq, %get3A_1566, %eq3A_1628 : vector<16xi32>
      %select_n3A_1630 = arith.select %eq3A_1629, %broadcast_in_dim3A_5, %broadcast_in_dim3A_3 : vector<16xi1>, vector<16xf32>
      %add3A_1631 = arith.addf %add3A_1553, %select_n3A_1630 : vector<16xf32>
      %eq3A_1632 = arith.constant 13 : i32
      %eq3A_1633 = vector.broadcast %eq3A_1632 : i32 to vector<16xi32>
      %eq3A_1634 = arith.cmpi eq, %get3A_1566, %eq3A_1633 : vector<16xi32>
      %select_n3A_1635 = arith.select %eq3A_1634, %broadcast_in_dim3A_5, %broadcast_in_dim3A_3 : vector<16xi1>, vector<16xf32>
      %add3A_1636 = arith.addf %add3A_1558, %select_n3A_1635 : vector<16xf32>
      %eq3A_1637 = arith.constant 14 : i32
      %eq3A_1638 = vector.broadcast %eq3A_1637 : i32 to vector<16xi32>
      %eq3A_1639 = arith.cmpi eq, %get3A_1566, %eq3A_1638 : vector<16xi32>
      %select_n3A_1640 = arith.select %eq3A_1639, %broadcast_in_dim3A_5, %broadcast_in_dim3A_3 : vector<16xi1>, vector<16xf32>
      %add3A_1641 = arith.addf %add3A_1563, %select_n3A_1640 : vector<16xf32>
      %get3A_1642 = arith.constant 336 : index
      %get3A_1643 = tpu.vector_load %arg4[%get3A_1642] {strides = array<i32>} : memref<448xi32, #tpu.memory_space<vmem>>, vector<16xi32>,
      %get3A_1644 = vector.shape_cast %get3A_1643 : vector<16xi32> to vector<16xi32>
      %eq3A_1645 = arith.constant 0 : i32
      %eq3A_1646 = vector.broadcast %eq3A_1645 : i32 to vector<16xi32>
      %eq3A_1647 = arith.cmpi eq, %get3A_1644, %eq3A_1646 : vector<16xi32>
      %select_n3A_1648 = arith.select %eq3A_1647, %broadcast_in_dim3A_5, %broadcast_in_dim3A_3 : vector<16xi1>, vector<16xf32>
      %add3A_1649 = arith.addf %add3A_1571, %select_n3A_1648 : vector<16xf32>
      %eq3A_1650 = arith.constant 1 : i32
      %eq3A_1651 = vector.broadcast %eq3A_1650 : i32 to vector<16xi32>
      %eq3A_1652 = arith.cmpi eq, %get3A_1644, %eq3A_1651 : vector<16xi32>
      %select_n3A_1653 = arith.select %eq3A_1652, %broadcast_in_dim3A_5, %broadcast_in_dim3A_3 : vector<16xi1>, vector<16xf32>
      %add3A_1654 = arith.addf %add3A_1576, %select_n3A_1653 : vector<16xf32>
      %eq3A_1655 = arith.constant 2 : i32
      %eq3A_1656 = vector.broadcast %eq3A_1655 : i32 to vector<16xi32>
      %eq3A_1657 = arith.cmpi eq, %get3A_1644, %eq3A_1656 : vector<16xi32>
      %select_n3A_1658 = arith.select %eq3A_1657, %broadcast_in_dim3A_5, %broadcast_in_dim3A_3 : vector<16xi1>, vector<16xf32>
      %add3A_1659 = arith.addf %add3A_1581, %select_n3A_1658 : vector<16xf32>
      %eq3A_1660 = arith.constant 3 : i32
      %eq3A_1661 = vector.broadcast %eq3A_1660 : i32 to vector<16xi32>
      %eq3A_1662 = arith.cmpi eq, %get3A_1644, %eq3A_1661 : vector<16xi32>
      %select_n3A_1663 = arith.select %eq3A_1662, %broadcast_in_dim3A_5, %broadcast_in_dim3A_3 : vector<16xi1>, vector<16xf32>
      %add3A_1664 = arith.addf %add3A_1586, %select_n3A_1663 : vector<16xf32>
      %eq3A_1665 = arith.constant 4 : i32
      %eq3A_1666 = vector.broadcast %eq3A_1665 : i32 to vector<16xi32>
      %eq3A_1667 = arith.cmpi eq, %get3A_1644, %eq3A_1666 : vector<16xi32>
      %select_n3A_1668 = arith.select %eq3A_1667, %broadcast_in_dim3A_5, %broadcast_in_dim3A_3 : vector<16xi1>, vector<16xf32>
      %add3A_1669 = arith.addf %add3A_1591, %select_n3A_1668 : vector<16xf32>
      %eq3A_1670 = arith.constant 5 : i32
      %eq3A_1671 = vector.broadcast %eq3A_1670 : i32 to vector<16xi32>
      %eq3A_1672 = arith.cmpi eq, %get3A_1644, %eq3A_1671 : vector<16xi32>
      %select_n3A_1673 = arith.select %eq3A_1672, %broadcast_in_dim3A_5, %broadcast_in_dim3A_3 : vector<16xi1>, vector<16xf32>
      %add3A_1674 = arith.addf %add3A_1596, %select_n3A_1673 : vector<16xf32>
      %eq3A_1675 = arith.constant 6 : i32
      %eq3A_1676 = vector.broadcast %eq3A_1675 : i32 to vector<16xi32>
      %eq3A_1677 = arith.cmpi eq, %get3A_1644, %eq3A_1676 : vector<16xi32>
      %select_n3A_1678 = arith.select %eq3A_1677, %broadcast_in_dim3A_5, %broadcast_in_dim3A_3 : vector<16xi1>, vector<16xf32>
      %add3A_1679 = arith.addf %add3A_1601, %select_n3A_1678 : vector<16xf32>
      %eq3A_1680 = arith.constant 7 : i32
      %eq3A_1681 = vector.broadcast %eq3A_1680 : i32 to vector<16xi32>
      %eq3A_1682 = arith.cmpi eq, %get3A_1644, %eq3A_1681 : vector<16xi32>
      %select_n3A_1683 = arith.select %eq3A_1682, %broadcast_in_dim3A_5, %broadcast_in_dim3A_3 : vector<16xi1>, vector<16xf32>
      %add3A_1684 = arith.addf %add3A_1606, %select_n3A_1683 : vector<16xf32>
      %eq3A_1685 = arith.constant 8 : i32
      %eq3A_1686 = vector.broadcast %eq3A_1685 : i32 to vector<16xi32>
      %eq3A_1687 = arith.cmpi eq, %get3A_1644, %eq3A_1686 : vector<16xi32>
      %select_n3A_1688 = arith.select %eq3A_1687, %broadcast_in_dim3A_5, %broadcast_in_dim3A_3 : vector<16xi1>, vector<16xf32>
      %add3A_1689 = arith.addf %add3A_1611, %select_n3A_1688 : vector<16xf32>
      %eq3A_1690 = arith.constant 9 : i32
      %eq3A_1691 = vector.broadcast %eq3A_1690 : i32 to vector<16xi32>
      %eq3A_1692 = arith.cmpi eq, %get3A_1644, %eq3A_1691 : vector<16xi32>
      %select_n3A_1693 = arith.select %eq3A_1692, %broadcast_in_dim3A_5, %broadcast_in_dim3A_3 : vector<16xi1>, vector<16xf32>
      %add3A_1694 = arith.addf %add3A_1616, %select_n3A_1693 : vector<16xf32>
      %eq3A_1695 = arith.constant 10 : i32
      %eq3A_1696 = vector.broadcast %eq3A_1695 : i32 to vector<16xi32>
      %eq3A_1697 = arith.cmpi eq, %get3A_1644, %eq3A_1696 : vector<16xi32>
      %select_n3A_1698 = arith.select %eq3A_1697, %broadcast_in_dim3A_5, %broadcast_in_dim3A_3 : vector<16xi1>, vector<16xf32>
      %add3A_1699 = arith.addf %add3A_1621, %select_n3A_1698 : vector<16xf32>
      %eq3A_1700 = arith.constant 11 : i32
      %eq3A_1701 = vector.broadcast %eq3A_1700 : i32 to vector<16xi32>
      %eq3A_1702 = arith.cmpi eq, %get3A_1644, %eq3A_1701 : vector<16xi32>
      %select_n3A_1703 = arith.select %eq3A_1702, %broadcast_in_dim3A_5, %broadcast_in_dim3A_3 : vector<16xi1>, vector<16xf32>
      %add3A_1704 = arith.addf %add3A_1626, %select_n3A_1703 : vector<16xf32>
      %eq3A_1705 = arith.constant 12 : i32
      %eq3A_1706 = vector.broadcast %eq3A_1705 : i32 to vector<16xi32>
      %eq3A_1707 = arith.cmpi eq, %get3A_1644, %eq3A_1706 : vector<16xi32>
      %select_n3A_1708 = arith.select %eq3A_1707, %broadcast_in_dim3A_5, %broadcast_in_dim3A_3 : vector<16xi1>, vector<16xf32>
      %add3A_1709 = arith.addf %add3A_1631, %select_n3A_1708 : vector<16xf32>
      %eq3A_1710 = arith.constant 13 : i32
      %eq3A_1711 = vector.broadcast %eq3A_1710 : i32 to vector<16xi32>
      %eq3A_1712 = arith.cmpi eq, %get3A_1644, %eq3A_1711 : vector<16xi32>
      %select_n3A_1713 = arith.select %eq3A_1712, %broadcast_in_dim3A_5, %broadcast_in_dim3A_3 : vector<16xi1>, vector<16xf32>
      %add3A_1714 = arith.addf %add3A_1636, %select_n3A_1713 : vector<16xf32>
      %eq3A_1715 = arith.constant 14 : i32
      %eq3A_1716 = vector.broadcast %eq3A_1715 : i32 to vector<16xi32>
      %eq3A_1717 = arith.cmpi eq, %get3A_1644, %eq3A_1716 : vector<16xi32>
      %select_n3A_1718 = arith.select %eq3A_1717, %broadcast_in_dim3A_5, %broadcast_in_dim3A_3 : vector<16xi1>, vector<16xf32>
      %add3A_1719 = arith.addf %add3A_1641, %select_n3A_1718 : vector<16xf32>
      %get3A_1720 = arith.constant 352 : index
      %get3A_1721 = tpu.vector_load %arg4[%get3A_1720] {strides = array<i32>} : memref<448xi32, #tpu.memory_space<vmem>>, vector<16xi32>,
      %get3A_1722 = vector.shape_cast %get3A_1721 : vector<16xi32> to vector<16xi32>
      %eq3A_1723 = arith.constant 0 : i32
      %eq3A_1724 = vector.broadcast %eq3A_1723 : i32 to vector<16xi32>
      %eq3A_1725 = arith.cmpi eq, %get3A_1722, %eq3A_1724 : vector<16xi32>
      %select_n3A_1726 = arith.select %eq3A_1725, %broadcast_in_dim3A_5, %broadcast_in_dim3A_3 : vector<16xi1>, vector<16xf32>
      %add3A_1727 = arith.addf %add3A_1649, %select_n3A_1726 : vector<16xf32>
      %eq3A_1728 = arith.constant 1 : i32
      %eq3A_1729 = vector.broadcast %eq3A_1728 : i32 to vector<16xi32>
      %eq3A_1730 = arith.cmpi eq, %get3A_1722, %eq3A_1729 : vector<16xi32>
      %select_n3A_1731 = arith.select %eq3A_1730, %broadcast_in_dim3A_5, %broadcast_in_dim3A_3 : vector<16xi1>, vector<16xf32>
      %add3A_1732 = arith.addf %add3A_1654, %select_n3A_1731 : vector<16xf32>
      %eq3A_1733 = arith.constant 2 : i32
      %eq3A_1734 = vector.broadcast %eq3A_1733 : i32 to vector<16xi32>
      %eq3A_1735 = arith.cmpi eq, %get3A_1722, %eq3A_1734 : vector<16xi32>
      %select_n3A_1736 = arith.select %eq3A_1735, %broadcast_in_dim3A_5, %broadcast_in_dim3A_3 : vector<16xi1>, vector<16xf32>
      %add3A_1737 = arith.addf %add3A_1659, %select_n3A_1736 : vector<16xf32>
      %eq3A_1738 = arith.constant 3 : i32
      %eq3A_1739 = vector.broadcast %eq3A_1738 : i32 to vector<16xi32>
      %eq3A_1740 = arith.cmpi eq, %get3A_1722, %eq3A_1739 : vector<16xi32>
      %select_n3A_1741 = arith.select %eq3A_1740, %broadcast_in_dim3A_5, %broadcast_in_dim3A_3 : vector<16xi1>, vector<16xf32>
      %add3A_1742 = arith.addf %add3A_1664, %select_n3A_1741 : vector<16xf32>
      %eq3A_1743 = arith.constant 4 : i32
      %eq3A_1744 = vector.broadcast %eq3A_1743 : i32 to vector<16xi32>
      %eq3A_1745 = arith.cmpi eq, %get3A_1722, %eq3A_1744 : vector<16xi32>
      %select_n3A_1746 = arith.select %eq3A_1745, %broadcast_in_dim3A_5, %broadcast_in_dim3A_3 : vector<16xi1>, vector<16xf32>
      %add3A_1747 = arith.addf %add3A_1669, %select_n3A_1746 : vector<16xf32>
      %eq3A_1748 = arith.constant 5 : i32
      %eq3A_1749 = vector.broadcast %eq3A_1748 : i32 to vector<16xi32>
      %eq3A_1750 = arith.cmpi eq, %get3A_1722, %eq3A_1749 : vector<16xi32>
      %select_n3A_1751 = arith.select %eq3A_1750, %broadcast_in_dim3A_5, %broadcast_in_dim3A_3 : vector<16xi1>, vector<16xf32>
      %add3A_1752 = arith.addf %add3A_1674, %select_n3A_1751 : vector<16xf32>
      %eq3A_1753 = arith.constant 6 : i32
      %eq3A_1754 = vector.broadcast %eq3A_1753 : i32 to vector<16xi32>
      %eq3A_1755 = arith.cmpi eq, %get3A_1722, %eq3A_1754 : vector<16xi32>
      %select_n3A_1756 = arith.select %eq3A_1755, %broadcast_in_dim3A_5, %broadcast_in_dim3A_3 : vector<16xi1>, vector<16xf32>
      %add3A_1757 = arith.addf %add3A_1679, %select_n3A_1756 : vector<16xf32>
      %eq3A_1758 = arith.constant 7 : i32
      %eq3A_1759 = vector.broadcast %eq3A_1758 : i32 to vector<16xi32>
      %eq3A_1760 = arith.cmpi eq, %get3A_1722, %eq3A_1759 : vector<16xi32>
      %select_n3A_1761 = arith.select %eq3A_1760, %broadcast_in_dim3A_5, %broadcast_in_dim3A_3 : vector<16xi1>, vector<16xf32>
      %add3A_1762 = arith.addf %add3A_1684, %select_n3A_1761 : vector<16xf32>
      %eq3A_1763 = arith.constant 8 : i32
      %eq3A_1764 = vector.broadcast %eq3A_1763 : i32 to vector<16xi32>
      %eq3A_1765 = arith.cmpi eq, %get3A_1722, %eq3A_1764 : vector<16xi32>
      %select_n3A_1766 = arith.select %eq3A_1765, %broadcast_in_dim3A_5, %broadcast_in_dim3A_3 : vector<16xi1>, vector<16xf32>
      %add3A_1767 = arith.addf %add3A_1689, %select_n3A_1766 : vector<16xf32>
      %eq3A_1768 = arith.constant 9 : i32
      %eq3A_1769 = vector.broadcast %eq3A_1768 : i32 to vector<16xi32>
      %eq3A_1770 = arith.cmpi eq, %get3A_1722, %eq3A_1769 : vector<16xi32>
      %select_n3A_1771 = arith.select %eq3A_1770, %broadcast_in_dim3A_5, %broadcast_in_dim3A_3 : vector<16xi1>, vector<16xf32>
      %add3A_1772 = arith.addf %add3A_1694, %select_n3A_1771 : vector<16xf32>
      %eq3A_1773 = arith.constant 10 : i32
      %eq3A_1774 = vector.broadcast %eq3A_1773 : i32 to vector<16xi32>
      %eq3A_1775 = arith.cmpi eq, %get3A_1722, %eq3A_1774 : vector<16xi32>
      %select_n3A_1776 = arith.select %eq3A_1775, %broadcast_in_dim3A_5, %broadcast_in_dim3A_3 : vector<16xi1>, vector<16xf32>
      %add3A_1777 = arith.addf %add3A_1699, %select_n3A_1776 : vector<16xf32>
      %eq3A_1778 = arith.constant 11 : i32
      %eq3A_1779 = vector.broadcast %eq3A_1778 : i32 to vector<16xi32>
      %eq3A_1780 = arith.cmpi eq, %get3A_1722, %eq3A_1779 : vector<16xi32>
      %select_n3A_1781 = arith.select %eq3A_1780, %broadcast_in_dim3A_5, %broadcast_in_dim3A_3 : vector<16xi1>, vector<16xf32>
      %add3A_1782 = arith.addf %add3A_1704, %select_n3A_1781 : vector<16xf32>
      %eq3A_1783 = arith.constant 12 : i32
      %eq3A_1784 = vector.broadcast %eq3A_1783 : i32 to vector<16xi32>
      %eq3A_1785 = arith.cmpi eq, %get3A_1722, %eq3A_1784 : vector<16xi32>
      %select_n3A_1786 = arith.select %eq3A_1785, %broadcast_in_dim3A_5, %broadcast_in_dim3A_3 : vector<16xi1>, vector<16xf32>
      %add3A_1787 = arith.addf %add3A_1709, %select_n3A_1786 : vector<16xf32>
      %eq3A_1788 = arith.constant 13 : i32
      %eq3A_1789 = vector.broadcast %eq3A_1788 : i32 to vector<16xi32>
      %eq3A_1790 = arith.cmpi eq, %get3A_1722, %eq3A_1789 : vector<16xi32>
      %select_n3A_1791 = arith.select %eq3A_1790, %broadcast_in_dim3A_5, %broadcast_in_dim3A_3 : vector<16xi1>, vector<16xf32>
      %add3A_1792 = arith.addf %add3A_1714, %select_n3A_1791 : vector<16xf32>
      %eq3A_1793 = arith.constant 14 : i32
      %eq3A_1794 = vector.broadcast %eq3A_1793 : i32 to vector<16xi32>
      %eq3A_1795 = arith.cmpi eq, %get3A_1722, %eq3A_1794 : vector<16xi32>
      %select_n3A_1796 = arith.select %eq3A_1795, %broadcast_in_dim3A_5, %broadcast_in_dim3A_3 : vector<16xi1>, vector<16xf32>
      %add3A_1797 = arith.addf %add3A_1719, %select_n3A_1796 : vector<16xf32>
      %get3A_1798 = arith.constant 368 : index
      %get3A_1799 = tpu.vector_load %arg4[%get3A_1798] {strides = array<i32>} : memref<448xi32, #tpu.memory_space<vmem>>, vector<16xi32>,
      %get3A_1800 = vector.shape_cast %get3A_1799 : vector<16xi32> to vector<16xi32>
      %eq3A_1801 = arith.constant 0 : i32
      %eq3A_1802 = vector.broadcast %eq3A_1801 : i32 to vector<16xi32>
      %eq3A_1803 = arith.cmpi eq, %get3A_1800, %eq3A_1802 : vector<16xi32>
      %select_n3A_1804 = arith.select %eq3A_1803, %broadcast_in_dim3A_5, %broadcast_in_dim3A_3 : vector<16xi1>, vector<16xf32>
      %add3A_1805 = arith.addf %add3A_1727, %select_n3A_1804 : vector<16xf32>
      %eq3A_1806 = arith.constant 1 : i32
      %eq3A_1807 = vector.broadcast %eq3A_1806 : i32 to vector<16xi32>
      %eq3A_1808 = arith.cmpi eq, %get3A_1800, %eq3A_1807 : vector<16xi32>
      %select_n3A_1809 = arith.select %eq3A_1808, %broadcast_in_dim3A_5, %broadcast_in_dim3A_3 : vector<16xi1>, vector<16xf32>
      %add3A_1810 = arith.addf %add3A_1732, %select_n3A_1809 : vector<16xf32>
      %eq3A_1811 = arith.constant 2 : i32
      %eq3A_1812 = vector.broadcast %eq3A_1811 : i32 to vector<16xi32>
      %eq3A_1813 = arith.cmpi eq, %get3A_1800, %eq3A_1812 : vector<16xi32>
      %select_n3A_1814 = arith.select %eq3A_1813, %broadcast_in_dim3A_5, %broadcast_in_dim3A_3 : vector<16xi1>, vector<16xf32>
      %add3A_1815 = arith.addf %add3A_1737, %select_n3A_1814 : vector<16xf32>
      %eq3A_1816 = arith.constant 3 : i32
      %eq3A_1817 = vector.broadcast %eq3A_1816 : i32 to vector<16xi32>
      %eq3A_1818 = arith.cmpi eq, %get3A_1800, %eq3A_1817 : vector<16xi32>
      %select_n3A_1819 = arith.select %eq3A_1818, %broadcast_in_dim3A_5, %broadcast_in_dim3A_3 : vector<16xi1>, vector<16xf32>
      %add3A_1820 = arith.addf %add3A_1742, %select_n3A_1819 : vector<16xf32>
      %eq3A_1821 = arith.constant 4 : i32
      %eq3A_1822 = vector.broadcast %eq3A_1821 : i32 to vector<16xi32>
      %eq3A_1823 = arith.cmpi eq, %get3A_1800, %eq3A_1822 : vector<16xi32>
      %select_n3A_1824 = arith.select %eq3A_1823, %broadcast_in_dim3A_5, %broadcast_in_dim3A_3 : vector<16xi1>, vector<16xf32>
      %add3A_1825 = arith.addf %add3A_1747, %select_n3A_1824 : vector<16xf32>
      %eq3A_1826 = arith.constant 5 : i32
      %eq3A_1827 = vector.broadcast %eq3A_1826 : i32 to vector<16xi32>
      %eq3A_1828 = arith.cmpi eq, %get3A_1800, %eq3A_1827 : vector<16xi32>
      %select_n3A_1829 = arith.select %eq3A_1828, %broadcast_in_dim3A_5, %broadcast_in_dim3A_3 : vector<16xi1>, vector<16xf32>
      %add3A_1830 = arith.addf %add3A_1752, %select_n3A_1829 : vector<16xf32>
      %eq3A_1831 = arith.constant 6 : i32
      %eq3A_1832 = vector.broadcast %eq3A_1831 : i32 to vector<16xi32>
      %eq3A_1833 = arith.cmpi eq, %get3A_1800, %eq3A_1832 : vector<16xi32>
      %select_n3A_1834 = arith.select %eq3A_1833, %broadcast_in_dim3A_5, %broadcast_in_dim3A_3 : vector<16xi1>, vector<16xf32>
      %add3A_1835 = arith.addf %add3A_1757, %select_n3A_1834 : vector<16xf32>
      %eq3A_1836 = arith.constant 7 : i32
      %eq3A_1837 = vector.broadcast %eq3A_1836 : i32 to vector<16xi32>
      %eq3A_1838 = arith.cmpi eq, %get3A_1800, %eq3A_1837 : vector<16xi32>
      %select_n3A_1839 = arith.select %eq3A_1838, %broadcast_in_dim3A_5, %broadcast_in_dim3A_3 : vector<16xi1>, vector<16xf32>
      %add3A_1840 = arith.addf %add3A_1762, %select_n3A_1839 : vector<16xf32>
      %eq3A_1841 = arith.constant 8 : i32
      %eq3A_1842 = vector.broadcast %eq3A_1841 : i32 to vector<16xi32>
      %eq3A_1843 = arith.cmpi eq, %get3A_1800, %eq3A_1842 : vector<16xi32>
      %select_n3A_1844 = arith.select %eq3A_1843, %broadcast_in_dim3A_5, %broadcast_in_dim3A_3 : vector<16xi1>, vector<16xf32>
      %add3A_1845 = arith.addf %add3A_1767, %select_n3A_1844 : vector<16xf32>
      %eq3A_1846 = arith.constant 9 : i32
      %eq3A_1847 = vector.broadcast %eq3A_1846 : i32 to vector<16xi32>
      %eq3A_1848 = arith.cmpi eq, %get3A_1800, %eq3A_1847 : vector<16xi32>
      %select_n3A_1849 = arith.select %eq3A_1848, %broadcast_in_dim3A_5, %broadcast_in_dim3A_3 : vector<16xi1>, vector<16xf32>
      %add3A_1850 = arith.addf %add3A_1772, %select_n3A_1849 : vector<16xf32>
      %eq3A_1851 = arith.constant 10 : i32
      %eq3A_1852 = vector.broadcast %eq3A_1851 : i32 to vector<16xi32>
      %eq3A_1853 = arith.cmpi eq, %get3A_1800, %eq3A_1852 : vector<16xi32>
      %select_n3A_1854 = arith.select %eq3A_1853, %broadcast_in_dim3A_5, %broadcast_in_dim3A_3 : vector<16xi1>, vector<16xf32>
      %add3A_1855 = arith.addf %add3A_1777, %select_n3A_1854 : vector<16xf32>
      %eq3A_1856 = arith.constant 11 : i32
      %eq3A_1857 = vector.broadcast %eq3A_1856 : i32 to vector<16xi32>
      %eq3A_1858 = arith.cmpi eq, %get3A_1800, %eq3A_1857 : vector<16xi32>
      %select_n3A_1859 = arith.select %eq3A_1858, %broadcast_in_dim3A_5, %broadcast_in_dim3A_3 : vector<16xi1>, vector<16xf32>
      %add3A_1860 = arith.addf %add3A_1782, %select_n3A_1859 : vector<16xf32>
      %eq3A_1861 = arith.constant 12 : i32
      %eq3A_1862 = vector.broadcast %eq3A_1861 : i32 to vector<16xi32>
      %eq3A_1863 = arith.cmpi eq, %get3A_1800, %eq3A_1862 : vector<16xi32>
      %select_n3A_1864 = arith.select %eq3A_1863, %broadcast_in_dim3A_5, %broadcast_in_dim3A_3 : vector<16xi1>, vector<16xf32>
      %add3A_1865 = arith.addf %add3A_1787, %select_n3A_1864 : vector<16xf32>
      %eq3A_1866 = arith.constant 13 : i32
      %eq3A_1867 = vector.broadcast %eq3A_1866 : i32 to vector<16xi32>
      %eq3A_1868 = arith.cmpi eq, %get3A_1800, %eq3A_1867 : vector<16xi32>
      %select_n3A_1869 = arith.select %eq3A_1868, %broadcast_in_dim3A_5, %broadcast_in_dim3A_3 : vector<16xi1>, vector<16xf32>
      %add3A_1870 = arith.addf %add3A_1792, %select_n3A_1869 : vector<16xf32>
      %eq3A_1871 = arith.constant 14 : i32
      %eq3A_1872 = vector.broadcast %eq3A_1871 : i32 to vector<16xi32>
      %eq3A_1873 = arith.cmpi eq, %get3A_1800, %eq3A_1872 : vector<16xi32>
      %select_n3A_1874 = arith.select %eq3A_1873, %broadcast_in_dim3A_5, %broadcast_in_dim3A_3 : vector<16xi1>, vector<16xf32>
      %add3A_1875 = arith.addf %add3A_1797, %select_n3A_1874 : vector<16xf32>
      %get3A_1876 = arith.constant 384 : index
      %get3A_1877 = tpu.vector_load %arg4[%get3A_1876] {strides = array<i32>} : memref<448xi32, #tpu.memory_space<vmem>>, vector<16xi32>,
      %get3A_1878 = vector.shape_cast %get3A_1877 : vector<16xi32> to vector<16xi32>
      %eq3A_1879 = arith.constant 0 : i32
      %eq3A_1880 = vector.broadcast %eq3A_1879 : i32 to vector<16xi32>
      %eq3A_1881 = arith.cmpi eq, %get3A_1878, %eq3A_1880 : vector<16xi32>
      %select_n3A_1882 = arith.select %eq3A_1881, %broadcast_in_dim3A_5, %broadcast_in_dim3A_3 : vector<16xi1>, vector<16xf32>
      %add3A_1883 = arith.addf %add3A_1805, %select_n3A_1882 : vector<16xf32>
      %eq3A_1884 = arith.constant 1 : i32
      %eq3A_1885 = vector.broadcast %eq3A_1884 : i32 to vector<16xi32>
      %eq3A_1886 = arith.cmpi eq, %get3A_1878, %eq3A_1885 : vector<16xi32>
      %select_n3A_1887 = arith.select %eq3A_1886, %broadcast_in_dim3A_5, %broadcast_in_dim3A_3 : vector<16xi1>, vector<16xf32>
      %add3A_1888 = arith.addf %add3A_1810, %select_n3A_1887 : vector<16xf32>
      %eq3A_1889 = arith.constant 2 : i32
      %eq3A_1890 = vector.broadcast %eq3A_1889 : i32 to vector<16xi32>
      %eq3A_1891 = arith.cmpi eq, %get3A_1878, %eq3A_1890 : vector<16xi32>
      %select_n3A_1892 = arith.select %eq3A_1891, %broadcast_in_dim3A_5, %broadcast_in_dim3A_3 : vector<16xi1>, vector<16xf32>
      %add3A_1893 = arith.addf %add3A_1815, %select_n3A_1892 : vector<16xf32>
      %eq3A_1894 = arith.constant 3 : i32
      %eq3A_1895 = vector.broadcast %eq3A_1894 : i32 to vector<16xi32>
      %eq3A_1896 = arith.cmpi eq, %get3A_1878, %eq3A_1895 : vector<16xi32>
      %select_n3A_1897 = arith.select %eq3A_1896, %broadcast_in_dim3A_5, %broadcast_in_dim3A_3 : vector<16xi1>, vector<16xf32>
      %add3A_1898 = arith.addf %add3A_1820, %select_n3A_1897 : vector<16xf32>
      %eq3A_1899 = arith.constant 4 : i32
      %eq3A_1900 = vector.broadcast %eq3A_1899 : i32 to vector<16xi32>
      %eq3A_1901 = arith.cmpi eq, %get3A_1878, %eq3A_1900 : vector<16xi32>
      %select_n3A_1902 = arith.select %eq3A_1901, %broadcast_in_dim3A_5, %broadcast_in_dim3A_3 : vector<16xi1>, vector<16xf32>
      %add3A_1903 = arith.addf %add3A_1825, %select_n3A_1902 : vector<16xf32>
      %eq3A_1904 = arith.constant 5 : i32
      %eq3A_1905 = vector.broadcast %eq3A_1904 : i32 to vector<16xi32>
      %eq3A_1906 = arith.cmpi eq, %get3A_1878, %eq3A_1905 : vector<16xi32>
      %select_n3A_1907 = arith.select %eq3A_1906, %broadcast_in_dim3A_5, %broadcast_in_dim3A_3 : vector<16xi1>, vector<16xf32>
      %add3A_1908 = arith.addf %add3A_1830, %select_n3A_1907 : vector<16xf32>
      %eq3A_1909 = arith.constant 6 : i32
      %eq3A_1910 = vector.broadcast %eq3A_1909 : i32 to vector<16xi32>
      %eq3A_1911 = arith.cmpi eq, %get3A_1878, %eq3A_1910 : vector<16xi32>
      %select_n3A_1912 = arith.select %eq3A_1911, %broadcast_in_dim3A_5, %broadcast_in_dim3A_3 : vector<16xi1>, vector<16xf32>
      %add3A_1913 = arith.addf %add3A_1835, %select_n3A_1912 : vector<16xf32>
      %eq3A_1914 = arith.constant 7 : i32
      %eq3A_1915 = vector.broadcast %eq3A_1914 : i32 to vector<16xi32>
      %eq3A_1916 = arith.cmpi eq, %get3A_1878, %eq3A_1915 : vector<16xi32>
      %select_n3A_1917 = arith.select %eq3A_1916, %broadcast_in_dim3A_5, %broadcast_in_dim3A_3 : vector<16xi1>, vector<16xf32>
      %add3A_1918 = arith.addf %add3A_1840, %select_n3A_1917 : vector<16xf32>
      %eq3A_1919 = arith.constant 8 : i32
      %eq3A_1920 = vector.broadcast %eq3A_1919 : i32 to vector<16xi32>
      %eq3A_1921 = arith.cmpi eq, %get3A_1878, %eq3A_1920 : vector<16xi32>
      %select_n3A_1922 = arith.select %eq3A_1921, %broadcast_in_dim3A_5, %broadcast_in_dim3A_3 : vector<16xi1>, vector<16xf32>
      %add3A_1923 = arith.addf %add3A_1845, %select_n3A_1922 : vector<16xf32>
      %eq3A_1924 = arith.constant 9 : i32
      %eq3A_1925 = vector.broadcast %eq3A_1924 : i32 to vector<16xi32>
      %eq3A_1926 = arith.cmpi eq, %get3A_1878, %eq3A_1925 : vector<16xi32>
      %select_n3A_1927 = arith.select %eq3A_1926, %broadcast_in_dim3A_5, %broadcast_in_dim3A_3 : vector<16xi1>, vector<16xf32>
      %add3A_1928 = arith.addf %add3A_1850, %select_n3A_1927 : vector<16xf32>
      %eq3A_1929 = arith.constant 10 : i32
      %eq3A_1930 = vector.broadcast %eq3A_1929 : i32 to vector<16xi32>
      %eq3A_1931 = arith.cmpi eq, %get3A_1878, %eq3A_1930 : vector<16xi32>
      %select_n3A_1932 = arith.select %eq3A_1931, %broadcast_in_dim3A_5, %broadcast_in_dim3A_3 : vector<16xi1>, vector<16xf32>
      %add3A_1933 = arith.addf %add3A_1855, %select_n3A_1932 : vector<16xf32>
      %eq3A_1934 = arith.constant 11 : i32
      %eq3A_1935 = vector.broadcast %eq3A_1934 : i32 to vector<16xi32>
      %eq3A_1936 = arith.cmpi eq, %get3A_1878, %eq3A_1935 : vector<16xi32>
      %select_n3A_1937 = arith.select %eq3A_1936, %broadcast_in_dim3A_5, %broadcast_in_dim3A_3 : vector<16xi1>, vector<16xf32>
      %add3A_1938 = arith.addf %add3A_1860, %select_n3A_1937 : vector<16xf32>
      %eq3A_1939 = arith.constant 12 : i32
      %eq3A_1940 = vector.broadcast %eq3A_1939 : i32 to vector<16xi32>
      %eq3A_1941 = arith.cmpi eq, %get3A_1878, %eq3A_1940 : vector<16xi32>
      %select_n3A_1942 = arith.select %eq3A_1941, %broadcast_in_dim3A_5, %broadcast_in_dim3A_3 : vector<16xi1>, vector<16xf32>
      %add3A_1943 = arith.addf %add3A_1865, %select_n3A_1942 : vector<16xf32>
      %eq3A_1944 = arith.constant 13 : i32
      %eq3A_1945 = vector.broadcast %eq3A_1944 : i32 to vector<16xi32>
      %eq3A_1946 = arith.cmpi eq, %get3A_1878, %eq3A_1945 : vector<16xi32>
      %select_n3A_1947 = arith.select %eq3A_1946, %broadcast_in_dim3A_5, %broadcast_in_dim3A_3 : vector<16xi1>, vector<16xf32>
      %add3A_1948 = arith.addf %add3A_1870, %select_n3A_1947 : vector<16xf32>
      %eq3A_1949 = arith.constant 14 : i32
      %eq3A_1950 = vector.broadcast %eq3A_1949 : i32 to vector<16xi32>
      %eq3A_1951 = arith.cmpi eq, %get3A_1878, %eq3A_1950 : vector<16xi32>
      %select_n3A_1952 = arith.select %eq3A_1951, %broadcast_in_dim3A_5, %broadcast_in_dim3A_3 : vector<16xi1>, vector<16xf32>
      %add3A_1953 = arith.addf %add3A_1875, %select_n3A_1952 : vector<16xf32>
      %get3A_1954 = arith.constant 400 : index
      %get3A_1955 = tpu.vector_load %arg4[%get3A_1954] {strides = array<i32>} : memref<448xi32, #tpu.memory_space<vmem>>, vector<16xi32>,
      %get3A_1956 = vector.shape_cast %get3A_1955 : vector<16xi32> to vector<16xi32>
      %eq3A_1957 = arith.constant 0 : i32
      %eq3A_1958 = vector.broadcast %eq3A_1957 : i32 to vector<16xi32>
      %eq3A_1959 = arith.cmpi eq, %get3A_1956, %eq3A_1958 : vector<16xi32>
      %select_n3A_1960 = arith.select %eq3A_1959, %broadcast_in_dim3A_5, %broadcast_in_dim3A_3 : vector<16xi1>, vector<16xf32>
      %add3A_1961 = arith.addf %add3A_1883, %select_n3A_1960 : vector<16xf32>
      %eq3A_1962 = arith.constant 1 : i32
      %eq3A_1963 = vector.broadcast %eq3A_1962 : i32 to vector<16xi32>
      %eq3A_1964 = arith.cmpi eq, %get3A_1956, %eq3A_1963 : vector<16xi32>
      %select_n3A_1965 = arith.select %eq3A_1964, %broadcast_in_dim3A_5, %broadcast_in_dim3A_3 : vector<16xi1>, vector<16xf32>
      %add3A_1966 = arith.addf %add3A_1888, %select_n3A_1965 : vector<16xf32>
      %eq3A_1967 = arith.constant 2 : i32
      %eq3A_1968 = vector.broadcast %eq3A_1967 : i32 to vector<16xi32>
      %eq3A_1969 = arith.cmpi eq, %get3A_1956, %eq3A_1968 : vector<16xi32>
      %select_n3A_1970 = arith.select %eq3A_1969, %broadcast_in_dim3A_5, %broadcast_in_dim3A_3 : vector<16xi1>, vector<16xf32>
      %add3A_1971 = arith.addf %add3A_1893, %select_n3A_1970 : vector<16xf32>
      %eq3A_1972 = arith.constant 3 : i32
      %eq3A_1973 = vector.broadcast %eq3A_1972 : i32 to vector<16xi32>
      %eq3A_1974 = arith.cmpi eq, %get3A_1956, %eq3A_1973 : vector<16xi32>
      %select_n3A_1975 = arith.select %eq3A_1974, %broadcast_in_dim3A_5, %broadcast_in_dim3A_3 : vector<16xi1>, vector<16xf32>
      %add3A_1976 = arith.addf %add3A_1898, %select_n3A_1975 : vector<16xf32>
      %eq3A_1977 = arith.constant 4 : i32
      %eq3A_1978 = vector.broadcast %eq3A_1977 : i32 to vector<16xi32>
      %eq3A_1979 = arith.cmpi eq, %get3A_1956, %eq3A_1978 : vector<16xi32>
      %select_n3A_1980 = arith.select %eq3A_1979, %broadcast_in_dim3A_5, %broadcast_in_dim3A_3 : vector<16xi1>, vector<16xf32>
      %add3A_1981 = arith.addf %add3A_1903, %select_n3A_1980 : vector<16xf32>
      %eq3A_1982 = arith.constant 5 : i32
      %eq3A_1983 = vector.broadcast %eq3A_1982 : i32 to vector<16xi32>
      %eq3A_1984 = arith.cmpi eq, %get3A_1956, %eq3A_1983 : vector<16xi32>
      %select_n3A_1985 = arith.select %eq3A_1984, %broadcast_in_dim3A_5, %broadcast_in_dim3A_3 : vector<16xi1>, vector<16xf32>
      %add3A_1986 = arith.addf %add3A_1908, %select_n3A_1985 : vector<16xf32>
      %eq3A_1987 = arith.constant 6 : i32
      %eq3A_1988 = vector.broadcast %eq3A_1987 : i32 to vector<16xi32>
      %eq3A_1989 = arith.cmpi eq, %get3A_1956, %eq3A_1988 : vector<16xi32>
      %select_n3A_1990 = arith.select %eq3A_1989, %broadcast_in_dim3A_5, %broadcast_in_dim3A_3 : vector<16xi1>, vector<16xf32>
      %add3A_1991 = arith.addf %add3A_1913, %select_n3A_1990 : vector<16xf32>
      %eq3A_1992 = arith.constant 7 : i32
      %eq3A_1993 = vector.broadcast %eq3A_1992 : i32 to vector<16xi32>
      %eq3A_1994 = arith.cmpi eq, %get3A_1956, %eq3A_1993 : vector<16xi32>
      %select_n3A_1995 = arith.select %eq3A_1994, %broadcast_in_dim3A_5, %broadcast_in_dim3A_3 : vector<16xi1>, vector<16xf32>
      %add3A_1996 = arith.addf %add3A_1918, %select_n3A_1995 : vector<16xf32>
      %eq3A_1997 = arith.constant 8 : i32
      %eq3A_1998 = vector.broadcast %eq3A_1997 : i32 to vector<16xi32>
      %eq3A_1999 = arith.cmpi eq, %get3A_1956, %eq3A_1998 : vector<16xi32>
      %select_n3A_2000 = arith.select %eq3A_1999, %broadcast_in_dim3A_5, %broadcast_in_dim3A_3 : vector<16xi1>, vector<16xf32>
      %add3A_2001 = arith.addf %add3A_1923, %select_n3A_2000 : vector<16xf32>
      %eq3A_2002 = arith.constant 9 : i32
      %eq3A_2003 = vector.broadcast %eq3A_2002 : i32 to vector<16xi32>
      %eq3A_2004 = arith.cmpi eq, %get3A_1956, %eq3A_2003 : vector<16xi32>
      %select_n3A_2005 = arith.select %eq3A_2004, %broadcast_in_dim3A_5, %broadcast_in_dim3A_3 : vector<16xi1>, vector<16xf32>
      %add3A_2006 = arith.addf %add3A_1928, %select_n3A_2005 : vector<16xf32>
      %eq3A_2007 = arith.constant 10 : i32
      %eq3A_2008 = vector.broadcast %eq3A_2007 : i32 to vector<16xi32>
      %eq3A_2009 = arith.cmpi eq, %get3A_1956, %eq3A_2008 : vector<16xi32>
      %select_n3A_2010 = arith.select %eq3A_2009, %broadcast_in_dim3A_5, %broadcast_in_dim3A_3 : vector<16xi1>, vector<16xf32>
      %add3A_2011 = arith.addf %add3A_1933, %select_n3A_2010 : vector<16xf32>
      %eq3A_2012 = arith.constant 11 : i32
      %eq3A_2013 = vector.broadcast %eq3A_2012 : i32 to vector<16xi32>
      %eq3A_2014 = arith.cmpi eq, %get3A_1956, %eq3A_2013 : vector<16xi32>
      %select_n3A_2015 = arith.select %eq3A_2014, %broadcast_in_dim3A_5, %broadcast_in_dim3A_3 : vector<16xi1>, vector<16xf32>
      %add3A_2016 = arith.addf %add3A_1938, %select_n3A_2015 : vector<16xf32>
      %eq3A_2017 = arith.constant 12 : i32
      %eq3A_2018 = vector.broadcast %eq3A_2017 : i32 to vector<16xi32>
      %eq3A_2019 = arith.cmpi eq, %get3A_1956, %eq3A_2018 : vector<16xi32>
      %select_n3A_2020 = arith.select %eq3A_2019, %broadcast_in_dim3A_5, %broadcast_in_dim3A_3 : vector<16xi1>, vector<16xf32>
      %add3A_2021 = arith.addf %add3A_1943, %select_n3A_2020 : vector<16xf32>
      %eq3A_2022 = arith.constant 13 : i32
      %eq3A_2023 = vector.broadcast %eq3A_2022 : i32 to vector<16xi32>
      %eq3A_2024 = arith.cmpi eq, %get3A_1956, %eq3A_2023 : vector<16xi32>
      %select_n3A_2025 = arith.select %eq3A_2024, %broadcast_in_dim3A_5, %broadcast_in_dim3A_3 : vector<16xi1>, vector<16xf32>
      %add3A_2026 = arith.addf %add3A_1948, %select_n3A_2025 : vector<16xf32>
      %eq3A_2027 = arith.constant 14 : i32
      %eq3A_2028 = vector.broadcast %eq3A_2027 : i32 to vector<16xi32>
      %eq3A_2029 = arith.cmpi eq, %get3A_1956, %eq3A_2028 : vector<16xi32>
      %select_n3A_2030 = arith.select %eq3A_2029, %broadcast_in_dim3A_5, %broadcast_in_dim3A_3 : vector<16xi1>, vector<16xf32>
      %add3A_2031 = arith.addf %add3A_1953, %select_n3A_2030 : vector<16xf32>
      %get3A_2032 = arith.constant 416 : index
      %get3A_2033 = tpu.vector_load %arg4[%get3A_2032] {strides = array<i32>} : memref<448xi32, #tpu.memory_space<vmem>>, vector<16xi32>,
      %get3A_2034 = vector.shape_cast %get3A_2033 : vector<16xi32> to vector<16xi32>
      %eq3A_2035 = arith.constant 0 : i32
      %eq3A_2036 = vector.broadcast %eq3A_2035 : i32 to vector<16xi32>
      %eq3A_2037 = arith.cmpi eq, %get3A_2034, %eq3A_2036 : vector<16xi32>
      %select_n3A_2038 = arith.select %eq3A_2037, %broadcast_in_dim3A_5, %broadcast_in_dim3A_3 : vector<16xi1>, vector<16xf32>
      %add3A_2039 = arith.addf %add3A_1961, %select_n3A_2038 : vector<16xf32>
      %eq3A_2040 = arith.constant 1 : i32
      %eq3A_2041 = vector.broadcast %eq3A_2040 : i32 to vector<16xi32>
      %eq3A_2042 = arith.cmpi eq, %get3A_2034, %eq3A_2041 : vector<16xi32>
      %select_n3A_2043 = arith.select %eq3A_2042, %broadcast_in_dim3A_5, %broadcast_in_dim3A_3 : vector<16xi1>, vector<16xf32>
      %add3A_2044 = arith.addf %add3A_1966, %select_n3A_2043 : vector<16xf32>
      %eq3A_2045 = arith.constant 2 : i32
      %eq3A_2046 = vector.broadcast %eq3A_2045 : i32 to vector<16xi32>
      %eq3A_2047 = arith.cmpi eq, %get3A_2034, %eq3A_2046 : vector<16xi32>
      %select_n3A_2048 = arith.select %eq3A_2047, %broadcast_in_dim3A_5, %broadcast_in_dim3A_3 : vector<16xi1>, vector<16xf32>
      %add3A_2049 = arith.addf %add3A_1971, %select_n3A_2048 : vector<16xf32>
      %eq3A_2050 = arith.constant 3 : i32
      %eq3A_2051 = vector.broadcast %eq3A_2050 : i32 to vector<16xi32>
      %eq3A_2052 = arith.cmpi eq, %get3A_2034, %eq3A_2051 : vector<16xi32>
      %select_n3A_2053 = arith.select %eq3A_2052, %broadcast_in_dim3A_5, %broadcast_in_dim3A_3 : vector<16xi1>, vector<16xf32>
      %add3A_2054 = arith.addf %add3A_1976, %select_n3A_2053 : vector<16xf32>
      %eq3A_2055 = arith.constant 4 : i32
      %eq3A_2056 = vector.broadcast %eq3A_2055 : i32 to vector<16xi32>
      %eq3A_2057 = arith.cmpi eq, %get3A_2034, %eq3A_2056 : vector<16xi32>
      %select_n3A_2058 = arith.select %eq3A_2057, %broadcast_in_dim3A_5, %broadcast_in_dim3A_3 : vector<16xi1>, vector<16xf32>
      %add3A_2059 = arith.addf %add3A_1981, %select_n3A_2058 : vector<16xf32>
      %eq3A_2060 = arith.constant 5 : i32
      %eq3A_2061 = vector.broadcast %eq3A_2060 : i32 to vector<16xi32>
      %eq3A_2062 = arith.cmpi eq, %get3A_2034, %eq3A_2061 : vector<16xi32>
      %select_n3A_2063 = arith.select %eq3A_2062, %broadcast_in_dim3A_5, %broadcast_in_dim3A_3 : vector<16xi1>, vector<16xf32>
      %add3A_2064 = arith.addf %add3A_1986, %select_n3A_2063 : vector<16xf32>
      %eq3A_2065 = arith.constant 6 : i32
      %eq3A_2066 = vector.broadcast %eq3A_2065 : i32 to vector<16xi32>
      %eq3A_2067 = arith.cmpi eq, %get3A_2034, %eq3A_2066 : vector<16xi32>
      %select_n3A_2068 = arith.select %eq3A_2067, %broadcast_in_dim3A_5, %broadcast_in_dim3A_3 : vector<16xi1>, vector<16xf32>
      %add3A_2069 = arith.addf %add3A_1991, %select_n3A_2068 : vector<16xf32>
      %eq3A_2070 = arith.constant 7 : i32
      %eq3A_2071 = vector.broadcast %eq3A_2070 : i32 to vector<16xi32>
      %eq3A_2072 = arith.cmpi eq, %get3A_2034, %eq3A_2071 : vector<16xi32>
      %select_n3A_2073 = arith.select %eq3A_2072, %broadcast_in_dim3A_5, %broadcast_in_dim3A_3 : vector<16xi1>, vector<16xf32>
      %add3A_2074 = arith.addf %add3A_1996, %select_n3A_2073 : vector<16xf32>
      %eq3A_2075 = arith.constant 8 : i32
      %eq3A_2076 = vector.broadcast %eq3A_2075 : i32 to vector<16xi32>
      %eq3A_2077 = arith.cmpi eq, %get3A_2034, %eq3A_2076 : vector<16xi32>
      %select_n3A_2078 = arith.select %eq3A_2077, %broadcast_in_dim3A_5, %broadcast_in_dim3A_3 : vector<16xi1>, vector<16xf32>
      %add3A_2079 = arith.addf %add3A_2001, %select_n3A_2078 : vector<16xf32>
      %eq3A_2080 = arith.constant 9 : i32
      %eq3A_2081 = vector.broadcast %eq3A_2080 : i32 to vector<16xi32>
      %eq3A_2082 = arith.cmpi eq, %get3A_2034, %eq3A_2081 : vector<16xi32>
      %select_n3A_2083 = arith.select %eq3A_2082, %broadcast_in_dim3A_5, %broadcast_in_dim3A_3 : vector<16xi1>, vector<16xf32>
      %add3A_2084 = arith.addf %add3A_2006, %select_n3A_2083 : vector<16xf32>
      %eq3A_2085 = arith.constant 10 : i32
      %eq3A_2086 = vector.broadcast %eq3A_2085 : i32 to vector<16xi32>
      %eq3A_2087 = arith.cmpi eq, %get3A_2034, %eq3A_2086 : vector<16xi32>
      %select_n3A_2088 = arith.select %eq3A_2087, %broadcast_in_dim3A_5, %broadcast_in_dim3A_3 : vector<16xi1>, vector<16xf32>
      %add3A_2089 = arith.addf %add3A_2011, %select_n3A_2088 : vector<16xf32>
      %eq3A_2090 = arith.constant 11 : i32
      %eq3A_2091 = vector.broadcast %eq3A_2090 : i32 to vector<16xi32>
      %eq3A_2092 = arith.cmpi eq, %get3A_2034, %eq3A_2091 : vector<16xi32>
      %select_n3A_2093 = arith.select %eq3A_2092, %broadcast_in_dim3A_5, %broadcast_in_dim3A_3 : vector<16xi1>, vector<16xf32>
      %add3A_2094 = arith.addf %add3A_2016, %select_n3A_2093 : vector<16xf32>
      %eq3A_2095 = arith.constant 12 : i32
      %eq3A_2096 = vector.broadcast %eq3A_2095 : i32 to vector<16xi32>
      %eq3A_2097 = arith.cmpi eq, %get3A_2034, %eq3A_2096 : vector<16xi32>
      %select_n3A_2098 = arith.select %eq3A_2097, %broadcast_in_dim3A_5, %broadcast_in_dim3A_3 : vector<16xi1>, vector<16xf32>
      %add3A_2099 = arith.addf %add3A_2021, %select_n3A_2098 : vector<16xf32>
      %eq3A_2100 = arith.constant 13 : i32
      %eq3A_2101 = vector.broadcast %eq3A_2100 : i32 to vector<16xi32>
      %eq3A_2102 = arith.cmpi eq, %get3A_2034, %eq3A_2101 : vector<16xi32>
      %select_n3A_2103 = arith.select %eq3A_2102, %broadcast_in_dim3A_5, %broadcast_in_dim3A_3 : vector<16xi1>, vector<16xf32>
      %add3A_2104 = arith.addf %add3A_2026, %select_n3A_2103 : vector<16xf32>
      %eq3A_2105 = arith.constant 14 : i32
      %eq3A_2106 = vector.broadcast %eq3A_2105 : i32 to vector<16xi32>
      %eq3A_2107 = arith.cmpi eq, %get3A_2034, %eq3A_2106 : vector<16xi32>
      %select_n3A_2108 = arith.select %eq3A_2107, %broadcast_in_dim3A_5, %broadcast_in_dim3A_3 : vector<16xi1>, vector<16xf32>
      %add3A_2109 = arith.addf %add3A_2031, %select_n3A_2108 : vector<16xf32>
      %get3A_2110 = arith.constant 432 : index
      %get3A_2111 = tpu.vector_load %arg4[%get3A_2110] {strides = array<i32>} : memref<448xi32, #tpu.memory_space<vmem>>, vector<16xi32>,
      %get3A_2112 = vector.shape_cast %get3A_2111 : vector<16xi32> to vector<16xi32>
      %eq3A_2113 = arith.constant 0 : i32
      %eq3A_2114 = vector.broadcast %eq3A_2113 : i32 to vector<16xi32>
      %eq3A_2115 = arith.cmpi eq, %get3A_2112, %eq3A_2114 : vector<16xi32>
      %select_n3A_2116 = arith.select %eq3A_2115, %broadcast_in_dim3A_5, %broadcast_in_dim3A_3 : vector<16xi1>, vector<16xf32>
      %add3A_2117 = arith.addf %add3A_2039, %select_n3A_2116 : vector<16xf32>
      %eq3A_2118 = arith.constant 1 : i32
      %eq3A_2119 = vector.broadcast %eq3A_2118 : i32 to vector<16xi32>
      %eq3A_2120 = arith.cmpi eq, %get3A_2112, %eq3A_2119 : vector<16xi32>
      %select_n3A_2121 = arith.select %eq3A_2120, %broadcast_in_dim3A_5, %broadcast_in_dim3A_3 : vector<16xi1>, vector<16xf32>
      %add3A_2122 = arith.addf %add3A_2044, %select_n3A_2121 : vector<16xf32>
      %eq3A_2123 = arith.constant 2 : i32
      %eq3A_2124 = vector.broadcast %eq3A_2123 : i32 to vector<16xi32>
      %eq3A_2125 = arith.cmpi eq, %get3A_2112, %eq3A_2124 : vector<16xi32>
      %select_n3A_2126 = arith.select %eq3A_2125, %broadcast_in_dim3A_5, %broadcast_in_dim3A_3 : vector<16xi1>, vector<16xf32>
      %add3A_2127 = arith.addf %add3A_2049, %select_n3A_2126 : vector<16xf32>
      %eq3A_2128 = arith.constant 3 : i32
      %eq3A_2129 = vector.broadcast %eq3A_2128 : i32 to vector<16xi32>
      %eq3A_2130 = arith.cmpi eq, %get3A_2112, %eq3A_2129 : vector<16xi32>
      %select_n3A_2131 = arith.select %eq3A_2130, %broadcast_in_dim3A_5, %broadcast_in_dim3A_3 : vector<16xi1>, vector<16xf32>
      %add3A_2132 = arith.addf %add3A_2054, %select_n3A_2131 : vector<16xf32>
      %eq3A_2133 = arith.constant 4 : i32
      %eq3A_2134 = vector.broadcast %eq3A_2133 : i32 to vector<16xi32>
      %eq3A_2135 = arith.cmpi eq, %get3A_2112, %eq3A_2134 : vector<16xi32>
      %select_n3A_2136 = arith.select %eq3A_2135, %broadcast_in_dim3A_5, %broadcast_in_dim3A_3 : vector<16xi1>, vector<16xf32>
      %add3A_2137 = arith.addf %add3A_2059, %select_n3A_2136 : vector<16xf32>
      %eq3A_2138 = arith.constant 5 : i32
      %eq3A_2139 = vector.broadcast %eq3A_2138 : i32 to vector<16xi32>
      %eq3A_2140 = arith.cmpi eq, %get3A_2112, %eq3A_2139 : vector<16xi32>
      %select_n3A_2141 = arith.select %eq3A_2140, %broadcast_in_dim3A_5, %broadcast_in_dim3A_3 : vector<16xi1>, vector<16xf32>
      %add3A_2142 = arith.addf %add3A_2064, %select_n3A_2141 : vector<16xf32>
      %eq3A_2143 = arith.constant 6 : i32
      %eq3A_2144 = vector.broadcast %eq3A_2143 : i32 to vector<16xi32>
      %eq3A_2145 = arith.cmpi eq, %get3A_2112, %eq3A_2144 : vector<16xi32>
      %select_n3A_2146 = arith.select %eq3A_2145, %broadcast_in_dim3A_5, %broadcast_in_dim3A_3 : vector<16xi1>, vector<16xf32>
      %add3A_2147 = arith.addf %add3A_2069, %select_n3A_2146 : vector<16xf32>
      %eq3A_2148 = arith.constant 7 : i32
      %eq3A_2149 = vector.broadcast %eq3A_2148 : i32 to vector<16xi32>
      %eq3A_2150 = arith.cmpi eq, %get3A_2112, %eq3A_2149 : vector<16xi32>
      %select_n3A_2151 = arith.select %eq3A_2150, %broadcast_in_dim3A_5, %broadcast_in_dim3A_3 : vector<16xi1>, vector<16xf32>
      %add3A_2152 = arith.addf %add3A_2074, %select_n3A_2151 : vector<16xf32>
      %eq3A_2153 = arith.constant 8 : i32
      %eq3A_2154 = vector.broadcast %eq3A_2153 : i32 to vector<16xi32>
      %eq3A_2155 = arith.cmpi eq, %get3A_2112, %eq3A_2154 : vector<16xi32>
      %select_n3A_2156 = arith.select %eq3A_2155, %broadcast_in_dim3A_5, %broadcast_in_dim3A_3 : vector<16xi1>, vector<16xf32>
      %add3A_2157 = arith.addf %add3A_2079, %select_n3A_2156 : vector<16xf32>
      %eq3A_2158 = arith.constant 9 : i32
      %eq3A_2159 = vector.broadcast %eq3A_2158 : i32 to vector<16xi32>
      %eq3A_2160 = arith.cmpi eq, %get3A_2112, %eq3A_2159 : vector<16xi32>
      %select_n3A_2161 = arith.select %eq3A_2160, %broadcast_in_dim3A_5, %broadcast_in_dim3A_3 : vector<16xi1>, vector<16xf32>
      %add3A_2162 = arith.addf %add3A_2084, %select_n3A_2161 : vector<16xf32>
      %eq3A_2163 = arith.constant 10 : i32
      %eq3A_2164 = vector.broadcast %eq3A_2163 : i32 to vector<16xi32>
      %eq3A_2165 = arith.cmpi eq, %get3A_2112, %eq3A_2164 : vector<16xi32>
      %select_n3A_2166 = arith.select %eq3A_2165, %broadcast_in_dim3A_5, %broadcast_in_dim3A_3 : vector<16xi1>, vector<16xf32>
      %add3A_2167 = arith.addf %add3A_2089, %select_n3A_2166 : vector<16xf32>
      %eq3A_2168 = arith.constant 11 : i32
      %eq3A_2169 = vector.broadcast %eq3A_2168 : i32 to vector<16xi32>
      %eq3A_2170 = arith.cmpi eq, %get3A_2112, %eq3A_2169 : vector<16xi32>
      %select_n3A_2171 = arith.select %eq3A_2170, %broadcast_in_dim3A_5, %broadcast_in_dim3A_3 : vector<16xi1>, vector<16xf32>
      %add3A_2172 = arith.addf %add3A_2094, %select_n3A_2171 : vector<16xf32>
      %eq3A_2173 = arith.constant 12 : i32
      %eq3A_2174 = vector.broadcast %eq3A_2173 : i32 to vector<16xi32>
      %eq3A_2175 = arith.cmpi eq, %get3A_2112, %eq3A_2174 : vector<16xi32>
      %select_n3A_2176 = arith.select %eq3A_2175, %broadcast_in_dim3A_5, %broadcast_in_dim3A_3 : vector<16xi1>, vector<16xf32>
      %add3A_2177 = arith.addf %add3A_2099, %select_n3A_2176 : vector<16xf32>
      %eq3A_2178 = arith.constant 13 : i32
      %eq3A_2179 = vector.broadcast %eq3A_2178 : i32 to vector<16xi32>
      %eq3A_2180 = arith.cmpi eq, %get3A_2112, %eq3A_2179 : vector<16xi32>
      %select_n3A_2181 = arith.select %eq3A_2180, %broadcast_in_dim3A_5, %broadcast_in_dim3A_3 : vector<16xi1>, vector<16xf32>
      %add3A_2182 = arith.addf %add3A_2104, %select_n3A_2181 : vector<16xf32>
      %eq3A_2183 = arith.constant 14 : i32
      %eq3A_2184 = vector.broadcast %eq3A_2183 : i32 to vector<16xi32>
      %eq3A_2185 = arith.cmpi eq, %get3A_2112, %eq3A_2184 : vector<16xi32>
      %select_n3A_2186 = arith.select %eq3A_2185, %broadcast_in_dim3A_5, %broadcast_in_dim3A_3 : vector<16xi1>, vector<16xf32>
      %add3A_2187 = arith.addf %add3A_2109, %select_n3A_2186 : vector<16xf32>
      %swap3A = arith.constant 0 : i32
      %swap3A_2188 = arith.index_cast %swap3A : i32 to index
      %swap3A_2189 = arith.constant 0 : index
      %swap3A_2190 = tpu.vector_load %arg5[%swap3A_2188, %swap3A_2189] {strides = array<i32>} : memref<15x16xf32, #tpu.memory_space<vmem>>, vector<1x16xf32>,
      %swap3A_2191 = vector.shape_cast %swap3A_2190 : vector<1x16xf32> to vector<16xf32>
      %swap3A_2192 = vector.shape_cast %add3A_2117 : vector<16xf32> to vector<1x16xf32>
      tpu.vector_store %arg5[%swap3A_2188, %swap3A_2189], %swap3A_2192 {strides = array<i32>} : memref<15x16xf32, #tpu.memory_space<vmem>>, vector<1x16xf32>,
      %swap3A_2193 = arith.constant 1 : i32
      %swap3A_2194 = arith.index_cast %swap3A_2193 : i32 to index
      %swap3A_2195 = arith.constant 0 : index
      %swap3A_2196 = tpu.vector_load %arg5[%swap3A_2194, %swap3A_2195] {strides = array<i32>} : memref<15x16xf32, #tpu.memory_space<vmem>>, vector<1x16xf32>,
      %swap3A_2197 = vector.shape_cast %swap3A_2196 : vector<1x16xf32> to vector<16xf32>
      %swap3A_2198 = vector.shape_cast %add3A_2122 : vector<16xf32> to vector<1x16xf32>
      tpu.vector_store %arg5[%swap3A_2194, %swap3A_2195], %swap3A_2198 {strides = array<i32>} : memref<15x16xf32, #tpu.memory_space<vmem>>, vector<1x16xf32>,
      %swap3A_2199 = arith.constant 2 : i32
      %swap3A_2200 = arith.index_cast %swap3A_2199 : i32 to index
      %swap3A_2201 = arith.constant 0 : index
      %swap3A_2202 = tpu.vector_load %arg5[%swap3A_2200, %swap3A_2201] {strides = array<i32>} : memref<15x16xf32, #tpu.memory_space<vmem>>, vector<1x16xf32>,
      %swap3A_2203 = vector.shape_cast %swap3A_2202 : vector<1x16xf32> to vector<16xf32>
      %swap3A_2204 = vector.shape_cast %add3A_2127 : vector<16xf32> to vector<1x16xf32>
      tpu.vector_store %arg5[%swap3A_2200, %swap3A_2201], %swap3A_2204 {strides = array<i32>} : memref<15x16xf32, #tpu.memory_space<vmem>>, vector<1x16xf32>,
      %swap3A_2205 = arith.constant 3 : i32
      %swap3A_2206 = arith.index_cast %swap3A_2205 : i32 to index
      %swap3A_2207 = arith.constant 0 : index
      %swap3A_2208 = tpu.vector_load %arg5[%swap3A_2206, %swap3A_2207] {strides = array<i32>} : memref<15x16xf32, #tpu.memory_space<vmem>>, vector<1x16xf32>,
      %swap3A_2209 = vector.shape_cast %swap3A_2208 : vector<1x16xf32> to vector<16xf32>
      %swap3A_2210 = vector.shape_cast %add3A_2132 : vector<16xf32> to vector<1x16xf32>
      tpu.vector_store %arg5[%swap3A_2206, %swap3A_2207], %swap3A_2210 {strides = array<i32>} : memref<15x16xf32, #tpu.memory_space<vmem>>, vector<1x16xf32>,
      %swap3A_2211 = arith.constant 4 : i32
      %swap3A_2212 = arith.index_cast %swap3A_2211 : i32 to index
      %swap3A_2213 = arith.constant 0 : index
      %swap3A_2214 = tpu.vector_load %arg5[%swap3A_2212, %swap3A_2213] {strides = array<i32>} : memref<15x16xf32, #tpu.memory_space<vmem>>, vector<1x16xf32>,
      %swap3A_2215 = vector.shape_cast %swap3A_2214 : vector<1x16xf32> to vector<16xf32>
      %swap3A_2216 = vector.shape_cast %add3A_2137 : vector<16xf32> to vector<1x16xf32>
      tpu.vector_store %arg5[%swap3A_2212, %swap3A_2213], %swap3A_2216 {strides = array<i32>} : memref<15x16xf32, #tpu.memory_space<vmem>>, vector<1x16xf32>,
      %swap3A_2217 = arith.constant 5 : i32
      %swap3A_2218 = arith.index_cast %swap3A_2217 : i32 to index
      %swap3A_2219 = arith.constant 0 : index
      %swap3A_2220 = tpu.vector_load %arg5[%swap3A_2218, %swap3A_2219] {strides = array<i32>} : memref<15x16xf32, #tpu.memory_space<vmem>>, vector<1x16xf32>,
      %swap3A_2221 = vector.shape_cast %swap3A_2220 : vector<1x16xf32> to vector<16xf32>
      %swap3A_2222 = vector.shape_cast %add3A_2142 : vector<16xf32> to vector<1x16xf32>
      tpu.vector_store %arg5[%swap3A_2218, %swap3A_2219], %swap3A_2222 {strides = array<i32>} : memref<15x16xf32, #tpu.memory_space<vmem>>, vector<1x16xf32>,
      %swap3A_2223 = arith.constant 6 : i32
      %swap3A_2224 = arith.index_cast %swap3A_2223 : i32 to index
      %swap3A_2225 = arith.constant 0 : index
      %swap3A_2226 = tpu.vector_load %arg5[%swap3A_2224, %swap3A_2225] {strides = array<i32>} : memref<15x16xf32, #tpu.memory_space<vmem>>, vector<1x16xf32>,
      %swap3A_2227 = vector.shape_cast %swap3A_2226 : vector<1x16xf32> to vector<16xf32>
      %swap3A_2228 = vector.shape_cast %add3A_2147 : vector<16xf32> to vector<1x16xf32>
      tpu.vector_store %arg5[%swap3A_2224, %swap3A_2225], %swap3A_2228 {strides = array<i32>} : memref<15x16xf32, #tpu.memory_space<vmem>>, vector<1x16xf32>,
      %swap3A_2229 = arith.constant 7 : i32
      %swap3A_2230 = arith.index_cast %swap3A_2229 : i32 to index
      %swap3A_2231 = arith.constant 0 : index
      %swap3A_2232 = tpu.vector_load %arg5[%swap3A_2230, %swap3A_2231] {strides = array<i32>} : memref<15x16xf32, #tpu.memory_space<vmem>>, vector<1x16xf32>,
      %swap3A_2233 = vector.shape_cast %swap3A_2232 : vector<1x16xf32> to vector<16xf32>
      %swap3A_2234 = vector.shape_cast %add3A_2152 : vector<16xf32> to vector<1x16xf32>
      tpu.vector_store %arg5[%swap3A_2230, %swap3A_2231], %swap3A_2234 {strides = array<i32>} : memref<15x16xf32, #tpu.memory_space<vmem>>, vector<1x16xf32>,
      %swap3A_2235 = arith.constant 8 : i32
      %swap3A_2236 = arith.index_cast %swap3A_2235 : i32 to index
      %swap3A_2237 = arith.constant 0 : index
      %swap3A_2238 = tpu.vector_load %arg5[%swap3A_2236, %swap3A_2237] {strides = array<i32>} : memref<15x16xf32, #tpu.memory_space<vmem>>, vector<1x16xf32>,
      %swap3A_2239 = vector.shape_cast %swap3A_2238 : vector<1x16xf32> to vector<16xf32>
      %swap3A_2240 = vector.shape_cast %add3A_2157 : vector<16xf32> to vector<1x16xf32>
      tpu.vector_store %arg5[%swap3A_2236, %swap3A_2237], %swap3A_2240 {strides = array<i32>} : memref<15x16xf32, #tpu.memory_space<vmem>>, vector<1x16xf32>,
      %swap3A_2241 = arith.constant 9 : i32
      %swap3A_2242 = arith.index_cast %swap3A_2241 : i32 to index
      %swap3A_2243 = arith.constant 0 : index
      %swap3A_2244 = tpu.vector_load %arg5[%swap3A_2242, %swap3A_2243] {strides = array<i32>} : memref<15x16xf32, #tpu.memory_space<vmem>>, vector<1x16xf32>,
      %swap3A_2245 = vector.shape_cast %swap3A_2244 : vector<1x16xf32> to vector<16xf32>
      %swap3A_2246 = vector.shape_cast %add3A_2162 : vector<16xf32> to vector<1x16xf32>
      tpu.vector_store %arg5[%swap3A_2242, %swap3A_2243], %swap3A_2246 {strides = array<i32>} : memref<15x16xf32, #tpu.memory_space<vmem>>, vector<1x16xf32>,
      %swap3A_2247 = arith.constant 10 : i32
      %swap3A_2248 = arith.index_cast %swap3A_2247 : i32 to index
      %swap3A_2249 = arith.constant 0 : index
      %swap3A_2250 = tpu.vector_load %arg5[%swap3A_2248, %swap3A_2249] {strides = array<i32>} : memref<15x16xf32, #tpu.memory_space<vmem>>, vector<1x16xf32>,
      %swap3A_2251 = vector.shape_cast %swap3A_2250 : vector<1x16xf32> to vector<16xf32>
      %swap3A_2252 = vector.shape_cast %add3A_2167 : vector<16xf32> to vector<1x16xf32>
      tpu.vector_store %arg5[%swap3A_2248, %swap3A_2249], %swap3A_2252 {strides = array<i32>} : memref<15x16xf32, #tpu.memory_space<vmem>>, vector<1x16xf32>,
      %swap3A_2253 = arith.constant 11 : i32
      %swap3A_2254 = arith.index_cast %swap3A_2253 : i32 to index
      %swap3A_2255 = arith.constant 0 : index
      %swap3A_2256 = tpu.vector_load %arg5[%swap3A_2254, %swap3A_2255] {strides = array<i32>} : memref<15x16xf32, #tpu.memory_space<vmem>>, vector<1x16xf32>,
      %swap3A_2257 = vector.shape_cast %swap3A_2256 : vector<1x16xf32> to vector<16xf32>
      %swap3A_2258 = vector.shape_cast %add3A_2172 : vector<16xf32> to vector<1x16xf32>
      tpu.vector_store %arg5[%swap3A_2254, %swap3A_2255], %swap3A_2258 {strides = array<i32>} : memref<15x16xf32, #tpu.memory_space<vmem>>, vector<1x16xf32>,
      %swap3A_2259 = arith.constant 12 : i32
      %swap3A_2260 = arith.index_cast %swap3A_2259 : i32 to index
      %swap3A_2261 = arith.constant 0 : index
      %swap3A_2262 = tpu.vector_load %arg5[%swap3A_2260, %swap3A_2261] {strides = array<i32>} : memref<15x16xf32, #tpu.memory_space<vmem>>, vector<1x16xf32>,
      %swap3A_2263 = vector.shape_cast %swap3A_2262 : vector<1x16xf32> to vector<16xf32>
      %swap3A_2264 = vector.shape_cast %add3A_2177 : vector<16xf32> to vector<1x16xf32>
      tpu.vector_store %arg5[%swap3A_2260, %swap3A_2261], %swap3A_2264 {strides = array<i32>} : memref<15x16xf32, #tpu.memory_space<vmem>>, vector<1x16xf32>,
      %swap3A_2265 = arith.constant 13 : i32
      %swap3A_2266 = arith.index_cast %swap3A_2265 : i32 to index
      %swap3A_2267 = arith.constant 0 : index
      %swap3A_2268 = tpu.vector_load %arg5[%swap3A_2266, %swap3A_2267] {strides = array<i32>} : memref<15x16xf32, #tpu.memory_space<vmem>>, vector<1x16xf32>,
      %swap3A_2269 = vector.shape_cast %swap3A_2268 : vector<1x16xf32> to vector<16xf32>
      %swap3A_2270 = vector.shape_cast %add3A_2182 : vector<16xf32> to vector<1x16xf32>
      tpu.vector_store %arg5[%swap3A_2266, %swap3A_2267], %swap3A_2270 {strides = array<i32>} : memref<15x16xf32, #tpu.memory_space<vmem>>, vector<1x16xf32>,
      %swap3A_2271 = arith.constant 14 : i32
      %swap3A_2272 = arith.index_cast %swap3A_2271 : i32 to index
      %swap3A_2273 = arith.constant 0 : index
      %swap3A_2274 = tpu.vector_load %arg5[%swap3A_2272, %swap3A_2273] {strides = array<i32>} : memref<15x16xf32, #tpu.memory_space<vmem>>, vector<1x16xf32>,
      %swap3A_2275 = vector.shape_cast %swap3A_2274 : vector<1x16xf32> to vector<16xf32>
      %swap3A_2276 = vector.shape_cast %add3A_2187 : vector<16xf32> to vector<1x16xf32>
      tpu.vector_store %arg5[%swap3A_2272, %swap3A_2273], %swap3A_2276 {strides = array<i32>} : memref<15x16xf32, #tpu.memory_space<vmem>>, vector<1x16xf32>,
      tpu.enqueue_dma source(%arg5 : memref<15x16xf32, #tpu.memory_space<vmem>>) target(%arg3 : memref<15x16xf32, #tpu.memory_space<hbm>>) target_semaphore(%arg6 : memref<!tpu.dma_semaphore, #tpu.memory_space<semaphore_mem>>)
      tpu.wait_dma2 semaphore(%arg6 : memref<!tpu.dma_semaphore, #tpu.memory_space<semaphore_mem>>) src(%arg5 : memref<15x16xf32, #tpu.memory_space<vmem>>) dst(%arg3 : memref<15x16xf32, #tpu.memory_space<hbm>>)
    } else {
    }
    return
  }
}

module attributes {stable_mosaic.version = 14 : i64} {
  func.func @_proj_body(%arg0: i32, %arg1: memref<128x2x1024xf32, #tpu.memory_space<vmem>>, %arg2: memref<1024x4096xf32, #tpu.memory_space<vmem>>, %arg3: memref<128x2x4096xf32, #tpu.memory_space<vmem>>) attributes {dimension_semantics = [#tpu.dimension_semantics<arbitrary>], iteration_bounds = array<i64: 4>, scalar_prefetch = 0 : i64, scratch_operands = 0 : i64, tpu.core_type = #tpu.core_type<tc>, window_params = [{transform_indices = @transform_0, window_bounds = array<i64: 128, 2, 1024>}, {pipeline_mode = #tpu.pipeline_mode<synchronous>, transform_indices = @transform_1, window_bounds = array<i64: 1024, 4096>}, {transform_indices = @transform_2, window_bounds = array<i64: 128, 2, 4096>}]} {
    %get3A = arith.constant 0 : index
    %get3A_0 = arith.constant 0 : index
    %get3A_1 = vector.load %arg2[%get3A, %get3A_0] : memref<1024x4096xf32, #tpu.memory_space<vmem>>, vector<1024x4096xf32>
    %get3A_2 = arith.constant 0 : index
    %get3A_3 = arith.constant 0 : index
    %get3A_4 = arith.constant 0 : index
    %get3A_5 = vector.load %arg1[%get3A_2, %get3A_3, %get3A_4] : memref<128x2x1024xf32, #tpu.memory_space<vmem>>, vector<128x1x1024xf32>
    %get3A_6 = vector.shape_cast %get3A_5 : vector<128x1x1024xf32> to vector<128x1024xf32>
    %dot_general3A = arith.constant dense<0.000000e+00> : vector<128x4096xf32>
    %dot_general3A_7 = tpu.matmul %get3A_6, %get3A_1, %dot_general3A {dimension_numbers = #tpu.dot_dimension_numbers<[1], [0], [0], [1], [0, 0, 1, 1], [], []>, transpose_lhs_hint = false} : vector<128x1024xf32>, vector<1024x4096xf32>, vector<128x4096xf32> -> vector<128x4096xf32>
    %swap3A = arith.constant 0 : index
    %swap3A_8 = arith.constant 0 : index
    %swap3A_9 = arith.constant 0 : index
    %swap3A_10 = vector.load %arg3[%swap3A, %swap3A_8, %swap3A_9] : memref<128x2x4096xf32, #tpu.memory_space<vmem>>, vector<128x1x4096xf32>
    %swap3A_11 = vector.shape_cast %swap3A_10 : vector<128x1x4096xf32> to vector<128x4096xf32>
    %swap3A_12 = vector.shape_cast %dot_general3A_7 : vector<128x4096xf32> to vector<128x1x4096xf32>
    tpu.vector_store %arg3[%swap3A, %swap3A_8, %swap3A_9], %swap3A_12 {strides = array<i32>} : memref<128x2x4096xf32, #tpu.memory_space<vmem>>, vector<128x1x4096xf32>,
    %get3A_13 = arith.constant 0 : index
    %get3A_14 = arith.constant 1 : index
    %get3A_15 = arith.constant 0 : index
    %get3A_16 = vector.load %arg1[%get3A_13, %get3A_14, %get3A_15] : memref<128x2x1024xf32, #tpu.memory_space<vmem>>, vector<128x1x1024xf32>
    %get3A_17 = vector.shape_cast %get3A_16 : vector<128x1x1024xf32> to vector<128x1024xf32>
    %dot_general3A_18 = arith.constant dense<0.000000e+00> : vector<128x4096xf32>
    %dot_general3A_19 = tpu.matmul %get3A_17, %get3A_1, %dot_general3A_18 {dimension_numbers = #tpu.dot_dimension_numbers<[1], [0], [0], [1], [0, 0, 1, 1], [], []>, transpose_lhs_hint = false} : vector<128x1024xf32>, vector<1024x4096xf32>, vector<128x4096xf32> -> vector<128x4096xf32>
    %swap3A_20 = arith.constant 0 : index
    %swap3A_21 = arith.constant 1 : index
    %swap3A_22 = arith.constant 0 : index
    %swap3A_23 = vector.load %arg3[%swap3A_20, %swap3A_21, %swap3A_22] : memref<128x2x4096xf32, #tpu.memory_space<vmem>>, vector<128x1x4096xf32>
    %swap3A_24 = vector.shape_cast %swap3A_23 : vector<128x1x4096xf32> to vector<128x4096xf32>
    %swap3A_25 = vector.shape_cast %dot_general3A_19 : vector<128x4096xf32> to vector<128x1x4096xf32>
    tpu.vector_store %arg3[%swap3A_20, %swap3A_21, %swap3A_22], %swap3A_25 {strides = array<i32>} : memref<128x2x4096xf32, #tpu.memory_space<vmem>>, vector<128x1x4096xf32>,
    return
  }
  func.func @transform_0(%arg0: i32) -> (i32, i32, i32) {
    %c0_i32 = arith.constant 0 : i32
    %c0_i32_0 = arith.constant 0 : i32
    %c0_i32_1 = arith.constant 0 : i32
    return %arg0, %c0_i32, %c0_i32_0 : i32, i32, i32
  }
  func.func @transform_1(%arg0: i32) -> (i32, i32) {
    %c0_i32 = arith.constant 0 : i32
    %c0_i32_0 = arith.constant 0 : i32
    %c0_i32_1 = arith.constant 0 : i32
    return %c0_i32, %c0_i32_0 : i32, i32
  }
  func.func @transform_2(%arg0: i32) -> (i32, i32, i32) {
    %c0_i32 = arith.constant 0 : i32
    %c0_i32_0 = arith.constant 0 : i32
    %c0_i32_1 = arith.constant 0 : i32
    return %arg0, %c0_i32, %c0_i32_0 : i32, i32, i32
  }
}

module attributes {stable_mosaic.version = 14 : i64} {
  func.func @_fused_body(%arg0: i32, %arg1: memref<8x2x4096xf32, #tpu.memory_space<vmem>>, %arg2: memref<15x16xf32, #tpu.memory_space<vmem>>, %arg3: memref<15x4096xf32, #tpu.memory_space<vmem>>, %arg4: memref<1x4096xf32, #tpu.memory_space<vmem>>, %arg5: memref<4096x16xf32, #tpu.memory_space<vmem>>, %arg6: memref<8x4096xf32, #tpu.memory_space<vmem>>, %arg7: memref<4096x2048xf32, #tpu.memory_space<vmem>>, %arg8: memref<1x2048xf32, #tpu.memory_space<vmem>>, %arg9: memref<2048x16xf32, #tpu.memory_space<vmem>>, %arg10: memref<8x2048xf32, #tpu.memory_space<vmem>>, %arg11: memref<2048x256xf32, #tpu.memory_space<vmem>>, %arg12: memref<1x64xf32, #tpu.memory_space<vmem>>, %arg13: memref<256x8xf32, #tpu.memory_space<vmem>>, %arg14: memref<4x256xf32, #tpu.memory_space<vmem>>, %arg15: memref<256x64xf32, #tpu.memory_space<vmem>>, %arg16: memref<120x8xf32, #tpu.memory_space<vmem>>, %arg17: memref<120x15xf32, #tpu.memory_space<vmem>>, %arg18: memref<8x120xf32, #tpu.memory_space<vmem>>, %arg19: memref<64x32xf32, #tpu.memory_space<vmem>>, %arg20: memref<1x32xf32, #tpu.memory_space<vmem>>, %arg21: memref<32x15xf32, #tpu.memory_space<vmem>>, %arg22: memref<1x15xf32, #tpu.memory_space<vmem>>, %arg23: memref<8x2x15xf32, #tpu.memory_space<vmem>>) attributes {dimension_semantics = [#tpu.dimension_semantics<arbitrary>], iteration_bounds = array<i64: 64>, scalar_prefetch = 0 : i64, scratch_operands = 0 : i64, tpu.core_type = #tpu.core_type<tc>, window_params = [{transform_indices = @transform_0, window_bounds = array<i64: 8, 2, 4096>}, {pipeline_mode = #tpu.pipeline_mode<synchronous>, transform_indices = @transform_1, window_bounds = array<i64: 15, 16>}, {pipeline_mode = #tpu.pipeline_mode<synchronous>, transform_indices = @transform_2, window_bounds = array<i64: 15, 4096>}, {pipeline_mode = #tpu.pipeline_mode<synchronous>, transform_indices = @transform_3, window_bounds = array<i64: 1, 4096>}, {pipeline_mode = #tpu.pipeline_mode<synchronous>, transform_indices = @transform_4, window_bounds = array<i64: 4096, 16>}, {pipeline_mode = #tpu.pipeline_mode<synchronous>, transform_indices = @transform_5, window_bounds = array<i64: 8, 4096>}, {pipeline_mode = #tpu.pipeline_mode<synchronous>, transform_indices = @transform_6, window_bounds = array<i64: 4096, 2048>}, {pipeline_mode = #tpu.pipeline_mode<synchronous>, transform_indices = @transform_7, window_bounds = array<i64: 1, 2048>}, {pipeline_mode = #tpu.pipeline_mode<synchronous>, transform_indices = @transform_8, window_bounds = array<i64: 2048, 16>}, {pipeline_mode = #tpu.pipeline_mode<synchronous>, transform_indices = @transform_9, window_bounds = array<i64: 8, 2048>}, {pipeline_mode = #tpu.pipeline_mode<synchronous>, transform_indices = @transform_10, window_bounds = array<i64: 2048, 256>}, {pipeline_mode = #tpu.pipeline_mode<synchronous>, transform_indices = @transform_11, window_bounds = array<i64: 1, 64>}, {pipeline_mode = #tpu.pipeline_mode<synchronous>, transform_indices = @transform_12, window_bounds = array<i64: 256, 8>}, {pipeline_mode = #tpu.pipeline_mode<synchronous>, transform_indices = @transform_13, window_bounds = array<i64: 4, 256>}, {pipeline_mode = #tpu.pipeline_mode<synchronous>, transform_indices = @transform_14, window_bounds = array<i64: 256, 64>}, {pipeline_mode = #tpu.pipeline_mode<synchronous>, transform_indices = @transform_15, window_bounds = array<i64: 120, 8>}, {pipeline_mode = #tpu.pipeline_mode<synchronous>, transform_indices = @transform_16, window_bounds = array<i64: 120, 15>}, {pipeline_mode = #tpu.pipeline_mode<synchronous>, transform_indices = @transform_17, window_bounds = array<i64: 8, 120>}, {pipeline_mode = #tpu.pipeline_mode<synchronous>, transform_indices = @transform_18, window_bounds = array<i64: 64, 32>}, {pipeline_mode = #tpu.pipeline_mode<synchronous>, transform_indices = @transform_19, window_bounds = array<i64: 1, 32>}, {pipeline_mode = #tpu.pipeline_mode<synchronous>, transform_indices = @transform_20, window_bounds = array<i64: 32, 15>}, {pipeline_mode = #tpu.pipeline_mode<synchronous>, transform_indices = @transform_21, window_bounds = array<i64: 1, 15>}, {transform_indices = @transform_22, window_bounds = array<i64: 8, 2, 15>}]} {
    %get3A = arith.constant 0 : index
    %get3A_0 = arith.constant 0 : index
    %get3A_1 = vector.load %arg2[%get3A, %get3A_0] : memref<15x16xf32, #tpu.memory_space<vmem>>, vector<15x16xf32>
    %reduce_sum3A = arith.constant dense<0.000000e+00> : vector<15xf32>
    %reduce_sum3A_2 = vector.multi_reduction <add>, %get3A_1, %reduce_sum3A [1] : vector<15x16xf32> to vector<15xf32>
    %broadcast_in_dim3A = vector.shape_cast %reduce_sum3A_2 : vector<15xf32> to vector<15x1xf32>
    %get3A_3 = arith.constant 0 : index
    %get3A_4 = arith.constant 0 : index
    %get3A_5 = vector.load %arg17[%get3A_3, %get3A_4] : memref<120x15xf32, #tpu.memory_space<vmem>>, vector<120x15xf32>
    %get3A_6 = arith.constant 0 : index
    %get3A_7 = arith.constant 0 : index
    %get3A_8 = vector.load %arg16[%get3A_6, %get3A_7] : memref<120x8xf32, #tpu.memory_space<vmem>>, vector<120x8xf32>
    %dot_general3A = arith.constant dense<0.000000e+00> : vector<120x1xf32>
    %dot_general3A_9 = tpu.matmul %get3A_5, %broadcast_in_dim3A, %dot_general3A {dimension_numbers = #tpu.dot_dimension_numbers<[1], [0], [0], [1], [0, 0, 1, 1], [], []>, transpose_lhs_hint = false} : vector<120x15xf32>, vector<15x1xf32>, vector<120x1xf32> -> vector<120x1xf32>
    %gt3A = arith.constant 0.000000e+00 : f32
    %gt3A_10 = vector.broadcast %gt3A : f32 to vector<120x1xf32>
    %gt3A_11 = arith.cmpf ogt, %dot_general3A_9, %gt3A_10 : vector<120x1xf32>
    %get3A_12 = arith.constant 0 : index
    %get3A_13 = arith.constant 0 : index
    %get3A_14 = vector.load %arg3[%get3A_12, %get3A_13] : memref<15x4096xf32, #tpu.memory_space<vmem>>, vector<15x4096xf32>
    %dot_general3A_15 = arith.constant dense<0.000000e+00> : vector<120x4096xf32>
    %dot_general3A_16 = tpu.matmul %get3A_5, %get3A_14, %dot_general3A_15 {dimension_numbers = #tpu.dot_dimension_numbers<[1], [0], [0], [1], [0, 0, 1, 1], [], []>, transpose_lhs_hint = false} : vector<120x15xf32>, vector<15x4096xf32>, vector<120x4096xf32> -> vector<120x4096xf32>
    %get3A_17 = arith.constant 0 : index
    %get3A_18 = arith.constant 0 : index
    %get3A_19 = arith.constant 0 : index
    %get3A_20 = vector.load %arg1[%get3A_17, %get3A_18, %get3A_19] : memref<8x2x4096xf32, #tpu.memory_space<vmem>>, vector<8x1x4096xf32>
    %get3A_21 = vector.shape_cast %get3A_20 : vector<8x1x4096xf32> to vector<8x4096xf32>
    %dot_general3A_22 = arith.constant dense<0.000000e+00> : vector<120x4096xf32>
    %dot_general3A_23 = tpu.matmul %get3A_8, %get3A_21, %dot_general3A_22 {dimension_numbers = #tpu.dot_dimension_numbers<[1], [0], [0], [1], [0, 0, 1, 1], [], []>, transpose_lhs_hint = false} : vector<120x8xf32>, vector<8x4096xf32>, vector<120x4096xf32> -> vector<120x4096xf32>
    %add3A = arith.addf %dot_general3A_23, %dot_general3A_16 : vector<120x4096xf32>
    %get3A_24 = arith.constant 0 : index
    %get3A_25 = arith.constant 1 : index
    %get3A_26 = arith.constant 0 : index
    %get3A_27 = vector.load %arg1[%get3A_24, %get3A_25, %get3A_26] : memref<8x2x4096xf32, #tpu.memory_space<vmem>>, vector<8x1x4096xf32>
    %get3A_28 = vector.shape_cast %get3A_27 : vector<8x1x4096xf32> to vector<8x4096xf32>
    %dot_general3A_29 = arith.constant dense<0.000000e+00> : vector<120x4096xf32>
    %dot_general3A_30 = tpu.matmul %get3A_8, %get3A_28, %dot_general3A_29 {dimension_numbers = #tpu.dot_dimension_numbers<[1], [0], [0], [1], [0, 0, 1, 1], [], []>, transpose_lhs_hint = false} : vector<120x8xf32>, vector<8x4096xf32>, vector<120x4096xf32> -> vector<120x4096xf32>
    %add3A_31 = arith.addf %dot_general3A_30, %dot_general3A_16 : vector<120x4096xf32>
    %get3A_32 = arith.constant 0 : index
    %get3A_33 = arith.constant 0 : index
    %get3A_34 = vector.load %arg4[%get3A_32, %get3A_33] : memref<1x4096xf32, #tpu.memory_space<vmem>>, vector<1x4096xf32>
    %add3A_35 = vector.broadcast %get3A_34 : vector<1x4096xf32> to vector<120x4096xf32>
    %add3A_36 = arith.addf %add3A, %add3A_35 : vector<120x4096xf32>
    %gt3A_37 = arith.constant 0.000000e+00 : f32
    %gt3A_38 = vector.broadcast %gt3A_37 : f32 to vector<120x4096xf32>
    %gt3A_39 = arith.cmpf ogt, %add3A_36, %gt3A_38 : vector<120x4096xf32>
    %exp3A = math.exp %add3A_36 : vector<120x4096xf32>
    %sub3A = arith.constant 1.000000e+00 : f32
    %sub3A_40 = vector.broadcast %sub3A : f32 to vector<120x4096xf32>
    %sub3A_41 = arith.subf %exp3A, %sub3A_40 : vector<120x4096xf32>
    %select_n3A = arith.select %gt3A_39, %add3A_36, %sub3A_41 : vector<120x4096xi1>, vector<120x4096xf32>
    %get3A_42 = arith.constant 0 : index
    %get3A_43 = arith.constant 0 : index
    %get3A_44 = vector.load %arg5[%get3A_42, %get3A_43] : memref<4096x16xf32, #tpu.memory_space<vmem>>, vector<4096x16xf32>
    %get3A_45 = arith.constant 0 : index
    %get3A_46 = arith.constant 0 : index
    %get3A_47 = vector.load %arg6[%get3A_45, %get3A_46] : memref<8x4096xf32, #tpu.memory_space<vmem>>, vector<8x4096xf32>
    %dot_general3A_48 = arith.constant dense<0.000000e+00> : vector<120x16xf32>
    %dot_general3A_49 = tpu.matmul %add3A, %get3A_44, %dot_general3A_48 {dimension_numbers = #tpu.dot_dimension_numbers<[1], [0], [0], [1], [0, 0, 1, 1], [], []>, transpose_lhs_hint = false} : vector<120x4096xf32>, vector<4096x16xf32>, vector<120x16xf32> -> vector<120x16xf32>
    %dot_general3A_50 = arith.constant dense<0.000000e+00> : vector<120x16xf32>
    %dot_general3A_51 = tpu.matmul %add3A_31, %get3A_44, %dot_general3A_50 {dimension_numbers = #tpu.dot_dimension_numbers<[1], [0], [0], [1], [0, 0, 1, 1], [], []>, transpose_lhs_hint = false} : vector<120x4096xf32>, vector<4096x16xf32>, vector<120x16xf32> -> vector<120x16xf32>
    %slice3A = vector.extract_strided_slice %dot_general3A_49 {offsets = [0, 0], sizes = [120, 8], strides = [1, 1]} : vector<120x16xf32> to vector<120x8xf32>
    %slice3A_52 = vector.extract_strided_slice %dot_general3A_51 {offsets = [0, 0], sizes = [120, 8], strides = [1, 1]} : vector<120x16xf32> to vector<120x8xf32>
    %slice3A_53 = vector.extract_strided_slice %dot_general3A_51 {offsets = [0, 8], sizes = [120, 8], strides = [1, 1]} : vector<120x16xf32> to vector<120x8xf32>
    %add3A_54 = arith.addf %slice3A_52, %slice3A_53 : vector<120x8xf32>
    %ge3A = arith.constant 0.000000e+00 : f32
    %ge3A_55 = vector.broadcast %ge3A : f32 to vector<120x8xf32>
    %ge3A_56 = arith.cmpf oge, %add3A_54, %ge3A_55 : vector<120x8xf32>
    %mul3A = arith.constant 2.000000e-01 : f32
    %mul3A_57 = vector.broadcast %mul3A : f32 to vector<120x8xf32>
    %mul3A_58 = arith.mulf %mul3A_57, %add3A_54 : vector<120x8xf32>
    %select_n3A_59 = arith.select %ge3A_56, %add3A_54, %mul3A_58 : vector<120x8xi1>, vector<120x8xf32>
    %add3A_60 = arith.addf %slice3A, %slice3A_53 : vector<120x8xf32>
    %ge3A_61 = arith.constant 0.000000e+00 : f32
    %ge3A_62 = vector.broadcast %ge3A_61 : f32 to vector<120x8xf32>
    %ge3A_63 = arith.cmpf oge, %add3A_60, %ge3A_62 : vector<120x8xf32>
    %mul3A_64 = arith.constant 2.000000e-01 : f32
    %mul3A_65 = vector.broadcast %mul3A_64 : f32 to vector<120x8xf32>
    %mul3A_66 = arith.mulf %mul3A_65, %add3A_60 : vector<120x8xf32>
    %select_n3A_67 = arith.select %ge3A_63, %add3A_60, %mul3A_66 : vector<120x8xi1>, vector<120x8xf32>
    %jit3A = arith.constant -1.000000e+30 : f32
    %broadcast_in_dim3A_68 = vector.shape_cast %gt3A_11 : vector<120x1xi1> to vector<120x1xi1>
    %broadcast_in_dim3A_69 = vector.broadcast %broadcast_in_dim3A_68 : vector<120x1xi1> to vector<120x8xi1>
    %broadcast_in_dim3A_70 = vector.broadcast %jit3A : f32 to vector<120x8xf32>
    %select_n3A_71 = arith.select %broadcast_in_dim3A_69, %select_n3A_67, %broadcast_in_dim3A_70 : vector<120x8xi1>, vector<120x8xf32>
    %max3A = arith.maximumf %select_n3A_59, %select_n3A_71 : vector<120x8xf32>
    %sub3A_72 = arith.subf %select_n3A_59, %max3A : vector<120x8xf32>
    %exp3A_73 = math.exp %sub3A_72 : vector<120x8xf32>
    %sub3A_74 = arith.subf %select_n3A_67, %max3A : vector<120x8xf32>
    %exp3A_75 = math.exp %sub3A_74 : vector<120x8xf32>
    %mul3A_76 = vector.broadcast %dot_general3A_9 : vector<120x1xf32> to vector<120x8xf32>
    %mul3A_77 = arith.mulf %mul3A_76, %exp3A_75 : vector<120x8xf32>
    %add3A_78 = arith.addf %exp3A_73, %mul3A_77 : vector<120x8xf32>
    %add3A_79 = arith.constant 1.000000e-16 : f32
    %add3A_80 = vector.broadcast %add3A_79 : f32 to vector<120x8xf32>
    %add3A_81 = arith.addf %add3A_78, %add3A_80 : vector<120x8xf32>
    %div3A = arith.divf %exp3A_73, %add3A_81 : vector<120x8xf32>
    %dot_general3A_82 = arith.constant dense<0.000000e+00> : vector<120x4096xf32>
    %dot_general3A_83 = tpu.matmul %div3A, %get3A_47, %dot_general3A_82 {dimension_numbers = #tpu.dot_dimension_numbers<[1], [0], [0], [1], [0, 0, 1, 1], [], []>, transpose_lhs_hint = false} : vector<120x8xf32>, vector<8x4096xf32>, vector<120x4096xf32> -> vector<120x4096xf32>
    %sub3A_84 = arith.subf %add3A_31, %add3A : vector<120x4096xf32>
    %mul3A_85 = arith.mulf %dot_general3A_83, %sub3A_84 : vector<120x4096xf32>
    %add3A_86 = arith.addf %add3A, %mul3A_85 : vector<120x4096xf32>
    %add3A_87 = vector.broadcast %get3A_34 : vector<1x4096xf32> to vector<120x4096xf32>
    %add3A_88 = arith.addf %add3A_86, %add3A_87 : vector<120x4096xf32>
    %gt3A_89 = arith.constant 0.000000e+00 : f32
    %gt3A_90 = vector.broadcast %gt3A_89 : f32 to vector<120x4096xf32>
    %gt3A_91 = arith.cmpf ogt, %add3A_88, %gt3A_90 : vector<120x4096xf32>
    %exp3A_92 = math.exp %add3A_88 : vector<120x4096xf32>
    %sub3A_93 = arith.constant 1.000000e+00 : f32
    %sub3A_94 = vector.broadcast %sub3A_93 : f32 to vector<120x4096xf32>
    %sub3A_95 = arith.subf %exp3A_92, %sub3A_94 : vector<120x4096xf32>
    %select_n3A_96 = arith.select %gt3A_91, %add3A_88, %sub3A_95 : vector<120x4096xi1>, vector<120x4096xf32>
    %get3A_97 = arith.constant 0 : index
    %get3A_98 = arith.constant 0 : index
    %get3A_99 = vector.load %arg7[%get3A_97, %get3A_98] : memref<4096x2048xf32, #tpu.memory_space<vmem>>, vector<4096x2048xf32>
    %dot_general3A_100 = arith.constant dense<0.000000e+00> : vector<120x2048xf32>
    %dot_general3A_101 = tpu.matmul %select_n3A, %get3A_99, %dot_general3A_100 {dimension_numbers = #tpu.dot_dimension_numbers<[1], [0], [0], [1], [0, 0, 1, 1], [], []>, transpose_lhs_hint = false} : vector<120x4096xf32>, vector<4096x2048xf32>, vector<120x2048xf32> -> vector<120x2048xf32>
    %get3A_102 = arith.constant 0 : index
    %get3A_103 = arith.constant 0 : index
    %get3A_104 = vector.load %arg7[%get3A_102, %get3A_103] : memref<4096x2048xf32, #tpu.memory_space<vmem>>, vector<4096x2048xf32>
    %dot_general3A_105 = arith.constant dense<0.000000e+00> : vector<120x2048xf32>
    %dot_general3A_106 = tpu.matmul %select_n3A_96, %get3A_104, %dot_general3A_105 {dimension_numbers = #tpu.dot_dimension_numbers<[1], [0], [0], [1], [0, 0, 1, 1], [], []>, transpose_lhs_hint = false} : vector<120x4096xf32>, vector<4096x2048xf32>, vector<120x2048xf32> -> vector<120x2048xf32>
    %get3A_107 = arith.constant 0 : index
    %get3A_108 = arith.constant 0 : index
    %get3A_109 = vector.load %arg8[%get3A_107, %get3A_108] : memref<1x2048xf32, #tpu.memory_space<vmem>>, vector<1x2048xf32>
    %add3A_110 = vector.broadcast %get3A_109 : vector<1x2048xf32> to vector<120x2048xf32>
    %add3A_111 = arith.addf %dot_general3A_101, %add3A_110 : vector<120x2048xf32>
    %gt3A_112 = arith.constant 0.000000e+00 : f32
    %gt3A_113 = vector.broadcast %gt3A_112 : f32 to vector<120x2048xf32>
    %gt3A_114 = arith.cmpf ogt, %add3A_111, %gt3A_113 : vector<120x2048xf32>
    %exp3A_115 = math.exp %add3A_111 : vector<120x2048xf32>
    %sub3A_116 = arith.constant 1.000000e+00 : f32
    %sub3A_117 = vector.broadcast %sub3A_116 : f32 to vector<120x2048xf32>
    %sub3A_118 = arith.subf %exp3A_115, %sub3A_117 : vector<120x2048xf32>
    %select_n3A_119 = arith.select %gt3A_114, %add3A_111, %sub3A_118 : vector<120x2048xi1>, vector<120x2048xf32>
    %get3A_120 = arith.constant 0 : index
    %get3A_121 = arith.constant 0 : index
    %get3A_122 = vector.load %arg9[%get3A_120, %get3A_121] : memref<2048x16xf32, #tpu.memory_space<vmem>>, vector<2048x16xf32>
    %get3A_123 = arith.constant 0 : index
    %get3A_124 = arith.constant 0 : index
    %get3A_125 = vector.load %arg10[%get3A_123, %get3A_124] : memref<8x2048xf32, #tpu.memory_space<vmem>>, vector<8x2048xf32>
    %dot_general3A_126 = arith.constant dense<0.000000e+00> : vector<120x16xf32>
    %dot_general3A_127 = tpu.matmul %dot_general3A_101, %get3A_122, %dot_general3A_126 {dimension_numbers = #tpu.dot_dimension_numbers<[1], [0], [0], [1], [0, 0, 1, 1], [], []>, transpose_lhs_hint = false} : vector<120x2048xf32>, vector<2048x16xf32>, vector<120x16xf32> -> vector<120x16xf32>
    %dot_general3A_128 = arith.constant dense<0.000000e+00> : vector<120x16xf32>
    %dot_general3A_129 = tpu.matmul %dot_general3A_106, %get3A_122, %dot_general3A_128 {dimension_numbers = #tpu.dot_dimension_numbers<[1], [0], [0], [1], [0, 0, 1, 1], [], []>, transpose_lhs_hint = false} : vector<120x2048xf32>, vector<2048x16xf32>, vector<120x16xf32> -> vector<120x16xf32>
    %slice3A_130 = vector.extract_strided_slice %dot_general3A_127 {offsets = [0, 0], sizes = [120, 8], strides = [1, 1]} : vector<120x16xf32> to vector<120x8xf32>
    %slice3A_131 = vector.extract_strided_slice %dot_general3A_129 {offsets = [0, 0], sizes = [120, 8], strides = [1, 1]} : vector<120x16xf32> to vector<120x8xf32>
    %slice3A_132 = vector.extract_strided_slice %dot_general3A_129 {offsets = [0, 8], sizes = [120, 8], strides = [1, 1]} : vector<120x16xf32> to vector<120x8xf32>
    %add3A_133 = arith.addf %slice3A_131, %slice3A_132 : vector<120x8xf32>
    %ge3A_134 = arith.constant 0.000000e+00 : f32
    %ge3A_135 = vector.broadcast %ge3A_134 : f32 to vector<120x8xf32>
    %ge3A_136 = arith.cmpf oge, %add3A_133, %ge3A_135 : vector<120x8xf32>
    %mul3A_137 = arith.constant 2.000000e-01 : f32
    %mul3A_138 = vector.broadcast %mul3A_137 : f32 to vector<120x8xf32>
    %mul3A_139 = arith.mulf %mul3A_138, %add3A_133 : vector<120x8xf32>
    %select_n3A_140 = arith.select %ge3A_136, %add3A_133, %mul3A_139 : vector<120x8xi1>, vector<120x8xf32>
    %add3A_141 = arith.addf %slice3A_130, %slice3A_132 : vector<120x8xf32>
    %ge3A_142 = arith.constant 0.000000e+00 : f32
    %ge3A_143 = vector.broadcast %ge3A_142 : f32 to vector<120x8xf32>
    %ge3A_144 = arith.cmpf oge, %add3A_141, %ge3A_143 : vector<120x8xf32>
    %mul3A_145 = arith.constant 2.000000e-01 : f32
    %mul3A_146 = vector.broadcast %mul3A_145 : f32 to vector<120x8xf32>
    %mul3A_147 = arith.mulf %mul3A_146, %add3A_141 : vector<120x8xf32>
    %select_n3A_148 = arith.select %ge3A_144, %add3A_141, %mul3A_147 : vector<120x8xi1>, vector<120x8xf32>
    %jit3A_149 = arith.constant -1.000000e+30 : f32
    %broadcast_in_dim3A_150 = vector.shape_cast %gt3A_11 : vector<120x1xi1> to vector<120x1xi1>
    %broadcast_in_dim3A_151 = vector.broadcast %broadcast_in_dim3A_150 : vector<120x1xi1> to vector<120x8xi1>
    %broadcast_in_dim3A_152 = vector.broadcast %jit3A_149 : f32 to vector<120x8xf32>
    %select_n3A_153 = arith.select %broadcast_in_dim3A_151, %select_n3A_148, %broadcast_in_dim3A_152 : vector<120x8xi1>, vector<120x8xf32>
    %max3A_154 = arith.maximumf %select_n3A_140, %select_n3A_153 : vector<120x8xf32>
    %sub3A_155 = arith.subf %select_n3A_140, %max3A_154 : vector<120x8xf32>
    %exp3A_156 = math.exp %sub3A_155 : vector<120x8xf32>
    %sub3A_157 = arith.subf %select_n3A_148, %max3A_154 : vector<120x8xf32>
    %exp3A_158 = math.exp %sub3A_157 : vector<120x8xf32>
    %mul3A_159 = vector.broadcast %dot_general3A_9 : vector<120x1xf32> to vector<120x8xf32>
    %mul3A_160 = arith.mulf %mul3A_159, %exp3A_158 : vector<120x8xf32>
    %add3A_161 = arith.addf %exp3A_156, %mul3A_160 : vector<120x8xf32>
    %add3A_162 = arith.constant 1.000000e-16 : f32
    %add3A_163 = vector.broadcast %add3A_162 : f32 to vector<120x8xf32>
    %add3A_164 = arith.addf %add3A_161, %add3A_163 : vector<120x8xf32>
    %div3A_165 = arith.divf %exp3A_156, %add3A_164 : vector<120x8xf32>
    %dot_general3A_166 = arith.constant dense<0.000000e+00> : vector<120x2048xf32>
    %dot_general3A_167 = tpu.matmul %div3A_165, %get3A_125, %dot_general3A_166 {dimension_numbers = #tpu.dot_dimension_numbers<[1], [0], [0], [1], [0, 0, 1, 1], [], []>, transpose_lhs_hint = false} : vector<120x8xf32>, vector<8x2048xf32>, vector<120x2048xf32> -> vector<120x2048xf32>
    %sub3A_168 = arith.subf %dot_general3A_106, %dot_general3A_101 : vector<120x2048xf32>
    %mul3A_169 = arith.mulf %dot_general3A_167, %sub3A_168 : vector<120x2048xf32>
    %add3A_170 = arith.addf %dot_general3A_101, %mul3A_169 : vector<120x2048xf32>
    %add3A_171 = vector.broadcast %get3A_109 : vector<1x2048xf32> to vector<120x2048xf32>
    %add3A_172 = arith.addf %add3A_170, %add3A_171 : vector<120x2048xf32>
    %gt3A_173 = arith.constant 0.000000e+00 : f32
    %gt3A_174 = vector.broadcast %gt3A_173 : f32 to vector<120x2048xf32>
    %gt3A_175 = arith.cmpf ogt, %add3A_172, %gt3A_174 : vector<120x2048xf32>
    %exp3A_176 = math.exp %add3A_172 : vector<120x2048xf32>
    %sub3A_177 = arith.constant 1.000000e+00 : f32
    %sub3A_178 = vector.broadcast %sub3A_177 : f32 to vector<120x2048xf32>
    %sub3A_179 = arith.subf %exp3A_176, %sub3A_178 : vector<120x2048xf32>
    %select_n3A_180 = arith.select %gt3A_175, %add3A_172, %sub3A_179 : vector<120x2048xi1>, vector<120x2048xf32>
    %get3A_181 = arith.constant 0 : index
    %get3A_182 = arith.constant 0 : index
    %get3A_183 = vector.load %arg11[%get3A_181, %get3A_182] : memref<2048x256xf32, #tpu.memory_space<vmem>>, vector<2048x256xf32>
    %dot_general3A_184 = arith.constant dense<0.000000e+00> : vector<120x256xf32>
    %dot_general3A_185 = tpu.matmul %select_n3A_119, %get3A_183, %dot_general3A_184 {dimension_numbers = #tpu.dot_dimension_numbers<[1], [0], [0], [1], [0, 0, 1, 1], [], []>, transpose_lhs_hint = false} : vector<120x2048xf32>, vector<2048x256xf32>, vector<120x256xf32> -> vector<120x256xf32>
    %get3A_186 = arith.constant 0 : index
    %get3A_187 = arith.constant 0 : index
    %get3A_188 = vector.load %arg11[%get3A_186, %get3A_187] : memref<2048x256xf32, #tpu.memory_space<vmem>>, vector<2048x256xf32>
    %dot_general3A_189 = arith.constant dense<0.000000e+00> : vector<120x256xf32>
    %dot_general3A_190 = tpu.matmul %select_n3A_180, %get3A_188, %dot_general3A_189 {dimension_numbers = #tpu.dot_dimension_numbers<[1], [0], [0], [1], [0, 0, 1, 1], [], []>, transpose_lhs_hint = false} : vector<120x2048xf32>, vector<2048x256xf32>, vector<120x256xf32> -> vector<120x256xf32>
    %get3A_191 = arith.constant 0 : index
    %get3A_192 = arith.constant 0 : index
    %get3A_193 = vector.load %arg13[%get3A_191, %get3A_192] : memref<256x8xf32, #tpu.memory_space<vmem>>, vector<256x8xf32>
    %get3A_194 = arith.constant 0 : index
    %get3A_195 = arith.constant 0 : index
    %get3A_196 = vector.load %arg14[%get3A_194, %get3A_195] : memref<4x256xf32, #tpu.memory_space<vmem>>, vector<4x256xf32>
    %dot_general3A_197 = arith.constant dense<0.000000e+00> : vector<120x8xf32>
    %dot_general3A_198 = tpu.matmul %dot_general3A_185, %get3A_193, %dot_general3A_197 {dimension_numbers = #tpu.dot_dimension_numbers<[1], [0], [0], [1], [0, 0, 1, 1], [], []>, transpose_lhs_hint = false} : vector<120x256xf32>, vector<256x8xf32>, vector<120x8xf32> -> vector<120x8xf32>
    %dot_general3A_199 = arith.constant dense<0.000000e+00> : vector<120x8xf32>
    %dot_general3A_200 = tpu.matmul %dot_general3A_190, %get3A_193, %dot_general3A_199 {dimension_numbers = #tpu.dot_dimension_numbers<[1], [0], [0], [1], [0, 0, 1, 1], [], []>, transpose_lhs_hint = false} : vector<120x256xf32>, vector<256x8xf32>, vector<120x8xf32> -> vector<120x8xf32>
    %slice3A_201 = vector.extract_strided_slice %dot_general3A_198 {offsets = [0, 0], sizes = [120, 4], strides = [1, 1]} : vector<120x8xf32> to vector<120x4xf32>
    %slice3A_202 = vector.extract_strided_slice %dot_general3A_200 {offsets = [0, 0], sizes = [120, 4], strides = [1, 1]} : vector<120x8xf32> to vector<120x4xf32>
    %slice3A_203 = vector.extract_strided_slice %dot_general3A_200 {offsets = [0, 4], sizes = [120, 4], strides = [1, 1]} : vector<120x8xf32> to vector<120x4xf32>
    %add3A_204 = arith.addf %slice3A_202, %slice3A_203 : vector<120x4xf32>
    %ge3A_205 = arith.constant 0.000000e+00 : f32
    %ge3A_206 = vector.broadcast %ge3A_205 : f32 to vector<120x4xf32>
    %ge3A_207 = arith.cmpf oge, %add3A_204, %ge3A_206 : vector<120x4xf32>
    %mul3A_208 = arith.constant 2.000000e-01 : f32
    %mul3A_209 = vector.broadcast %mul3A_208 : f32 to vector<120x4xf32>
    %mul3A_210 = arith.mulf %mul3A_209, %add3A_204 : vector<120x4xf32>
    %select_n3A_211 = arith.select %ge3A_207, %add3A_204, %mul3A_210 : vector<120x4xi1>, vector<120x4xf32>
    %add3A_212 = arith.addf %slice3A_201, %slice3A_203 : vector<120x4xf32>
    %ge3A_213 = arith.constant 0.000000e+00 : f32
    %ge3A_214 = vector.broadcast %ge3A_213 : f32 to vector<120x4xf32>
    %ge3A_215 = arith.cmpf oge, %add3A_212, %ge3A_214 : vector<120x4xf32>
    %mul3A_216 = arith.constant 2.000000e-01 : f32
    %mul3A_217 = vector.broadcast %mul3A_216 : f32 to vector<120x4xf32>
    %mul3A_218 = arith.mulf %mul3A_217, %add3A_212 : vector<120x4xf32>
    %select_n3A_219 = arith.select %ge3A_215, %add3A_212, %mul3A_218 : vector<120x4xi1>, vector<120x4xf32>
    %jit3A_220 = arith.constant -1.000000e+30 : f32
    %broadcast_in_dim3A_221 = vector.shape_cast %gt3A_11 : vector<120x1xi1> to vector<120x1xi1>
    %broadcast_in_dim3A_222 = vector.broadcast %broadcast_in_dim3A_221 : vector<120x1xi1> to vector<120x4xi1>
    %broadcast_in_dim3A_223 = vector.broadcast %jit3A_220 : f32 to vector<120x4xf32>
    %select_n3A_224 = arith.select %broadcast_in_dim3A_222, %select_n3A_219, %broadcast_in_dim3A_223 : vector<120x4xi1>, vector<120x4xf32>
    %max3A_225 = arith.maximumf %select_n3A_211, %select_n3A_224 : vector<120x4xf32>
    %sub3A_226 = arith.subf %select_n3A_211, %max3A_225 : vector<120x4xf32>
    %exp3A_227 = math.exp %sub3A_226 : vector<120x4xf32>
    %sub3A_228 = arith.subf %select_n3A_219, %max3A_225 : vector<120x4xf32>
    %exp3A_229 = math.exp %sub3A_228 : vector<120x4xf32>
    %mul3A_230 = vector.broadcast %dot_general3A_9 : vector<120x1xf32> to vector<120x4xf32>
    %mul3A_231 = arith.mulf %mul3A_230, %exp3A_229 : vector<120x4xf32>
    %add3A_232 = arith.addf %exp3A_227, %mul3A_231 : vector<120x4xf32>
    %add3A_233 = arith.constant 1.000000e-16 : f32
    %add3A_234 = vector.broadcast %add3A_233 : f32 to vector<120x4xf32>
    %add3A_235 = arith.addf %add3A_232, %add3A_234 : vector<120x4xf32>
    %div3A_236 = arith.divf %exp3A_227, %add3A_235 : vector<120x4xf32>
    %dot_general3A_237 = arith.constant dense<0.000000e+00> : vector<120x256xf32>
    %dot_general3A_238 = tpu.matmul %div3A_236, %get3A_196, %dot_general3A_237 {dimension_numbers = #tpu.dot_dimension_numbers<[1], [0], [0], [1], [0, 0, 1, 1], [], []>, transpose_lhs_hint = false} : vector<120x4xf32>, vector<4x256xf32>, vector<120x256xf32> -> vector<120x256xf32>
    %sub3A_239 = arith.subf %dot_general3A_190, %dot_general3A_185 : vector<120x256xf32>
    %mul3A_240 = arith.mulf %dot_general3A_238, %sub3A_239 : vector<120x256xf32>
    %add3A_241 = arith.addf %dot_general3A_185, %mul3A_240 : vector<120x256xf32>
    %get3A_242 = arith.constant 0 : index
    %get3A_243 = arith.constant 0 : index
    %get3A_244 = vector.load %arg12[%get3A_242, %get3A_243] : memref<1x64xf32, #tpu.memory_space<vmem>>, vector<1x64xf32>
    %get3A_245 = arith.constant 0 : index
    %get3A_246 = arith.constant 0 : index
    %get3A_247 = vector.load %arg15[%get3A_245, %get3A_246] : memref<256x64xf32, #tpu.memory_space<vmem>>, vector<256x64xf32>
    %dot_general3A_248 = arith.constant dense<0.000000e+00> : vector<120x64xf32>
    %dot_general3A_249 = tpu.matmul %dot_general3A_185, %get3A_247, %dot_general3A_248 {dimension_numbers = #tpu.dot_dimension_numbers<[1], [0], [0], [1], [0, 0, 1, 1], [], []>, transpose_lhs_hint = false} : vector<120x256xf32>, vector<256x64xf32>, vector<120x64xf32> -> vector<120x64xf32>
    %add3A_250 = vector.broadcast %get3A_244 : vector<1x64xf32> to vector<120x64xf32>
    %add3A_251 = arith.addf %dot_general3A_249, %add3A_250 : vector<120x64xf32>
    %gt3A_252 = arith.constant 0.000000e+00 : f32
    %gt3A_253 = vector.broadcast %gt3A_252 : f32 to vector<120x64xf32>
    %gt3A_254 = arith.cmpf ogt, %add3A_251, %gt3A_253 : vector<120x64xf32>
    %exp3A_255 = math.exp %add3A_251 : vector<120x64xf32>
    %sub3A_256 = arith.constant 1.000000e+00 : f32
    %sub3A_257 = vector.broadcast %sub3A_256 : f32 to vector<120x64xf32>
    %sub3A_258 = arith.subf %exp3A_255, %sub3A_257 : vector<120x64xf32>
    %select_n3A_259 = arith.select %gt3A_254, %add3A_251, %sub3A_258 : vector<120x64xi1>, vector<120x64xf32>
    %get3A_260 = arith.constant 0 : index
    %get3A_261 = arith.constant 0 : index
    %get3A_262 = vector.load %arg15[%get3A_260, %get3A_261] : memref<256x64xf32, #tpu.memory_space<vmem>>, vector<256x64xf32>
    %dot_general3A_263 = arith.constant dense<0.000000e+00> : vector<120x64xf32>
    %dot_general3A_264 = tpu.matmul %add3A_241, %get3A_262, %dot_general3A_263 {dimension_numbers = #tpu.dot_dimension_numbers<[1], [0], [0], [1], [0, 0, 1, 1], [], []>, transpose_lhs_hint = false} : vector<120x256xf32>, vector<256x64xf32>, vector<120x64xf32> -> vector<120x64xf32>
    %add3A_265 = vector.broadcast %get3A_244 : vector<1x64xf32> to vector<120x64xf32>
    %add3A_266 = arith.addf %dot_general3A_264, %add3A_265 : vector<120x64xf32>
    %gt3A_267 = arith.constant 0.000000e+00 : f32
    %gt3A_268 = vector.broadcast %gt3A_267 : f32 to vector<120x64xf32>
    %gt3A_269 = arith.cmpf ogt, %add3A_266, %gt3A_268 : vector<120x64xf32>
    %exp3A_270 = math.exp %add3A_266 : vector<120x64xf32>
    %sub3A_271 = arith.constant 1.000000e+00 : f32
    %sub3A_272 = vector.broadcast %sub3A_271 : f32 to vector<120x64xf32>
    %sub3A_273 = arith.subf %exp3A_270, %sub3A_272 : vector<120x64xf32>
    %select_n3A_274 = arith.select %gt3A_269, %add3A_266, %sub3A_273 : vector<120x64xi1>, vector<120x64xf32>
    %get3A_275 = arith.constant 0 : index
    %get3A_276 = arith.constant 0 : index
    %get3A_277 = vector.load %arg18[%get3A_275, %get3A_276] : memref<8x120xf32, #tpu.memory_space<vmem>>, vector<8x120xf32>
    %dot_general3A_278 = arith.constant dense<0.000000e+00> : vector<8x64xf32>
    %dot_general3A_279 = tpu.matmul %get3A_277, %select_n3A_259, %dot_general3A_278 {dimension_numbers = #tpu.dot_dimension_numbers<[1], [0], [0], [1], [0, 0, 1, 1], [], []>, transpose_lhs_hint = false} : vector<8x120xf32>, vector<120x64xf32>, vector<8x64xf32> -> vector<8x64xf32>
    %dot_general3A_280 = arith.constant dense<0.000000e+00> : vector<8x64xf32>
    %dot_general3A_281 = tpu.matmul %get3A_277, %select_n3A_274, %dot_general3A_280 {dimension_numbers = #tpu.dot_dimension_numbers<[1], [0], [0], [1], [0, 0, 1, 1], [], []>, transpose_lhs_hint = false} : vector<8x120xf32>, vector<120x64xf32>, vector<8x64xf32> -> vector<8x64xf32>
    %get3A_282 = arith.constant 0 : index
    %get3A_283 = arith.constant 0 : index
    %get3A_284 = vector.load %arg19[%get3A_282, %get3A_283] : memref<64x32xf32, #tpu.memory_space<vmem>>, vector<64x32xf32>
    %get3A_285 = arith.constant 0 : index
    %get3A_286 = arith.constant 0 : index
    %get3A_287 = vector.load %arg20[%get3A_285, %get3A_286] : memref<1x32xf32, #tpu.memory_space<vmem>>, vector<1x32xf32>
    %get3A_288 = arith.constant 0 : index
    %get3A_289 = arith.constant 0 : index
    %get3A_290 = vector.load %arg21[%get3A_288, %get3A_289] : memref<32x15xf32, #tpu.memory_space<vmem>>, vector<32x15xf32>
    %get3A_291 = arith.constant 0 : index
    %get3A_292 = arith.constant 0 : index
    %get3A_293 = vector.load %arg22[%get3A_291, %get3A_292] : memref<1x15xf32, #tpu.memory_space<vmem>>, vector<1x15xf32>
    %dot_general3A_294 = arith.constant dense<0.000000e+00> : vector<8x32xf32>
    %dot_general3A_295 = tpu.matmul %dot_general3A_279, %get3A_284, %dot_general3A_294 {dimension_numbers = #tpu.dot_dimension_numbers<[1], [0], [0], [1], [0, 0, 1, 1], [], []>, transpose_lhs_hint = false} : vector<8x64xf32>, vector<64x32xf32>, vector<8x32xf32> -> vector<8x32xf32>
    %add3A_296 = vector.broadcast %get3A_287 : vector<1x32xf32> to vector<8x32xf32>
    %add3A_297 = arith.addf %dot_general3A_295, %add3A_296 : vector<8x32xf32>
    %max3A_298 = arith.constant 0.000000e+00 : f32
    %max3A_299 = vector.broadcast %max3A_298 : f32 to vector<8x32xf32>
    %max3A_300 = arith.maximumf %add3A_297, %max3A_299 : vector<8x32xf32>
    %dot_general3A_301 = arith.constant dense<0.000000e+00> : vector<8x32xf32>
    %dot_general3A_302 = tpu.matmul %dot_general3A_281, %get3A_284, %dot_general3A_301 {dimension_numbers = #tpu.dot_dimension_numbers<[1], [0], [0], [1], [0, 0, 1, 1], [], []>, transpose_lhs_hint = false} : vector<8x64xf32>, vector<64x32xf32>, vector<8x32xf32> -> vector<8x32xf32>
    %add3A_303 = vector.broadcast %get3A_287 : vector<1x32xf32> to vector<8x32xf32>
    %add3A_304 = arith.addf %dot_general3A_302, %add3A_303 : vector<8x32xf32>
    %max3A_305 = arith.constant 0.000000e+00 : f32
    %max3A_306 = vector.broadcast %max3A_305 : f32 to vector<8x32xf32>
    %max3A_307 = arith.maximumf %add3A_304, %max3A_306 : vector<8x32xf32>
    %dot_general3A_308 = arith.constant dense<0.000000e+00> : vector<8x15xf32>
    %dot_general3A_309 = tpu.matmul %max3A_300, %get3A_290, %dot_general3A_308 {dimension_numbers = #tpu.dot_dimension_numbers<[1], [0], [0], [1], [0, 0, 1, 1], [], []>, transpose_lhs_hint = false} : vector<8x32xf32>, vector<32x15xf32>, vector<8x15xf32> -> vector<8x15xf32>
    %add3A_310 = vector.broadcast %get3A_293 : vector<1x15xf32> to vector<8x15xf32>
    %add3A_311 = arith.addf %dot_general3A_309, %add3A_310 : vector<8x15xf32>
    %logistic3A = arith.negf %add3A_311 : vector<8x15xf32>
    %logistic3A_312 = math.exp %logistic3A : vector<8x15xf32>
    %logistic3A_313 = arith.constant 1.000000e+00 : f32
    %logistic3A_314 = vector.broadcast %logistic3A_313 : f32 to vector<8x15xf32>
    %logistic3A_315 = arith.addf %logistic3A_314, %logistic3A_312 : vector<8x15xf32>
    %logistic3A_316 = arith.divf %logistic3A_314, %logistic3A_315 : vector<8x15xf32>
    %swap3A = arith.constant 0 : index
    %swap3A_317 = arith.constant 0 : index
    %swap3A_318 = arith.constant 0 : index
    %swap3A_319 = vector.load %arg23[%swap3A, %swap3A_317, %swap3A_318] : memref<8x2x15xf32, #tpu.memory_space<vmem>>, vector<8x1x15xf32>
    %swap3A_320 = vector.shape_cast %swap3A_319 : vector<8x1x15xf32> to vector<8x15xf32>
    %swap3A_321 = vector.shape_cast %logistic3A_316 : vector<8x15xf32> to vector<8x1x15xf32>
    tpu.vector_store %arg23[%swap3A, %swap3A_317, %swap3A_318], %swap3A_321 {strides = array<i32>} : memref<8x2x15xf32, #tpu.memory_space<vmem>>, vector<8x1x15xf32>,
    %dot_general3A_322 = arith.constant dense<0.000000e+00> : vector<8x15xf32>
    %dot_general3A_323 = tpu.matmul %max3A_307, %get3A_290, %dot_general3A_322 {dimension_numbers = #tpu.dot_dimension_numbers<[1], [0], [0], [1], [0, 0, 1, 1], [], []>, transpose_lhs_hint = false} : vector<8x32xf32>, vector<32x15xf32>, vector<8x15xf32> -> vector<8x15xf32>
    %add3A_324 = vector.broadcast %get3A_293 : vector<1x15xf32> to vector<8x15xf32>
    %add3A_325 = arith.addf %dot_general3A_323, %add3A_324 : vector<8x15xf32>
    %logistic3A_326 = arith.negf %add3A_325 : vector<8x15xf32>
    %logistic3A_327 = math.exp %logistic3A_326 : vector<8x15xf32>
    %logistic3A_328 = arith.constant 1.000000e+00 : f32
    %logistic3A_329 = vector.broadcast %logistic3A_328 : f32 to vector<8x15xf32>
    %logistic3A_330 = arith.addf %logistic3A_329, %logistic3A_327 : vector<8x15xf32>
    %logistic3A_331 = arith.divf %logistic3A_329, %logistic3A_330 : vector<8x15xf32>
    %swap3A_332 = arith.constant 0 : index
    %swap3A_333 = arith.constant 1 : index
    %swap3A_334 = arith.constant 0 : index
    %swap3A_335 = vector.load %arg23[%swap3A_332, %swap3A_333, %swap3A_334] : memref<8x2x15xf32, #tpu.memory_space<vmem>>, vector<8x1x15xf32>
    %swap3A_336 = vector.shape_cast %swap3A_335 : vector<8x1x15xf32> to vector<8x15xf32>
    %swap3A_337 = vector.shape_cast %logistic3A_331 : vector<8x15xf32> to vector<8x1x15xf32>
    tpu.vector_store %arg23[%swap3A_332, %swap3A_333, %swap3A_334], %swap3A_337 {strides = array<i32>} : memref<8x2x15xf32, #tpu.memory_space<vmem>>, vector<8x1x15xf32>,
    return
  }
  func.func @transform_0(%arg0: i32) -> (i32, i32, i32) {
    %c0_i32 = arith.constant 0 : i32
    %c0_i32_0 = arith.constant 0 : i32
    %c0_i32_1 = arith.constant 0 : i32
    return %arg0, %c0_i32, %c0_i32_0 : i32, i32, i32
  }
  func.func @transform_1(%arg0: i32) -> (i32, i32) {
    %c0_i32 = arith.constant 0 : i32
    %c0_i32_0 = arith.constant 0 : i32
    %c0_i32_1 = arith.constant 0 : i32
    return %c0_i32, %c0_i32_0 : i32, i32
  }
  func.func @transform_2(%arg0: i32) -> (i32, i32) {
    %c0_i32 = arith.constant 0 : i32
    %c0_i32_0 = arith.constant 0 : i32
    %c0_i32_1 = arith.constant 0 : i32
    return %c0_i32, %c0_i32_0 : i32, i32
  }
  func.func @transform_3(%arg0: i32) -> (i32, i32) {
    %c0_i32 = arith.constant 0 : i32
    %c0_i32_0 = arith.constant 0 : i32
    %c0_i32_1 = arith.constant 0 : i32
    return %c0_i32, %c0_i32_0 : i32, i32
  }
  func.func @transform_4(%arg0: i32) -> (i32, i32) {
    %c0_i32 = arith.constant 0 : i32
    %c0_i32_0 = arith.constant 0 : i32
    %c0_i32_1 = arith.constant 0 : i32
    return %c0_i32, %c0_i32_0 : i32, i32
  }
  func.func @transform_5(%arg0: i32) -> (i32, i32) {
    %c0_i32 = arith.constant 0 : i32
    %c0_i32_0 = arith.constant 0 : i32
    %c0_i32_1 = arith.constant 0 : i32
    return %c0_i32, %c0_i32_0 : i32, i32
  }
  func.func @transform_6(%arg0: i32) -> (i32, i32) {
    %c0_i32 = arith.constant 0 : i32
    %c0_i32_0 = arith.constant 0 : i32
    %c0_i32_1 = arith.constant 0 : i32
    return %c0_i32, %c0_i32_0 : i32, i32
  }
  func.func @transform_7(%arg0: i32) -> (i32, i32) {
    %c0_i32 = arith.constant 0 : i32
    %c0_i32_0 = arith.constant 0 : i32
    %c0_i32_1 = arith.constant 0 : i32
    return %c0_i32, %c0_i32_0 : i32, i32
  }
  func.func @transform_8(%arg0: i32) -> (i32, i32) {
    %c0_i32 = arith.constant 0 : i32
    %c0_i32_0 = arith.constant 0 : i32
    %c0_i32_1 = arith.constant 0 : i32
    return %c0_i32, %c0_i32_0 : i32, i32
  }
  func.func @transform_9(%arg0: i32) -> (i32, i32) {
    %c0_i32 = arith.constant 0 : i32
    %c0_i32_0 = arith.constant 0 : i32
    %c0_i32_1 = arith.constant 0 : i32
    return %c0_i32, %c0_i32_0 : i32, i32
  }
  func.func @transform_10(%arg0: i32) -> (i32, i32) {
    %c0_i32 = arith.constant 0 : i32
    %c0_i32_0 = arith.constant 0 : i32
    %c0_i32_1 = arith.constant 0 : i32
    return %c0_i32, %c0_i32_0 : i32, i32
  }
  func.func @transform_11(%arg0: i32) -> (i32, i32) {
    %c0_i32 = arith.constant 0 : i32
    %c0_i32_0 = arith.constant 0 : i32
    %c0_i32_1 = arith.constant 0 : i32
    return %c0_i32, %c0_i32_0 : i32, i32
  }
  func.func @transform_12(%arg0: i32) -> (i32, i32) {
    %c0_i32 = arith.constant 0 : i32
    %c0_i32_0 = arith.constant 0 : i32
    %c0_i32_1 = arith.constant 0 : i32
    return %c0_i32, %c0_i32_0 : i32, i32
  }
  func.func @transform_13(%arg0: i32) -> (i32, i32) {
    %c0_i32 = arith.constant 0 : i32
    %c0_i32_0 = arith.constant 0 : i32
    %c0_i32_1 = arith.constant 0 : i32
    return %c0_i32, %c0_i32_0 : i32, i32
  }
  func.func @transform_14(%arg0: i32) -> (i32, i32) {
    %c0_i32 = arith.constant 0 : i32
    %c0_i32_0 = arith.constant 0 : i32
    %c0_i32_1 = arith.constant 0 : i32
    return %c0_i32, %c0_i32_0 : i32, i32
  }
  func.func @transform_15(%arg0: i32) -> (i32, i32) {
    %c0_i32 = arith.constant 0 : i32
    %c0_i32_0 = arith.constant 0 : i32
    %c0_i32_1 = arith.constant 0 : i32
    return %c0_i32, %c0_i32_0 : i32, i32
  }
  func.func @transform_16(%arg0: i32) -> (i32, i32) {
    %c0_i32 = arith.constant 0 : i32
    %c0_i32_0 = arith.constant 0 : i32
    %c0_i32_1 = arith.constant 0 : i32
    return %c0_i32, %c0_i32_0 : i32, i32
  }
  func.func @transform_17(%arg0: i32) -> (i32, i32) {
    %c0_i32 = arith.constant 0 : i32
    %c0_i32_0 = arith.constant 0 : i32
    %c0_i32_1 = arith.constant 0 : i32
    return %c0_i32, %c0_i32_0 : i32, i32
  }
  func.func @transform_18(%arg0: i32) -> (i32, i32) {
    %c0_i32 = arith.constant 0 : i32
    %c0_i32_0 = arith.constant 0 : i32
    %c0_i32_1 = arith.constant 0 : i32
    return %c0_i32, %c0_i32_0 : i32, i32
  }
  func.func @transform_19(%arg0: i32) -> (i32, i32) {
    %c0_i32 = arith.constant 0 : i32
    %c0_i32_0 = arith.constant 0 : i32
    %c0_i32_1 = arith.constant 0 : i32
    return %c0_i32, %c0_i32_0 : i32, i32
  }
  func.func @transform_20(%arg0: i32) -> (i32, i32) {
    %c0_i32 = arith.constant 0 : i32
    %c0_i32_0 = arith.constant 0 : i32
    %c0_i32_1 = arith.constant 0 : i32
    return %c0_i32, %c0_i32_0 : i32, i32
  }
  func.func @transform_21(%arg0: i32) -> (i32, i32) {
    %c0_i32 = arith.constant 0 : i32
    %c0_i32_0 = arith.constant 0 : i32
    %c0_i32_1 = arith.constant 0 : i32
    return %c0_i32, %c0_i32_0 : i32, i32
  }
  func.func @transform_22(%arg0: i32) -> (i32, i32, i32) {
    %c0_i32 = arith.constant 0 : i32
    %c0_i32_0 = arith.constant 0 : i32
    %c0_i32_1 = arith.constant 0 : i32
    return %arg0, %c0_i32, %c0_i32_0 : i32, i32, i32
  }
}

</mosaic_0001>

<sc_bundles>
// kernel: kernel.5.cloned.1.call-start
scs
__scs_entry_jumppad:
0x0: {  	(pc) =	sbr.rel $0x88, $3  }
0x1: {  	(tag) =	ssettag $0x0;
	lr =	simm.s32 $0x1  }
0x2: {  	[smem:$0x3F8F] =	sst lr;
	_ =	strace $0xD0000000  }
0x3: {  	_ = 	snop  }
0x4: {  	_ = 	snop  }
0x5: {  	_ = 	snop  }
0x6: {  	_ = 	snop  }
0x7: {  	_ = 	snop  }
__scs_overlays_trampoline_lowered:
0x8: {  	[smem:$0x3F9E] =	sst s0  }
0x9: {  	[smem:$0x3F9F] =	sst s1  }
0xa: {  	[smem:$0x3FA0] =	sst s2  }
0xb: {  	[smem:$0x3FA1] =	sst s3  }
0xc: {  	[smem:$0x3FA2] =	sst s4  }
0xd: {  	[smem:$0x3FA3] =	sst s5  }
0xe: {  	[smem:$0x3FA4] =	sst s6  }
0xf: {  	[smem:$0x3FA5] =	sst s7  }
0x10: {  	[smem:$0x3FA6] =	sst s8  }
0x11: {  	[smem:$0x3FA7] =	sst s9;
	s0 =	simm.s32 @!p0 $0x0  }
0x12: {  	s1 =	sld [smem:$0x3F8D];
	s0 =	simm.s32 @p0 $0x1  }
0x13: {  	[smem:$0x3FA8] =	sst s0;
	s0 =	simm.s32 @!p1 $0x0  }
0x14: {  	s2 =	sld [smem:$0x3F8C];
	s0 =	simm.s32 @p1 $0x1  }
0x15: {  	[smem:$0x3FA9] =	sst s0;
	s0 =	simm.s32 @!p2 $0x0  }
0x16: {  	s3 =	sld [smem:$0x3FDB];
	s0 =	simm.s32 @p2 $0x1  }
0x17: {  	s4 =	simm.s32 $0x1BF5;
	[smem:$0x3FAB] =	sst s0  }
0x18: {  	s0 =	sld [smem:$0x3F8E];
	_ =	swait.ge [sflag:s4], $0x0  }
0x19: {  	s7 =	sld [smem:$0x3F8F]  }
0x1a: {  	s8 =	sadd.s32 $0xFFFFE003, lr  }
0x1b: {  	s9 =	sadd.s32 $0xFFFFFEF7, lr;
	s5 =	simm.s32 $0xFFFFFFFF;
	p2 =	slt.u32 s8, $0xFFFFF086  }
0x1c: {  	p1 =	slt.u32 s9, $0xF7A;
	s5 =	simm.s32 @!p2 $0x0  }
0x1d: {  	s5 =	simm.s32 @p1 $0x1;
	p0 =	seq.s32 s7, s2  }
0x1e: {  	s7 =	smul.u32 @!p0 $0xF7A, s2;
	p2 =	seq.s32 @!p0 s5, $0x0  }
0x1f: {  	s9 =	smul.u32 $0xF7A, s1;
	s8 =	simm.s32 @!p0 $0x1BF5;
	p2 =	por !p2, p0  }
0x20: {  	[sflag:s8] =	ssyncset.s32 @!p0 $0xFFFFF086;
	s6 =	sadd.s32 @!p0 s3, s7;
	s7 =	simm.s32 @!p0 $0x108  }
0x21: {  	s3 =	sadd.s32 s3, s9;
	s6 =	sadd.s32 @!p0 $0x88, s6;
	s7 =	simm.s32 @p2 $0x1082  }
0x22: {  	[simem:s7], [sflag:s8] =	dma.local @!p0 [hbm:s6], $0xF7A  }
0x23: {  	s9 =	sor.u32 $0xD0000000, s2;
	s6 =	simm.s32 $0x108;
	_ =	swait.ge @!p0 [sflag:s8], $0x0  }
0x24: {  	s3 =	sadd.s32 $0x88, s3;
	s6 =	simm.s32 @!p1 $0x1082;
	[sflag:s4] =	ssyncset.s32 $0xFFFFF086  }
0x25: {  	[simem:s6], [sflag:s4] =	dma.local [hbm:s3], $0xF7A  }
0x26: {  	[smem:$0x3F8F] =	sst s1;
	(tag) =	ssettag s2;
	_ =	strace s9  }
0x27: {  	s1 =	sld [smem:$0x3F9F]  }
0x28: {  	s2 =	sld [smem:$0x3FA0]  }
0x29: {  	s4 =	sld [smem:$0x3FA2]  }
0x2a: {  	p0 =	seq.s32 s5, $0x0;
	s5 =	sld [smem:$0x3FA3]  }
0x2b: {  	s6 =	sld [smem:$0x3FA4]  }
0x2c: {  	s7 =	sld [smem:$0x3FA5]  }
0x2d: {  	s3 =	simm.s32 $0x108;
	s8 =	sld [smem:$0x3FA6]  }
0x2e: {  	s3 =	simm.s32 @!p0 $0x1082;
	s9 =	sld [smem:$0x3FA7]  }
0x2f: {  	lr =	sadd.s32 s0, s3;
	s0 =	sld [smem:$0x3F9E]  }
0x30: {  	s3 =	sld [smem:$0x3FA1]  }
0x31: {  	[smem:$0x3FAA] =	sst s10  }
0x32: {  	s10 =	sld [smem:$0x3FA8];
	_ =	sdelay $0x3  }
0x33: {  	p0 =	seq.s32 s10, $0x1;
	s10 =	sld [smem:$0x3FAA];
	_ =	sdelay $0x3  }
0x34: {  	[smem:$0x3FAA] =	sst s10  }
0x35: {  	s10 =	sld [smem:$0x3FA9];
	_ =	sdelay $0x3  }
0x36: {  	p1 =	seq.s32 s10, $0x1;
	s10 =	sld [smem:$0x3FAA];
	_ =	sdelay $0x3  }
0x37: {  	[smem:$0x3FAA] =	sst s10  }
0x38: {  	s10 =	sld [smem:$0x3FAB]  }
0x39: {  	_ = 	snop;
	(pc) =	sbr.ind lr, $3  }
0x3a: {  	_ = 	snop  }
0x3b: {  	_ = 	snop  }
0x3c: {  	p2 =	seq.s32 s10, $0x1;
	s10 =	sld [smem:$0x3FAA]  }
0x3d: {  	_ =	shalt  }
0x3e: {  	_ =	shalt  }
0x3f: {  	_ =	shalt  }
0x40: {  	_ =	shalt  }
0x41: {  	_ =	shalt  }
0x42: {  	_ =	shalt  }
0x43: {  	_ =	shalt  }
0x44: {  	_ =	shalt  }
0x45: {  	_ =	shalt  }
0x46: {  	_ =	shalt  }
0x47: {  	_ =	shalt  }
0x48: {  	_ =	shalt  }
0x49: {  	_ =	shalt  }
0x4a: {  	_ =	shalt  }
0x4b: {  	_ =	shalt  }
0x4c: {  	_ =	shalt  }
0x4d: {  	_ =	shalt  }
0x4e: {  	_ =	shalt  }
0x4f: {  	_ =	shalt  }
0x50: {  	_ =	shalt  }
0x51: {  	_ =	shalt  }
0x52: {  	_ =	shalt  }
0x53: {  	_ =	shalt  }
0x54: {  	_ =	shalt  }
0x55: {  	_ =	shalt  }
0x56: {  	_ =	shalt  }
0x57: {  	_ =	shalt  }
0x58: {  	_ =	shalt  }
0x59: {  	_ =	shalt  }
0x5a: {  	_ =	shalt  }
0x5b: {  	_ =	shalt  }
0x5c: {  	_ =	shalt  }
0x5d: {  	_ =	shalt  }
0x5e: {  	_ =	shalt  }
0x5f: {  	_ =	shalt  }
0x60: {  	_ =	shalt  }
0x61: {  	_ =	shalt  }
0x62: {  	_ =	shalt  }
0x63: {  	_ =	shalt  }
0x64: {  	_ =	shalt  }
0x65: {  	_ =	shalt  }
0x66: {  	_ =	shalt  }
0x67: {  	_ =	shalt  }
0x68: {  	_ =	shalt  }
0x69: {  	_ =	shalt  }
0x6a: {  	_ =	shalt  }
0x6b: {  	_ =	shalt  }
0x6c: {  	_ =	shalt  }
0x6d: {  	_ =	shalt  }
0x6e: {  	_ =	shalt  }
0x6f: {  	_ =	shalt  }
0x70: {  	_ =	shalt  }
0x71: {  	_ =	shalt  }
0x72: {  	_ =	shalt  }
0x73: {  	_ =	shalt  }
0x74: {  	_ =	shalt  }
0x75: {  	_ =	shalt  }
0x76: {  	_ =	shalt  }
0x77: {  	_ =	shalt  }
0x78: {  	_ =	shalt  }
0x79: {  	_ =	shalt  }
0x7a: {  	_ =	shalt  }
0x7b: {  	_ =	shalt  }
0x7c: {  	_ =	shalt  }
0x7d: {  	_ =	shalt  }
0x7e: {  	_ =	shalt  }
0x7f: {  	_ =	shalt  }
0x80: {  	_ =	shalt  }
0x81: {  	_ =	shalt  }
0x82: {  	_ =	shalt  }
0x83: {  	_ =	shalt  }
0x84: {  	_ =	shalt  }
0x85: {  	_ =	shalt  }
0x86: {  	_ =	shalt  }
0x87: {  	_ =	shalt  }
.Lfunc_end0:
.L_simem_size_0:
called_computation_lowered:
.L_overlay_start_0:
0x88: {  	s2 =	sld [smem:$0x3FD9]  }
0x89: {  	s3 =	sld [smem:$0x3FFE];
	_ =	sdelay $0x1  }
0x8a: {  	s1 =	srdreg.scid  }
0x8b: {  	s0 =	sand.u32 $0x1, s1  }
0x8c: {  	s17 =	sshll.u32 s0, $0xA;
	s2 =	sadd.s32 s3, s2  }
0x8d: {  	s2 =	sadd.s32 s2, s17  }
0x8e: {  	[smem:$0x3FB6] =	sst s2  }
0x8f: {  	_ = 	snop  }
0x90: {  	s2 =	sld [smem:$0x3FD0];
	(tm) =	ssettm $0x1  }
0x91: {  	s18 =	sld [smem:$0x3FFB];
	_ =	sdelay $0x3  }
0x92: {  	_ =	strace s18  }
0x93: {  	s3 =	sld [smem:$0x3FFC];
	_ =	sdelay $0x3  }
0x94: {  	_ =	strace s3  }
0x95: {  	s3 =	sld [smem:$0x3FFD];
	_ =	sdelay $0x3  }
0x96: {  	_ =	strace s3  }
0x97: {  	_ =	strace $0x8FFFFFFF  }
0x98: {  	s19 =	sld [smem:$0x3FDB];
	_ =	sdelay $0x1  }
0x99: {  	s4 =	simm.s32 $_scs_section_size  }
0x9a: {  	s5 =	simm.s32 $_size__tile_overlayer_lowered;
	s6 =	simm.s32 $_tile_overlayer_lowered  }
0x9b: {  	s22 =	simm.s32 $0x1BFF;
	s21 =	sshll.u32 s6, $0x1;
	s3 =	sadd.s32 s4, s19  }
0x9c: {  	s7 =	simm.s32 $0x0;
	s20 =	sshll.u32 s5, $0x1;
	s5 =	sadd.s32 s21, s3  }
0x9d: {  	[timem:s7], [sflag:s22] =	dma.local [hbm:s5], s20  }
0x9e: {  	_ =	swait.ge [sflag:s22], s20  }
0x9f: {  	s4 =	ssub.s32 $0x0, s20;
	[sflag:s22] =	ssyncset.done $0x0  }
0xa0: {  	[sflag:s22] =	ssyncadd.s32 s4;
	_ =	sdelay $0x1  }
0xa1: {  	s23 =	simm.s32 $0x1B8B  }
0xa2: {  	_ =	swait.ge [sflag:s23], $0x1  }
0xa3: {  	[sflag:s23] =	ssyncset.done $0x0  }
0xa4: {  	s25 =	simm.s32 $0x1B8E;
	s24 =	sld [smem:$0x3FFE];
	[sflag:s23] =	ssyncadd.s32 $0xFFFFFFFF  }
0xa5: {  	s26 =	simm.s32 $execute0_lowered;
	[smem:$0x3FD2] =	sst s25  }
0xa6: {  	s5 =	sshll.u32 s26, $0x1;
	_ =	strace $0x80000046;
	[dreg:$0x1] =	wrdreg $0xFFFFFFFF  }
0xa7: {  	s28 =	simm.s32 $_size_execute0_lowered;
	s3 =	sadd.s32 s3, s5;
	[dreg:$0x0] =	wrdreg $0x0  }
0xa8: {  	s5 =	sshll.u32 s28, $0x1;
	[dreg:$0x2] =	wrdreg s3  }
0xa9: {  	[dreg:$0x3] =	wrdreg s5  }
0xaa: {  	[dreg:$0x4] =	wrdreg $0xC0  }
0xab: {  	_ =	task [dreg:s7], $0x5FFFF  }
0xac: {  	[dreg:$0x1] =	wrdreg $0xFFFFFFFF  }
0xad: {  	[dreg:$0x0] =	wrdreg $0x60  }
0xae: {  	[dreg:$0x2] =	wrdreg s2  }
0xaf: {  	[dreg:$0x3] =	wrdreg s24  }
0xb0: {  	[dreg:$0x4] =	wrdreg $0x9  }
0xb1: {  	_ =	task.clear_ibuf [dreg:s7], $0x5FFFF;
	_ =	strace $0x90000046  }
0xb2: {  	s29 =	simm.s32 $0x9;
	_ =	strace $0x80000048  }
0xb3: {  	_ =	swait.ge [sflag:s29], $0x1  }
0xb4: {  	[sflag:s29] =	ssyncadd.s32 $0xFFFFFFFF  }
0xb5: {  	_ =	strace $0x90000048  }
0xb6: {  	_ =	sfence  }
0xb7: {  	s30 =	sld [smem:$0x0];
	_ =	sdelay $0x2  }
0xb8: {  	s31 =	sshll.u32 s1, $0xD;
	s1 =	sshrl.u32 s1, $0x2  }
0xb9: {  	s3 =	sand.u32 $0x4000, s31;
	s1 =	sadd.s32 s1, s30  }
0xba: {  	s0 =	sor.u32 s3, s0;
	s1 =	sshll.u32 s1, $0x11  }
0xbb: {  	s0 =	sor.u32 s1, s0  }
0xbc: {  	s0 =	sadd.s32 $0x8F2B, s0  }
0xbd: {  	[sflag:s0] =	ssyncadd.remote.s32 $0x1  }
0xbe: {  	_ =	sfence.sel $0xFFFF  }
0xbf: {  	[dreg:$0x0] =	wrdreg $0xFFFFFFFF;
	(pc) =	sbr.abs _section_cstart, $3  }
0xc0: {  	[dreg:$0x1] =	wrdreg $0xFFFFFFFF  }
0xc1: {  	_ =	task.clear_ibuf [dreg:s7], $0x2FFFF;
	_ =	strace $0x9FFFFFFF  }
0xc2: {  	(tm) =	ssettm $0x7FFFFFFF  }
0xc3: {  	_ =	shalt  }
tec
execute0_lowered:
.L_overlay_start_1:
0x0: {  	(tag) =	ssettag $0x1  }
0x1: {  	s0 =	srdreg.scid  }
0x2: {  	s4 =	sand.u32 $0x1, s0;
	s0 =	stileid.u32  }
0x3: {  	s5 =	sshll.u32 s0, $0x1;
	s6 =	ssub.s32 $0x0, s4  }
0x4: {  	p0 =	sne.s32 s5, s6  }
.Ltmp0:
0x5: {  	_ = 	snop;
	(pc) =	sbr.rel @p0 .LBB2_3-.Ltmp0, $4  }
0x6: {  	_ = 	snop  }
0x7: {  	s2 =	rddreg [dreg:$0x0]  }
0x8: {  	s3 =	rddreg [dreg:$0x1]  }
0x9: {  	s1 =	rddreg [dreg:$0x2];
	_ =	strace $0x80000047  }
0xa: {  	s4 =	ssub.s32 $0x2, s4  }
0xb: {  	s5 =	sshrl.u32 s4, $0x1  }
0xc: {  	s3 =	sadd.s32 $0x1E00, s3;
	s6 =	simm.s32 $0x1;
	s4 =	ssub.s32 s4, s5  }
0xd: {  	v0 =	vimm.f32 $0.0e+00;
	s7 =	simm.s32 $0x200;
	s5 =	simm.s32 $0x0;
	s4 =	smax.u32 s4, $0x1  }
.LBB2_2:
0xe: {  	[tilespmem:s5], [sflag:$0x1] =	stream.linear.gather [hbm4b:s2+s5], $0x200, $0x38;
	[tilespmem:$0xA00] =	vst v63  }
0xf: {  	_ =	swait.ge [sflag:s6], $0x200  }
0x10: {  	[sflag:s6] =	ssyncset.done $0x0  }
0x11: {  	[sflag:s6] =	ssyncadd.s32 $0xFFFFFE00  }
0x12: {  	v1 =	vld [tilespmem:$0x0];
	_ =	sdelay $0x4  }
0x13: {  	vm0 =	veq.s32 v1, $0x0  }
0x14: {  	vm6 =	veq.s32 v1, $0x1;
	vm7 =	veq.s32 v1, $0x2;
	vm1 =	veq.s32 v1, $0x3  }
0x15: {  	vm8 =	veq.s32 v1, $0x4;
	vm9 =	veq.s32 v1, $0x5;
	vm10 =	veq.s32 v1, $0x6  }
0x16: {  	vm11 =	veq.s32 v1, $0x7;
	vm12 =	veq.s32 v1, $0x8;
	vm13 =	veq.s32 v1, $0x9  }
0x17: {  	vm14 =	veq.s32 v1, $0xA;
	vm15 =	veq.s32 v1, $0xB;
	vm4 =	veq.s32 v1, $0xC  }
0x18: {  	v9 =	vld [tilespmem:$0x10];
	vm5 =	veq.s32 v1, $0xD;
	v2 =	vsel vm0, $0x3F800000, v0;
	v3 =	vsel vm6, $0x3F800000, v0  }
0x19: {  	v4 =	vsel vm7, $0x3F800000, v0;
	v5 =	vsel vm1, $0x3F800000, v0;
	v6 =	vsel vm8, $0x3F800000, v0  }
0x1a: {  	v7 =	vsel vm9, $0x3F800000, v0;
	v8 =	vsel vm10, $0x3F800000, v0;
	v10 =	vsel vm11, $0x3F800000, v0  }
0x1b: {  	v11 =	vsel vm12, $0x3F800000, v0;
	v12 =	vsel vm13, $0x3F800000, v0;
	v13 =	vsel vm14, $0x3F800000, v0  }
0x1c: {  	v14 =	vsel vm15, $0x3F800000, v0;
	v15 =	vsel vm4, $0x3F800000, v0;
	v16 =	vsel vm5, $0x3F800000, v0  }
0x1d: {  	vm6 =	veq.s32 v1, $0xE;
	vm7 =	veq.s32 v9, $0x0;
	vm8 =	veq.s32 v9, $0x1  }
0x1e: {  	vm9 =	veq.s32 v9, $0x2;
	vm10 =	veq.s32 v9, $0x3;
	vm11 =	veq.s32 v9, $0x4  }
0x1f: {  	vm12 =	veq.s32 v9, $0x5;
	vm13 =	veq.s32 v9, $0x6;
	vm14 =	veq.s32 v9, $0x7  }
0x20: {  	vm15 =	veq.s32 v9, $0x8;
	vm4 =	veq.s32 v9, $0x9;
	vm5 =	veq.s32 v9, $0xA  }
0x21: {  	v18 =	vld [tilespmem:$0x20];
	v1 =	vsel vm6, $0x3F800000, v0;
	v17 =	vsel vm7, $0x3F800000, v0;
	v26 =	vsel vm8, $0x3F800000, v0  }
0x22: {  	v27 =	vsel vm9, $0x3F800000, v0;
	v28 =	vsel vm10, $0x3F800000, v0;
	v29 =	vsel vm11, $0x3F800000, v0  }
0x23: {  	v30 =	vsel vm12, $0x3F800000, v0;
	v31 =	vsel vm13, $0x3F800000, v0;
	v32 =	vsel vm14, $0x3F800000, v0  }
0x24: {  	v33 =	vsel vm15, $0x3F800000, v0;
	v34 =	vsel vm4, $0x3F800000, v0;
	v35 =	vsel vm5, $0x3F800000, v0  }
0x25: {  	vm6 =	veq.s32 v9, $0xB;
	vm7 =	veq.s32 v9, $0xC;
	vm8 =	veq.s32 v9, $0xD  }
0x26: {  	vm9 =	veq.s32 v9, $0xE;
	vm10 =	veq.s32 v18, $0x0;
	vm11 =	veq.s32 v18, $0x1  }
0x27: {  	vm12 =	veq.s32 v18, $0x2;
	vm13 =	veq.s32 v18, $0x3;
	v2 =	vadd.f32 v17, v2  }
0x28: {  	vm14 =	veq.s32 v18, $0x4;
	v3 =	vadd.f32 v26, v3;
	v4 =	vadd.f32 v27, v4  }
0x29: {  	vm15 =	veq.s32 v18, $0x5;
	v5 =	vadd.f32 v28, v5;
	v6 =	vadd.f32 v29, v6  }
0x2a: {  	vm4 =	veq.s32 v18, $0x6;
	v7 =	vadd.f32 v30, v7;
	v8 =	vadd.f32 v31, v8  }
0x2b: {  	vm5 =	veq.s32 v18, $0x7;
	v10 =	vadd.f32 v32, v10;
	v11 =	vadd.f32 v33, v11  }
0x2c: {  	v12 =	vadd.f32 v34, v12;
	v13 =	vadd.f32 v35, v13;
	v36 =	vsel vm6, $0x3F800000, v0  }
0x2d: {  	v37 =	vsel vm7, $0x3F800000, v0;
	v38 =	vsel vm8, $0x3F800000, v0;
	v40 =	vsel vm9, $0x3F800000, v0  }
0x2e: {  	v51 =	vld [tilespmem:$0x30];
	v41 =	vsel vm10, $0x3F800000, v0;
	v42 =	vsel vm11, $0x3F800000, v0;
	v43 =	vsel vm12, $0x3F800000, v0  }
0x2f: {  	v44 =	vsel vm13, $0x3F800000, v0;
	v45 =	vsel vm14, $0x3F800000, v0;
	v46 =	vsel vm15, $0x3F800000, v0  }
0x30: {  	v47 =	vsel vm4, $0x3F800000, v0;
	v48 =	vsel vm5, $0x3F800000, v0;
	vm6 =	veq.s32 v18, $0x8  }
0x31: {  	vm7 =	veq.s32 v18, $0x9;
	vm8 =	veq.s32 v18, $0xA;
	vm9 =	veq.s32 v18, $0xB  }
0x32: {  	vm10 =	veq.s32 v18, $0xC;
	vm11 =	veq.s32 v18, $0xD;
	vm12 =	veq.s32 v18, $0xE  }
0x33: {  	vm13 =	veq.s32 v51, $0x0;
	vm14 =	veq.s32 v51, $0x1;
	vm15 =	veq.s32 v51, $0x2  }
0x34: {  	vm4 =	veq.s32 v51, $0x3;
	v14 =	vadd.f32 v36, v14;
	v15 =	vadd.f32 v37, v15  }
0x35: {  	vm5 =	veq.s32 v51, $0x4;
	v39 =	vadd.f32 v38, v16;
	v1 =	vadd.f32 v40, v1  }
0x36: {  	v49 =	vsel vm6, $0x3F800000, v0;
	v50 =	vsel vm7, $0x3F800000, v0;
	v52 =	vsel vm8, $0x3F800000, v0  }
0x37: {  	v53 =	vsel vm9, $0x3F800000, v0;
	v54 =	vsel vm10, $0x3F800000, v0;
	v55 =	vsel vm11, $0x3F800000, v0  }
0x38: {  	v56 =	vsel vm12, $0x3F800000, v0;
	v57 =	vsel vm13, $0x3F800000, v0;
	v58 =	vsel vm14, $0x3F800000, v0  }
0x39: {  	v59 =	vsel vm15, $0x3F800000, v0;
	v60 =	vsel vm4, $0x3F800000, v0;
	v61 =	vsel vm5, $0x3F800000, v0  }
0x3a: {  	v23 =	vld [tilespmem:$0x40];
	vm6 =	veq.s32 v51, $0x5;
	vm7 =	veq.s32 v51, $0x6;
	vm8 =	veq.s32 v51, $0x7  }
0x3b: {  	vm9 =	veq.s32 v51, $0x8;
	vm10 =	veq.s32 v51, $0x9;
	vm11 =	veq.s32 v51, $0xA  }
0x3c: {  	vm12 =	veq.s32 v51, $0xB;
	vm13 =	veq.s32 v51, $0xC;
	v2 =	vadd.f32 v41, v2  }
0x3d: {  	vm14 =	veq.s32 v51, $0xD;
	v3 =	vadd.f32 v42, v3;
	v4 =	vadd.f32 v43, v4  }
0x3e: {  	vm15 =	veq.s32 v51, $0xE;
	v5 =	vadd.f32 v44, v5;
	v6 =	vadd.f32 v45, v6  }
0x3f: {  	vm4 =	veq.s32 v23, $0x0;
	v7 =	vadd.f32 v46, v7;
	v8 =	vadd.f32 v47, v8  }
0x40: {  	vm5 =	veq.s32 v23, $0x1;
	v10 =	vadd.f32 v48, v10;
	v11 =	vadd.f32 v49, v11  }
0x41: {  	v12 =	vadd.f32 v50, v12;
	v13 =	vadd.f32 v52, v13;
	v62 =	vsel vm6, $0x3F800000, v0  }
0x42: {  	v63 =	vsel vm7, $0x3F800000, v0;
	v20 =	vsel vm8, $0x3F800000, v0;
	v21 =	vsel vm9, $0x3F800000, v0  }
0x43: {  	v22 =	vsel vm10, $0x3F800000, v0;
	v24 =	vsel vm11, $0x3F800000, v0;
	v25 =	vsel vm12, $0x3F800000, v0  }
0x44: {  	v26 =	vsel vm13, $0x3F800000, v0;
	v27 =	vsel vm14, $0x3F800000, v0;
	v28 =	vsel vm15, $0x3F800000, v0  }
0x45: {  	v29 =	vsel vm4, $0x3F800000, v0;
	v30 =	vsel vm5, $0x3F800000, v0;
	vm6 =	veq.s32 v23, $0x2  }
0x46: {  	vm7 =	veq.s32 v23, $0x3;
	vm8 =	veq.s32 v23, $0x4;
	vm9 =	veq.s32 v23, $0x5  }
0x47: {  	vm10 =	veq.s32 v23, $0x6;
	vm11 =	veq.s32 v23, $0x7;
	vm12 =	veq.s32 v23, $0x8  }
0x48: {  	vm13 =	veq.s32 v23, $0x9;
	vm14 =	veq.s32 v23, $0xA;
	vm15 =	veq.s32 v23, $0xB  }
0x49: {  	vm4 =	veq.s32 v23, $0xC;
	v14 =	vadd.f32 v53, v14;
	v15 =	vadd.f32 v54, v15  }
0x4a: {  	vm5 =	veq.s32 v23, $0xD;
	v9 =	vadd.f32 v55, v39;
	v1 =	vadd.f32 v56, v1  }
0x4b: {  	v31 =	vsel vm6, $0x3F800000, v0;
	v2 =	vadd.f32 v57, v2;
	v3 =	vadd.f32 v58, v3  }
0x4c: {  	v32 =	vsel vm7, $0x3F800000, v0;
	v4 =	vadd.f32 v59, v4;
	v5 =	vadd.f32 v60, v5  }
0x4d: {  	v33 =	vsel vm8, $0x3F800000, v0;
	v6 =	vadd.f32 v61, v6;
	v7 =	vadd.f32 v62, v7  }
0x4e: {  	v34 =	vsel vm9, $0x3F800000, v0;
	v8 =	vadd.f32 v63, v8;
	v10 =	vadd.f32 v20, v10  }
0x4f: {  	v35 =	vsel vm10, $0x3F800000, v0;
	v11 =	vadd.f32 v21, v11;
	v12 =	vadd.f32 v22, v12  }
0x50: {  	v36 =	vsel vm11, $0x3F800000, v0;
	v13 =	vadd.f32 v24, v13;
	v14 =	vadd.f32 v25, v14  }
0x51: {  	v37 =	vsel vm12, $0x3F800000, v0;
	v15 =	vadd.f32 v26, v15;
	v9 =	vadd.f32 v27, v9  }
0x52: {  	v38 =	vsel vm13, $0x3F800000, v0;
	v1 =	vadd.f32 v28, v1;
	v2 =	vadd.f32 v29, v2  }
0x53: {  	v40 =	vsel vm14, $0x3F800000, v0;
	v3 =	vadd.f32 v30, v3;
	v4 =	vadd.f32 v31, v4  }
0x54: {  	v41 =	vsel vm15, $0x3F800000, v0;
	v5 =	vadd.f32 v32, v5;
	v6 =	vadd.f32 v33, v6  }
0x55: {  	v39 =	vld [tilespmem:$0x50];
	v42 =	vsel vm4, $0x3F800000, v0;
	v7 =	vadd.f32 v34, v7;
	v8 =	vadd.f32 v35, v8  }
0x56: {  	v43 =	vsel vm5, $0x3F800000, v0;
	v10 =	vadd.f32 v36, v10;
	v11 =	vadd.f32 v37, v11  }
0x57: {  	vm6 =	veq.s32 v23, $0xE;
	v12 =	vadd.f32 v38, v12;
	v13 =	vadd.f32 v40, v13  }
0x58: {  	v44 =	vsel vm6, $0x3F800000, v0;
	v14 =	vadd.f32 v41, v14;
	v15 =	vadd.f32 v42, v15  }
0x59: {  	v9 =	vadd.f32 v43, v9;
	v1 =	vadd.f32 v44, v1  }
0x5a: {  	vm7 =	veq.s32 v39, $0x0;
	vm8 =	veq.s32 v39, $0x1;
	vm9 =	veq.s32 v39, $0x2  }
0x5b: {  	vm10 =	veq.s32 v39, $0x3;
	vm11 =	veq.s32 v39, $0x4;
	vm12 =	veq.s32 v39, $0x5  }
0x5c: {  	vm13 =	veq.s32 v39, $0x6;
	vm14 =	veq.s32 v39, $0x7;
	vm15 =	veq.s32 v39, $0x8  }
0x5d: {  	vm4 =	veq.s32 v39, $0x9;
	vm5 =	veq.s32 v39, $0xA;
	vm6 =	veq.s32 v39, $0xB  }
0x5e: {  	v55 =	vld [tilespmem:$0x60];
	v45 =	vsel vm7, $0x3F800000, v0;
	v46 =	vsel vm8, $0x3F800000, v0;
	v47 =	vsel vm9, $0x3F800000, v0  }
0x5f: {  	v48 =	vsel vm10, $0x3F800000, v0;
	v49 =	vsel vm11, $0x3F800000, v0;
	v50 =	vsel vm12, $0x3F800000, v0  }
0x60: {  	v51 =	vsel vm13, $0x3F800000, v0;
	v52 =	vsel vm14, $0x3F800000, v0;
	v53 =	vsel vm15, $0x3F800000, v0  }
0x61: {  	v54 =	vsel vm4, $0x3F800000, v0;
	v56 =	vsel vm5, $0x3F800000, v0;
	v57 =	vsel vm6, $0x3F800000, v0  }
0x62: {  	vm7 =	veq.s32 v39, $0xC;
	vm8 =	veq.s32 v39, $0xD;
	vm9 =	veq.s32 v39, $0xE  }
0x63: {  	vm10 =	veq.s32 v55, $0x0;
	vm11 =	veq.s32 v55, $0x1;
	vm12 =	veq.s32 v55, $0x2  }
0x64: {  	vm13 =	veq.s32 v55, $0x3;
	v2 =	vadd.f32 v45, v2;
	v3 =	vadd.f32 v46, v3  }
0x65: {  	vm14 =	veq.s32 v55, $0x4;
	v4 =	vadd.f32 v47, v4;
	v5 =	vadd.f32 v48, v5  }
0x66: {  	vm15 =	veq.s32 v55, $0x5;
	v6 =	vadd.f32 v49, v6;
	v7 =	vadd.f32 v50, v7  }
0x67: {  	vm4 =	veq.s32 v55, $0x6;
	v8 =	vadd.f32 v51, v8;
	v10 =	vadd.f32 v52, v10  }
0x68: {  	vm5 =	veq.s32 v55, $0x7;
	v11 =	vadd.f32 v53, v11;
	v12 =	vadd.f32 v54, v12  }
0x69: {  	vm6 =	veq.s32 v55, $0x8;
	v13 =	vadd.f32 v56, v13;
	v14 =	vadd.f32 v57, v14  }
0x6a: {  	v58 =	vsel vm7, $0x3F800000, v0;
	v59 =	vsel vm8, $0x3F800000, v0;
	v60 =	vsel vm9, $0x3F800000, v0  }
0x6b: {  	v27 =	vld [tilespmem:$0x70];
	v61 =	vsel vm10, $0x3F800000, v0;
	v62 =	vsel vm11, $0x3F800000, v0;
	v63 =	vsel vm12, $0x3F800000, v0  }
0x6c: {  	v20 =	vsel vm13, $0x3F800000, v0;
	v21 =	vsel vm14, $0x3F800000, v0;
	v22 =	vsel vm15, $0x3F800000, v0  }
0x6d: {  	v23 =	vsel vm4, $0x3F800000, v0;
	v24 =	vsel vm5, $0x3F800000, v0;
	v25 =	vsel vm6, $0x3F800000, v0  }
0x6e: {  	vm7 =	veq.s32 v55, $0x9;
	vm8 =	veq.s32 v55, $0xA;
	vm9 =	veq.s32 v55, $0xB  }
0x6f: {  	vm10 =	veq.s32 v55, $0xC;
	vm11 =	veq.s32 v55, $0xD;
	vm12 =	veq.s32 v55, $0xE  }
0x70: {  	vm13 =	veq.s32 v27, $0x0;
	vm14 =	veq.s32 v27, $0x1;
	vm15 =	veq.s32 v27, $0x2  }
0x71: {  	vm4 =	veq.s32 v27, $0x3;
	vm5 =	veq.s32 v27, $0x4;
	v15 =	vadd.f32 v58, v15  }
0x72: {  	vm6 =	veq.s32 v27, $0x5;
	v9 =	vadd.f32 v59, v9;
	v1 =	vadd.f32 v60, v1  }
0x73: {  	v26 =	vsel vm7, $0x3F800000, v0;
	v28 =	vsel vm8, $0x3F800000, v0;
	v29 =	vsel vm9, $0x3F800000, v0  }
0x74: {  	v30 =	vsel vm10, $0x3F800000, v0;
	v31 =	vsel vm11, $0x3F800000, v0;
	v32 =	vsel vm12, $0x3F800000, v0  }
0x75: {  	v33 =	vsel vm13, $0x3F800000, v0;
	v34 =	vsel vm14, $0x3F800000, v0;
	v35 =	vsel vm15, $0x3F800000, v0  }
0x76: {  	v36 =	vsel vm4, $0x3F800000, v0;
	v37 =	vsel vm5, $0x3F800000, v0;
	v38 =	vsel vm6, $0x3F800000, v0  }
0x77: {  	vm7 =	veq.s32 v27, $0x6;
	vm8 =	veq.s32 v27, $0x7;
	vm9 =	veq.s32 v27, $0x8  }
0x78: {  	vm10 =	veq.s32 v27, $0x9;
	v2 =	vadd.f32 v61, v2;
	v3 =	vadd.f32 v62, v3  }
0x79: {  	vm11 =	veq.s32 v27, $0xA;
	v4 =	vadd.f32 v63, v4;
	v5 =	vadd.f32 v20, v5  }
0x7a: {  	vm12 =	veq.s32 v27, $0xB;
	v6 =	vadd.f32 v21, v6;
	v7 =	vadd.f32 v22, v7  }
0x7b: {  	vm13 =	veq.s32 v27, $0xC;
	v8 =	vadd.f32 v23, v8;
	v10 =	vadd.f32 v24, v10  }
0x7c: {  	v43 =	vld [tilespmem:$0x80];
	vm14 =	veq.s32 v27, $0xD;
	v11 =	vadd.f32 v25, v11;
	v12 =	vadd.f32 v26, v12  }
0x7d: {  	vm15 =	veq.s32 v27, $0xE;
	v13 =	vadd.f32 v28, v13;
	v14 =	vadd.f32 v29, v14  }
0x7e: {  	v39 =	vsel vm7, $0x3F800000, v0;
	v40 =	vsel vm8, $0x3F800000, v0;
	v41 =	vsel vm9, $0x3F800000, v0  }
0x7f: {  	v42 =	vsel vm10, $0x3F800000, v0;
	v44 =	vsel vm11, $0x3F800000, v0;
	v45 =	vsel vm12, $0x3F800000, v0  }
0x80: {  	v46 =	vsel vm13, $0x3F800000, v0;
	v47 =	vsel vm14, $0x3F800000, v0;
	v48 =	vsel vm15, $0x3F800000, v0  }
0x81: {  	vm4 =	veq.s32 v43, $0x0;
	vm5 =	veq.s32 v43, $0x1;
	vm6 =	veq.s32 v43, $0x2  }
0x82: {  	vm7 =	veq.s32 v43, $0x3;
	vm8 =	veq.s32 v43, $0x4;
	vm9 =	veq.s32 v43, $0x5  }
0x83: {  	vm10 =	veq.s32 v43, $0x6;
	vm11 =	veq.s32 v43, $0x7;
	vm12 =	veq.s32 v43, $0x8  }
0x84: {  	vm13 =	veq.s32 v43, $0x9;
	vm14 =	veq.s32 v43, $0xA;
	v15 =	vadd.f32 v30, v15  }
0x85: {  	vm15 =	veq.s32 v43, $0xB;
	v9 =	vadd.f32 v31, v9;
	v1 =	vadd.f32 v32, v1  }
0x86: {  	v49 =	vsel vm4, $0x3F800000, v0;
	v50 =	vsel vm5, $0x3F800000, v0;
	v51 =	vsel vm6, $0x3F800000, v0  }
0x87: {  	v52 =	vsel vm7, $0x3F800000, v0;
	v53 =	vsel vm8, $0x3F800000, v0;
	v2 =	vadd.f32 v33, v2  }
0x88: {  	v54 =	vsel vm9, $0x3F800000, v0;
	v3 =	vadd.f32 v34, v3;
	v4 =	vadd.f32 v35, v4  }
0x89: {  	v55 =	vsel vm10, $0x3F800000, v0;
	v5 =	vadd.f32 v36, v5;
	v6 =	vadd.f32 v37, v6  }
0x8a: {  	v56 =	vsel vm11, $0x3F800000, v0;
	v7 =	vadd.f32 v38, v7;
	v8 =	vadd.f32 v39, v8  }
0x8b: {  	v57 =	vsel vm12, $0x3F800000, v0;
	v10 =	vadd.f32 v40, v10;
	v11 =	vadd.f32 v41, v11  }
0x8c: {  	v58 =	vsel vm13, $0x3F800000, v0;
	v12 =	vadd.f32 v42, v12;
	v13 =	vadd.f32 v44, v13  }
0x8d: {  	v60 =	vsel vm14, $0x3F800000, v0;
	v14 =	vadd.f32 v45, v14;
	v15 =	vadd.f32 v46, v15  }
0x8e: {  	v61 =	vsel vm15, $0x3F800000, v0;
	v9 =	vadd.f32 v47, v9;
	v1 =	vadd.f32 v48, v1  }
0x8f: {  	vm4 =	veq.s32 v43, $0xC;
	v2 =	vadd.f32 v49, v2;
	v3 =	vadd.f32 v50, v3  }
0x90: {  	v59 =	vld [tilespmem:$0x90];
	vm5 =	veq.s32 v43, $0xD;
	v4 =	vadd.f32 v51, v4;
	v5 =	vadd.f32 v52, v5  }
0x91: {  	vm6 =	veq.s32 v43, $0xE;
	v6 =	vadd.f32 v53, v6;
	v7 =	vadd.f32 v54, v7  }
0x92: {  	v62 =	vsel vm4, $0x3F800000, v0;
	v8 =	vadd.f32 v55, v8;
	v10 =	vadd.f32 v56, v10  }
0x93: {  	v63 =	vsel vm5, $0x3F800000, v0;
	v11 =	vadd.f32 v57, v11;
	v12 =	vadd.f32 v58, v12  }
0x94: {  	v20 =	vsel vm6, $0x3F800000, v0;
	v13 =	vadd.f32 v60, v13;
	v14 =	vadd.f32 v61, v14  }
0x95: {  	vm7 =	veq.s32 v59, $0x0;
	vm8 =	veq.s32 v59, $0x1;
	vm9 =	veq.s32 v59, $0x2  }
0x96: {  	vm10 =	veq.s32 v59, $0x3;
	vm11 =	veq.s32 v59, $0x4;
	vm12 =	veq.s32 v59, $0x5  }
0x97: {  	vm13 =	veq.s32 v59, $0x6;
	vm14 =	veq.s32 v59, $0x7;
	vm15 =	veq.s32 v59, $0x8  }
0x98: {  	vm4 =	veq.s32 v59, $0x9;
	vm5 =	veq.s32 v59, $0xA;
	v15 =	vadd.f32 v62, v15  }
0x99: {  	vm6 =	veq.s32 v59, $0xB;
	v9 =	vadd.f32 v63, v9;
	v1 =	vadd.f32 v20, v1  }
0x9a: {  	v21 =	vsel vm7, $0x3F800000, v0;
	v22 =	vsel vm8, $0x3F800000, v0;
	v23 =	vsel vm9, $0x3F800000, v0  }
0x9b: {  	v24 =	vsel vm10, $0x3F800000, v0;
	v25 =	vsel vm11, $0x3F800000, v0;
	v26 =	vsel vm12, $0x3F800000, v0  }
0x9c: {  	v27 =	vsel vm13, $0x3F800000, v0;
	v28 =	vsel vm14, $0x3F800000, v0;
	v29 =	vsel vm15, $0x3F800000, v0  }
0x9d: {  	v30 =	vsel vm4, $0x3F800000, v0;
	v2 =	vadd.f32 v21, v2;
	v3 =	vadd.f32 v22, v3  }
0x9e: {  	v32 =	vsel vm5, $0x3F800000, v0;
	v4 =	vadd.f32 v23, v4;
	v5 =	vadd.f32 v24, v5  }
0x9f: {  	v31 =	vld [tilespmem:$0xA0];
	v33 =	vsel vm6, $0x3F800000, v0;
	v6 =	vadd.f32 v25, v6;
	v7 =	vadd.f32 v26, v7  }
0xa0: {  	vm7 =	veq.s32 v59, $0xC;
	v8 =	vadd.f32 v27, v8;
	v10 =	vadd.f32 v28, v10  }
0xa1: {  	vm8 =	veq.s32 v59, $0xD;
	v11 =	vadd.f32 v29, v11;
	v12 =	vadd.f32 v30, v12  }
0xa2: {  	vm9 =	veq.s32 v59, $0xE;
	v13 =	vadd.f32 v32, v13;
	v14 =	vadd.f32 v33, v14  }
0xa3: {  	v34 =	vsel vm7, $0x3F800000, v0;
	v35 =	vsel vm8, $0x3F800000, v0;
	v36 =	vsel vm9, $0x3F800000, v0  }
0xa4: {  	vm10 =	veq.s32 v31, $0x0;
	vm11 =	veq.s32 v31, $0x1;
	vm12 =	veq.s32 v31, $0x2  }
0xa5: {  	vm13 =	veq.s32 v31, $0x3;
	vm14 =	veq.s32 v31, $0x4;
	vm15 =	veq.s32 v31, $0x5  }
0xa6: {  	vm4 =	veq.s32 v31, $0x6;
	vm5 =	veq.s32 v31, $0x7;
	vm6 =	veq.s32 v31, $0x8  }
0xa7: {  	vm7 =	veq.s32 v31, $0x9;
	vm8 =	veq.s32 v31, $0xA;
	v15 =	vadd.f32 v34, v15  }
0xa8: {  	vm9 =	veq.s32 v31, $0xB;
	v9 =	vadd.f32 v35, v9;
	v1 =	vadd.f32 v36, v1  }
0xa9: {  	v37 =	vsel vm10, $0x3F800000, v0;
	v38 =	vsel vm11, $0x3F800000, v0;
	v39 =	vsel vm12, $0x3F800000, v0  }
0xaa: {  	v40 =	vsel vm13, $0x3F800000, v0;
	v41 =	vsel vm14, $0x3F800000, v0;
	v42 =	vsel vm15, $0x3F800000, v0  }
0xab: {  	v43 =	vsel vm4, $0x3F800000, v0;
	v44 =	vsel vm5, $0x3F800000, v0;
	v45 =	vsel vm6, $0x3F800000, v0  }
0xac: {  	v46 =	vsel vm7, $0x3F800000, v0;
	v2 =	vadd.f32 v37, v2;
	v3 =	vadd.f32 v38, v3  }
0xad: {  	v48 =	vsel vm8, $0x3F800000, v0;
	v4 =	vadd.f32 v39, v4;
	v5 =	vadd.f32 v40, v5  }
0xae: {  	v47 =	vld [tilespmem:$0xB0];
	v49 =	vsel vm9, $0x3F800000, v0;
	v6 =	vadd.f32 v41, v6;
	v7 =	vadd.f32 v42, v7  }
0xaf: {  	vm10 =	veq.s32 v31, $0xC;
	v8 =	vadd.f32 v43, v8;
	v10 =	vadd.f32 v44, v10  }
0xb0: {  	vm11 =	veq.s32 v31, $0xD;
	v11 =	vadd.f32 v45, v11;
	v12 =	vadd.f32 v46, v12  }
0xb1: {  	vm12 =	veq.s32 v31, $0xE;
	v13 =	vadd.f32 v48, v13;
	v14 =	vadd.f32 v49, v14  }
0xb2: {  	v50 =	vsel vm10, $0x3F800000, v0;
	v51 =	vsel vm11, $0x3F800000, v0;
	v52 =	vsel vm12, $0x3F800000, v0  }
0xb3: {  	vm13 =	veq.s32 v47, $0x0;
	vm14 =	veq.s32 v47, $0x1;
	vm15 =	veq.s32 v47, $0x2  }
0xb4: {  	vm4 =	veq.s32 v47, $0x3;
	vm5 =	veq.s32 v47, $0x4;
	vm6 =	veq.s32 v47, $0x5  }
0xb5: {  	vm7 =	veq.s32 v47, $0x6;
	vm8 =	veq.s32 v47, $0x7;
	vm9 =	veq.s32 v47, $0x8  }
0xb6: {  	vm10 =	veq.s32 v47, $0x9;
	vm11 =	veq.s32 v47, $0xA;
	v15 =	vadd.f32 v50, v15  }
0xb7: {  	vm12 =	veq.s32 v47, $0xB;
	v9 =	vadd.f32 v51, v9;
	v1 =	vadd.f32 v52, v1  }
0xb8: {  	v53 =	vsel vm13, $0x3F800000, v0;
	v54 =	vsel vm14, $0x3F800000, v0;
	v55 =	vsel vm15, $0x3F800000, v0  }
0xb9: {  	v56 =	vsel vm4, $0x3F800000, v0;
	v57 =	vsel vm5, $0x3F800000, v0;
	v58 =	vsel vm6, $0x3F800000, v0  }
0xba: {  	v59 =	vsel vm7, $0x3F800000, v0;
	v60 =	vsel vm8, $0x3F800000, v0;
	v61 =	vsel vm9, $0x3F800000, v0  }
0xbb: {  	v62 =	vsel vm10, $0x3F800000, v0;
	v2 =	vadd.f32 v53, v2;
	v3 =	vadd.f32 v54, v3  }
0xbc: {  	v20 =	vsel vm11, $0x3F800000, v0;
	v4 =	vadd.f32 v55, v4;
	v5 =	vadd.f32 v56, v5  }
0xbd: {  	v63 =	vld [tilespmem:$0xC0];
	v21 =	vsel vm12, $0x3F800000, v0;
	v6 =	vadd.f32 v57, v6;
	v7 =	vadd.f32 v58, v7  }
0xbe: {  	vm13 =	veq.s32 v47, $0xC;
	v8 =	vadd.f32 v59, v8;
	v10 =	vadd.f32 v60, v10  }
0xbf: {  	vm14 =	veq.s32 v47, $0xD;
	v11 =	vadd.f32 v61, v11;
	v12 =	vadd.f32 v62, v12  }
0xc0: {  	vm15 =	veq.s32 v47, $0xE;
	v13 =	vadd.f32 v20, v13;
	v14 =	vadd.f32 v21, v14  }
0xc1: {  	v22 =	vsel vm13, $0x3F800000, v0;
	v23 =	vsel vm14, $0x3F800000, v0;
	v24 =	vsel vm15, $0x3F800000, v0  }
0xc2: {  	vm4 =	veq.s32 v63, $0x0;
	vm5 =	veq.s32 v63, $0x1;
	vm6 =	veq.s32 v63, $0x2  }
0xc3: {  	vm7 =	veq.s32 v63, $0x3;
	vm8 =	veq.s32 v63, $0x4;
	vm9 =	veq.s32 v63, $0x5  }
0xc4: {  	vm10 =	veq.s32 v63, $0x6;
	vm11 =	veq.s32 v63, $0x7;
	vm12 =	veq.s32 v63, $0x8  }
0xc5: {  	vm13 =	veq.s32 v63, $0x9;
	vm14 =	veq.s32 v63, $0xA;
	v15 =	vadd.f32 v22, v15  }
0xc6: {  	vm15 =	veq.s32 v63, $0xB;
	v9 =	vadd.f32 v23, v9;
	v1 =	vadd.f32 v24, v1  }
0xc7: {  	v25 =	vsel vm4, $0x3F800000, v0;
	v26 =	vsel vm5, $0x3F800000, v0;
	v27 =	vsel vm6, $0x3F800000, v0  }
0xc8: {  	v28 =	vsel vm7, $0x3F800000, v0;
	v29 =	vsel vm8, $0x3F800000, v0;
	v30 =	vsel vm9, $0x3F800000, v0  }
0xc9: {  	v31 =	vsel vm10, $0x3F800000, v0;
	v32 =	vsel vm11, $0x3F800000, v0;
	v33 =	vsel vm12, $0x3F800000, v0  }
0xca: {  	v34 =	vsel vm13, $0x3F800000, v0;
	v2 =	vadd.f32 v25, v2;
	v3 =	vadd.f32 v26, v3  }
0xcb: {  	v36 =	vsel vm14, $0x3F800000, v0;
	v4 =	vadd.f32 v27, v4;
	v5 =	vadd.f32 v28, v5  }
0xcc: {  	v35 =	vld [tilespmem:$0xD0];
	v37 =	vsel vm15, $0x3F800000, v0;
	v6 =	vadd.f32 v29, v6;
	v7 =	vadd.f32 v30, v7  }
0xcd: {  	vm4 =	veq.s32 v63, $0xC;
	v8 =	vadd.f32 v31, v8;
	v10 =	vadd.f32 v32, v10  }
0xce: {  	vm5 =	veq.s32 v63, $0xD;
	v11 =	vadd.f32 v33, v11;
	v12 =	vadd.f32 v34, v12  }
0xcf: {  	vm6 =	veq.s32 v63, $0xE;
	v13 =	vadd.f32 v36, v13;
	v14 =	vadd.f32 v37, v14  }
0xd0: {  	v38 =	vsel vm4, $0x3F800000, v0;
	v39 =	vsel vm5, $0x3F800000, v0;
	v40 =	vsel vm6, $0x3F800000, v0  }
0xd1: {  	vm7 =	veq.s32 v35, $0x0;
	vm8 =	veq.s32 v35, $0x1;
	vm9 =	veq.s32 v35, $0x2  }
0xd2: {  	vm10 =	veq.s32 v35, $0x3;
	vm11 =	veq.s32 v35, $0x4;
	vm12 =	veq.s32 v35, $0x5  }
0xd3: {  	vm13 =	veq.s32 v35, $0x6;
	vm14 =	veq.s32 v35, $0x7;
	vm15 =	veq.s32 v35, $0x8  }
0xd4: {  	vm4 =	veq.s32 v35, $0x9;
	vm5 =	veq.s32 v35, $0xA;
	v15 =	vadd.f32 v38, v15  }
0xd5: {  	vm6 =	veq.s32 v35, $0xB;
	v9 =	vadd.f32 v39, v9;
	v1 =	vadd.f32 v40, v1  }
0xd6: {  	v41 =	vsel vm7, $0x3F800000, v0;
	v42 =	vsel vm8, $0x3F800000, v0;
	v43 =	vsel vm9, $0x3F800000, v0  }
0xd7: {  	v44 =	vsel vm10, $0x3F800000, v0;
	v45 =	vsel vm11, $0x3F800000, v0;
	v46 =	vsel vm12, $0x3F800000, v0  }
0xd8: {  	v47 =	vsel vm13, $0x3F800000, v0;
	v48 =	vsel vm14, $0x3F800000, v0;
	v49 =	vsel vm15, $0x3F800000, v0  }
0xd9: {  	v50 =	vsel vm4, $0x3F800000, v0;
	v2 =	vadd.f32 v41, v2;
	v3 =	vadd.f32 v42, v3  }
0xda: {  	v52 =	vsel vm5, $0x3F800000, v0;
	v4 =	vadd.f32 v43, v4;
	v5 =	vadd.f32 v44, v5  }
0xdb: {  	v51 =	vld [tilespmem:$0xE0];
	v53 =	vsel vm6, $0x3F800000, v0;
	v6 =	vadd.f32 v45, v6;
	v7 =	vadd.f32 v46, v7  }
0xdc: {  	vm7 =	veq.s32 v35, $0xC;
	v8 =	vadd.f32 v47, v8;
	v10 =	vadd.f32 v48, v10  }
0xdd: {  	vm8 =	veq.s32 v35, $0xD;
	v11 =	vadd.f32 v49, v11;
	v12 =	vadd.f32 v50, v12  }
0xde: {  	vm9 =	veq.s32 v35, $0xE;
	v13 =	vadd.f32 v52, v13;
	v14 =	vadd.f32 v53, v14  }
0xdf: {  	v54 =	vsel vm7, $0x3F800000, v0;
	v55 =	vsel vm8, $0x3F800000, v0;
	v56 =	vsel vm9, $0x3F800000, v0  }
0xe0: {  	vm10 =	veq.s32 v51, $0x0;
	vm11 =	veq.s32 v51, $0x1;
	vm12 =	veq.s32 v51, $0x2  }
0xe1: {  	vm13 =	veq.s32 v51, $0x3;
	vm14 =	veq.s32 v51, $0x4;
	vm15 =	veq.s32 v51, $0x5  }
0xe2: {  	vm4 =	veq.s32 v51, $0x6;
	vm5 =	veq.s32 v51, $0x7;
	vm6 =	veq.s32 v51, $0x8  }
0xe3: {  	vm7 =	veq.s32 v51, $0x9;
	vm8 =	veq.s32 v51, $0xA;
	v15 =	vadd.f32 v54, v15  }
0xe4: {  	vm9 =	veq.s32 v51, $0xB;
	v9 =	vadd.f32 v55, v9;
	v1 =	vadd.f32 v56, v1  }
0xe5: {  	v57 =	vsel vm10, $0x3F800000, v0;
	v58 =	vsel vm11, $0x3F800000, v0;
	v59 =	vsel vm12, $0x3F800000, v0  }
0xe6: {  	v60 =	vsel vm13, $0x3F800000, v0;
	v61 =	vsel vm14, $0x3F800000, v0;
	v62 =	vsel vm15, $0x3F800000, v0  }
0xe7: {  	v63 =	vsel vm4, $0x3F800000, v0;
	v20 =	vsel vm5, $0x3F800000, v0;
	v21 =	vsel vm6, $0x3F800000, v0  }
0xe8: {  	v22 =	vsel vm7, $0x3F800000, v0;
	v2 =	vadd.f32 v57, v2;
	v3 =	vadd.f32 v58, v3  }
0xe9: {  	v24 =	vsel vm8, $0x3F800000, v0;
	v4 =	vadd.f32 v59, v4;
	v5 =	vadd.f32 v60, v5  }
0xea: {  	v23 =	vld [tilespmem:$0xF0];
	v25 =	vsel vm9, $0x3F800000, v0;
	v6 =	vadd.f32 v61, v6;
	v7 =	vadd.f32 v62, v7  }
0xeb: {  	vm10 =	veq.s32 v51, $0xC;
	v8 =	vadd.f32 v63, v8;
	v10 =	vadd.f32 v20, v10  }
0xec: {  	vm11 =	veq.s32 v51, $0xD;
	v11 =	vadd.f32 v21, v11;
	v12 =	vadd.f32 v22, v12  }
0xed: {  	vm12 =	veq.s32 v51, $0xE;
	v13 =	vadd.f32 v24, v13;
	v14 =	vadd.f32 v25, v14  }
0xee: {  	v26 =	vsel vm10, $0x3F800000, v0;
	v27 =	vsel vm11, $0x3F800000, v0;
	v28 =	vsel vm12, $0x3F800000, v0  }
0xef: {  	vm13 =	veq.s32 v23, $0x0;
	vm14 =	veq.s32 v23, $0x1;
	vm15 =	veq.s32 v23, $0x2  }
0xf0: {  	vm4 =	veq.s32 v23, $0x3;
	vm5 =	veq.s32 v23, $0x4;
	vm6 =	veq.s32 v23, $0x5  }
0xf1: {  	vm7 =	veq.s32 v23, $0x6;
	vm8 =	veq.s32 v23, $0x7;
	vm9 =	veq.s32 v23, $0x8  }
0xf2: {  	vm10 =	veq.s32 v23, $0x9;
	vm11 =	veq.s32 v23, $0xA;
	v15 =	vadd.f32 v26, v15  }
0xf3: {  	vm12 =	veq.s32 v23, $0xB;
	v9 =	vadd.f32 v27, v9;
	v1 =	vadd.f32 v28, v1  }
0xf4: {  	v29 =	vsel vm13, $0x3F800000, v0;
	v30 =	vsel vm14, $0x3F800000, v0;
	v31 =	vsel vm15, $0x3F800000, v0  }
0xf5: {  	v32 =	vsel vm4, $0x3F800000, v0;
	v33 =	vsel vm5, $0x3F800000, v0;
	v34 =	vsel vm6, $0x3F800000, v0  }
0xf6: {  	v35 =	vsel vm7, $0x3F800000, v0;
	v36 =	vsel vm8, $0x3F800000, v0;
	v37 =	vsel vm9, $0x3F800000, v0  }
0xf7: {  	v38 =	vsel vm10, $0x3F800000, v0;
	v2 =	vadd.f32 v29, v2;
	v3 =	vadd.f32 v30, v3  }
0xf8: {  	v40 =	vsel vm11, $0x3F800000, v0;
	v4 =	vadd.f32 v31, v4;
	v5 =	vadd.f32 v32, v5  }
0xf9: {  	v39 =	vld [tilespmem:$0x100];
	v41 =	vsel vm12, $0x3F800000, v0;
	v6 =	vadd.f32 v33, v6;
	v7 =	vadd.f32 v34, v7  }
0xfa: {  	vm13 =	veq.s32 v23, $0xC;
	v8 =	vadd.f32 v35, v8;
	v10 =	vadd.f32 v36, v10  }
0xfb: {  	vm14 =	veq.s32 v23, $0xD;
	v11 =	vadd.f32 v37, v11;
	v12 =	vadd.f32 v38, v12  }
0xfc: {  	vm15 =	veq.s32 v23, $0xE;
	v13 =	vadd.f32 v40, v13;
	v14 =	vadd.f32 v41, v14  }
0xfd: {  	v42 =	vsel vm13, $0x3F800000, v0;
	v43 =	vsel vm14, $0x3F800000, v0;
	v44 =	vsel vm15, $0x3F800000, v0  }
0xfe: {  	vm4 =	veq.s32 v39, $0x0;
	vm5 =	veq.s32 v39, $0x1;
	vm6 =	veq.s32 v39, $0x2  }
0xff: {  	vm7 =	veq.s32 v39, $0x3;
	vm8 =	veq.s32 v39, $0x4;
	vm9 =	veq.s32 v39, $0x5  }
0x100: {  	vm10 =	veq.s32 v39, $0x6;
	vm11 =	veq.s32 v39, $0x7;
	vm12 =	veq.s32 v39, $0x8  }
0x101: {  	vm13 =	veq.s32 v39, $0x9;
	vm14 =	veq.s32 v39, $0xA;
	v15 =	vadd.f32 v42, v15  }
0x102: {  	vm15 =	veq.s32 v39, $0xB;
	v9 =	vadd.f32 v43, v9;
	v1 =	vadd.f32 v44, v1  }
0x103: {  	v45 =	vsel vm4, $0x3F800000, v0;
	v46 =	vsel vm5, $0x3F800000, v0;
	v47 =	vsel vm6, $0x3F800000, v0  }
0x104: {  	v48 =	vsel vm7, $0x3F800000, v0;
	v49 =	vsel vm8, $0x3F800000, v0;
	v50 =	vsel vm9, $0x3F800000, v0  }
0x105: {  	v51 =	vsel vm10, $0x3F800000, v0;
	v52 =	vsel vm11, $0x3F800000, v0;
	v53 =	vsel vm12, $0x3F800000, v0  }
0x106: {  	v54 =	vsel vm13, $0x3F800000, v0;
	v2 =	vadd.f32 v45, v2;
	v3 =	vadd.f32 v46, v3  }
0x107: {  	v56 =	vsel vm14, $0x3F800000, v0;
	v4 =	vadd.f32 v47, v4;
	v5 =	vadd.f32 v48, v5  }
0x108: {  	v55 =	vld [tilespmem:$0x110];
	v57 =	vsel vm15, $0x3F800000, v0;
	v6 =	vadd.f32 v49, v6;
	v7 =	vadd.f32 v50, v7  }
0x109: {  	vm4 =	veq.s32 v39, $0xC;
	v8 =	vadd.f32 v51, v8;
	v10 =	vadd.f32 v52, v10  }
0x10a: {  	vm5 =	veq.s32 v39, $0xD;
	v11 =	vadd.f32 v53, v11;
	v12 =	vadd.f32 v54, v12  }
0x10b: {  	vm6 =	veq.s32 v39, $0xE;
	v13 =	vadd.f32 v56, v13;
	v14 =	vadd.f32 v57, v14  }
0x10c: {  	v58 =	vsel vm4, $0x3F800000, v0;
	v59 =	vsel vm5, $0x3F800000, v0;
	v60 =	vsel vm6, $0x3F800000, v0  }
0x10d: {  	vm7 =	veq.s32 v55, $0x0;
	vm8 =	veq.s32 v55, $0x1;
	vm9 =	veq.s32 v55, $0x2  }
0x10e: {  	vm10 =	veq.s32 v55, $0x3;
	vm11 =	veq.s32 v55, $0x4;
	vm12 =	veq.s32 v55, $0x5  }
0x10f: {  	vm13 =	veq.s32 v55, $0x6;
	vm14 =	veq.s32 v55, $0x7;
	vm15 =	veq.s32 v55, $0x8  }
0x110: {  	vm4 =	veq.s32 v55, $0x9;
	vm5 =	veq.s32 v55, $0xA;
	v15 =	vadd.f32 v58, v15  }
0x111: {  	vm6 =	veq.s32 v55, $0xB;
	v9 =	vadd.f32 v59, v9;
	v1 =	vadd.f32 v60, v1  }
0x112: {  	v61 =	vsel vm7, $0x3F800000, v0;
	v62 =	vsel vm8, $0x3F800000, v0;
	v63 =	vsel vm9, $0x3F800000, v0  }
0x113: {  	v20 =	vsel vm10, $0x3F800000, v0;
	v21 =	vsel vm11, $0x3F800000, v0;
	v22 =	vsel vm12, $0x3F800000, v0  }
0x114: {  	v23 =	vsel vm13, $0x3F800000, v0;
	v24 =	vsel vm14, $0x3F800000, v0;
	v25 =	vsel vm15, $0x3F800000, v0  }
0x115: {  	v26 =	vsel vm4, $0x3F800000, v0;
	v2 =	vadd.f32 v61, v2;
	v3 =	vadd.f32 v62, v3  }
0x116: {  	v28 =	vsel vm5, $0x3F800000, v0;
	v4 =	vadd.f32 v63, v4;
	v5 =	vadd.f32 v20, v5  }
0x117: {  	v27 =	vld [tilespmem:$0x120];
	v29 =	vsel vm6, $0x3F800000, v0;
	v6 =	vadd.f32 v21, v6;
	v7 =	vadd.f32 v22, v7  }
0x118: {  	vm7 =	veq.s32 v55, $0xC;
	v8 =	vadd.f32 v23, v8;
	v10 =	vadd.f32 v24, v10  }
0x119: {  	vm8 =	veq.s32 v55, $0xD;
	v11 =	vadd.f32 v25, v11;
	v12 =	vadd.f32 v26, v12  }
0x11a: {  	vm9 =	veq.s32 v55, $0xE;
	v13 =	vadd.f32 v28, v13;
	v14 =	vadd.f32 v29, v14  }
0x11b: {  	v30 =	vsel vm7, $0x3F800000, v0;
	v31 =	vsel vm8, $0x3F800000, v0;
	v32 =	vsel vm9, $0x3F800000, v0  }
0x11c: {  	vm10 =	veq.s32 v27, $0x0;
	vm11 =	veq.s32 v27, $0x1;
	vm12 =	veq.s32 v27, $0x2  }
0x11d: {  	vm13 =	veq.s32 v27, $0x3;
	vm14 =	veq.s32 v27, $0x4;
	vm15 =	veq.s32 v27, $0x5  }
0x11e: {  	vm4 =	veq.s32 v27, $0x6;
	vm5 =	veq.s32 v27, $0x7;
	vm6 =	veq.s32 v27, $0x8  }
0x11f: {  	vm7 =	veq.s32 v27, $0x9;
	vm8 =	veq.s32 v27, $0xA;
	v15 =	vadd.f32 v30, v15  }
0x120: {  	vm9 =	veq.s32 v27, $0xB;
	v9 =	vadd.f32 v31, v9;
	v1 =	vadd.f32 v32, v1  }
0x121: {  	v33 =	vsel vm10, $0x3F800000, v0;
	v34 =	vsel vm11, $0x3F800000, v0;
	v35 =	vsel vm12, $0x3F800000, v0  }
0x122: {  	v36 =	vsel vm13, $0x3F800000, v0;
	v37 =	vsel vm14, $0x3F800000, v0;
	v38 =	vsel vm15, $0x3F800000, v0  }
0x123: {  	v39 =	vsel vm4, $0x3F800000, v0;
	v40 =	vsel vm5, $0x3F800000, v0;
	v41 =	vsel vm6, $0x3F800000, v0  }
0x124: {  	v42 =	vsel vm7, $0x3F800000, v0;
	v2 =	vadd.f32 v33, v2;
	v3 =	vadd.f32 v34, v3  }
0x125: {  	v44 =	vsel vm8, $0x3F800000, v0;
	v4 =	vadd.f32 v35, v4;
	v5 =	vadd.f32 v36, v5  }
0x126: {  	v43 =	vld [tilespmem:$0x130];
	v45 =	vsel vm9, $0x3F800000, v0;
	v6 =	vadd.f32 v37, v6;
	v7 =	vadd.f32 v38, v7  }
0x127: {  	vm10 =	veq.s32 v27, $0xC;
	v8 =	vadd.f32 v39, v8;
	v10 =	vadd.f32 v40, v10  }
0x128: {  	vm11 =	veq.s32 v27, $0xD;
	v11 =	vadd.f32 v41, v11;
	v12 =	vadd.f32 v42, v12  }
0x129: {  	vm12 =	veq.s32 v27, $0xE;
	v13 =	vadd.f32 v44, v13;
	v14 =	vadd.f32 v45, v14  }
0x12a: {  	v46 =	vsel vm10, $0x3F800000, v0;
	v47 =	vsel vm11, $0x3F800000, v0;
	v48 =	vsel vm12, $0x3F800000, v0  }
0x12b: {  	vm13 =	veq.s32 v43, $0x0;
	vm14 =	veq.s32 v43, $0x1;
	vm15 =	veq.s32 v43, $0x2  }
0x12c: {  	vm4 =	veq.s32 v43, $0x3;
	vm5 =	veq.s32 v43, $0x4;
	vm6 =	veq.s32 v43, $0x5  }
0x12d: {  	vm7 =	veq.s32 v43, $0x6;
	vm8 =	veq.s32 v43, $0x7;
	vm9 =	veq.s32 v43, $0x8  }
0x12e: {  	vm10 =	veq.s32 v43, $0x9;
	vm11 =	veq.s32 v43, $0xA;
	v15 =	vadd.f32 v46, v15  }
0x12f: {  	vm12 =	veq.s32 v43, $0xB;
	v9 =	vadd.f32 v47, v9;
	v1 =	vadd.f32 v48, v1  }
0x130: {  	v49 =	vsel vm13, $0x3F800000, v0;
	v50 =	vsel vm14, $0x3F800000, v0;
	v51 =	vsel vm15, $0x3F800000, v0  }
0x131: {  	v52 =	vsel vm4, $0x3F800000, v0;
	v53 =	vsel vm5, $0x3F800000, v0;
	v54 =	vsel vm6, $0x3F800000, v0  }
0x132: {  	v55 =	vsel vm7, $0x3F800000, v0;
	v56 =	vsel vm8, $0x3F800000, v0;
	v57 =	vsel vm9, $0x3F800000, v0  }
0x133: {  	v58 =	vsel vm10, $0x3F800000, v0;
	v2 =	vadd.f32 v49, v2;
	v3 =	vadd.f32 v50, v3  }
0x134: {  	v60 =	vsel vm11, $0x3F800000, v0;
	v4 =	vadd.f32 v51, v4;
	v5 =	vadd.f32 v52, v5  }
0x135: {  	v59 =	vld [tilespmem:$0x140];
	v61 =	vsel vm12, $0x3F800000, v0;
	v6 =	vadd.f32 v53, v6;
	v7 =	vadd.f32 v54, v7  }
0x136: {  	vm13 =	veq.s32 v43, $0xC;
	v8 =	vadd.f32 v55, v8;
	v10 =	vadd.f32 v56, v10  }
0x137: {  	vm14 =	veq.s32 v43, $0xD;
	v11 =	vadd.f32 v57, v11;
	v12 =	vadd.f32 v58, v12  }
0x138: {  	vm15 =	veq.s32 v43, $0xE;
	v13 =	vadd.f32 v60, v13;
	v14 =	vadd.f32 v61, v14  }
0x139: {  	v62 =	vsel vm13, $0x3F800000, v0;
	v63 =	vsel vm14, $0x3F800000, v0;
	v20 =	vsel vm15, $0x3F800000, v0  }
0x13a: {  	vm4 =	veq.s32 v59, $0x0;
	vm5 =	veq.s32 v59, $0x1;
	vm6 =	veq.s32 v59, $0x2  }
0x13b: {  	vm7 =	veq.s32 v59, $0x3;
	vm8 =	veq.s32 v59, $0x4;
	vm9 =	veq.s32 v59, $0x5  }
0x13c: {  	vm10 =	veq.s32 v59, $0x6;
	vm11 =	veq.s32 v59, $0x7;
	vm12 =	veq.s32 v59, $0x8  }
0x13d: {  	vm13 =	veq.s32 v59, $0x9;
	vm14 =	veq.s32 v59, $0xA;
	v15 =	vadd.f32 v62, v15  }
0x13e: {  	vm15 =	veq.s32 v59, $0xB;
	v9 =	vadd.f32 v63, v9;
	v1 =	vadd.f32 v20, v1  }
0x13f: {  	v21 =	vsel vm4, $0x3F800000, v0;
	v22 =	vsel vm5, $0x3F800000, v0;
	v23 =	vsel vm6, $0x3F800000, v0  }
0x140: {  	v24 =	vsel vm7, $0x3F800000, v0;
	v25 =	vsel vm8, $0x3F800000, v0;
	v26 =	vsel vm9, $0x3F800000, v0  }
0x141: {  	v27 =	vsel vm10, $0x3F800000, v0;
	v28 =	vsel vm11, $0x3F800000, v0;
	v29 =	vsel vm12, $0x3F800000, v0  }
0x142: {  	v30 =	vsel vm13, $0x3F800000, v0;
	v2 =	vadd.f32 v21, v2;
	v3 =	vadd.f32 v22, v3  }
0x143: {  	v32 =	vsel vm14, $0x3F800000, v0;
	v4 =	vadd.f32 v23, v4;
	v5 =	vadd.f32 v24, v5  }
0x144: {  	v31 =	vld [tilespmem:$0x150];
	v33 =	vsel vm15, $0x3F800000, v0;
	v6 =	vadd.f32 v25, v6;
	v7 =	vadd.f32 v26, v7  }
0x145: {  	vm4 =	veq.s32 v59, $0xC;
	v8 =	vadd.f32 v27, v8;
	v10 =	vadd.f32 v28, v10  }
0x146: {  	vm5 =	veq.s32 v59, $0xD;
	v11 =	vadd.f32 v29, v11;
	v12 =	vadd.f32 v30, v12  }
0x147: {  	vm6 =	veq.s32 v59, $0xE;
	v13 =	vadd.f32 v32, v13;
	v14 =	vadd.f32 v33, v14  }
0x148: {  	v34 =	vsel vm4, $0x3F800000, v0;
	v35 =	vsel vm5, $0x3F800000, v0;
	v36 =	vsel vm6, $0x3F800000, v0  }
0x149: {  	vm7 =	veq.s32 v31, $0x0;
	vm8 =	veq.s32 v31, $0x1;
	vm9 =	veq.s32 v31, $0x2  }
0x14a: {  	vm10 =	veq.s32 v31, $0x3;
	vm11 =	veq.s32 v31, $0x4;
	vm12 =	veq.s32 v31, $0x5  }
0x14b: {  	vm13 =	veq.s32 v31, $0x6;
	vm14 =	veq.s32 v31, $0x7;
	vm15 =	veq.s32 v31, $0x8  }
0x14c: {  	vm4 =	veq.s32 v31, $0x9;
	vm5 =	veq.s32 v31, $0xA;
	v15 =	vadd.f32 v34, v15  }
0x14d: {  	vm6 =	veq.s32 v31, $0xB;
	v9 =	vadd.f32 v35, v9;
	v1 =	vadd.f32 v36, v1  }
0x14e: {  	v37 =	vsel vm7, $0x3F800000, v0;
	v38 =	vsel vm8, $0x3F800000, v0;
	v39 =	vsel vm9, $0x3F800000, v0  }
0x14f: {  	v40 =	vsel vm10, $0x3F800000, v0;
	v41 =	vsel vm11, $0x3F800000, v0;
	v42 =	vsel vm12, $0x3F800000, v0  }
0x150: {  	v43 =	vsel vm13, $0x3F800000, v0;
	v44 =	vsel vm14, $0x3F800000, v0;
	v45 =	vsel vm15, $0x3F800000, v0  }
0x151: {  	v46 =	vsel vm4, $0x3F800000, v0;
	v2 =	vadd.f32 v37, v2;
	v3 =	vadd.f32 v38, v3  }
0x152: {  	v48 =	vsel vm5, $0x3F800000, v0;
	v4 =	vadd.f32 v39, v4;
	v5 =	vadd.f32 v40, v5  }
0x153: {  	v47 =	vld [tilespmem:$0x160];
	v49 =	vsel vm6, $0x3F800000, v0;
	v6 =	vadd.f32 v41, v6;
	v7 =	vadd.f32 v42, v7  }
0x154: {  	vm7 =	veq.s32 v31, $0xC;
	v8 =	vadd.f32 v43, v8;
	v10 =	vadd.f32 v44, v10  }
0x155: {  	vm8 =	veq.s32 v31, $0xD;
	v11 =	vadd.f32 v45, v11;
	v12 =	vadd.f32 v46, v12  }
0x156: {  	vm9 =	veq.s32 v31, $0xE;
	v13 =	vadd.f32 v48, v13;
	v14 =	vadd.f32 v49, v14  }
0x157: {  	v50 =	vsel vm7, $0x3F800000, v0;
	v51 =	vsel vm8, $0x3F800000, v0;
	v52 =	vsel vm9, $0x3F800000, v0  }
0x158: {  	vm10 =	veq.s32 v47, $0x0;
	vm11 =	veq.s32 v47, $0x1;
	vm12 =	veq.s32 v47, $0x2  }
0x159: {  	vm13 =	veq.s32 v47, $0x3;
	vm14 =	veq.s32 v47, $0x4;
	vm15 =	veq.s32 v47, $0x5  }
0x15a: {  	vm4 =	veq.s32 v47, $0x6;
	vm5 =	veq.s32 v47, $0x7;
	vm6 =	veq.s32 v47, $0x8  }
0x15b: {  	vm7 =	veq.s32 v47, $0x9;
	vm8 =	veq.s32 v47, $0xA;
	v15 =	vadd.f32 v50, v15  }
0x15c: {  	vm9 =	veq.s32 v47, $0xB;
	v9 =	vadd.f32 v51, v9;
	v1 =	vadd.f32 v52, v1  }
0x15d: {  	v53 =	vsel vm10, $0x3F800000, v0;
	v54 =	vsel vm11, $0x3F800000, v0;
	v55 =	vsel vm12, $0x3F800000, v0  }
0x15e: {  	v56 =	vsel vm13, $0x3F800000, v0;
	v57 =	vsel vm14, $0x3F800000, v0;
	v58 =	vsel vm15, $0x3F800000, v0  }
0x15f: {  	v59 =	vsel vm4, $0x3F800000, v0;
	v60 =	vsel vm5, $0x3F800000, v0;
	v61 =	vsel vm6, $0x3F800000, v0  }
0x160: {  	v62 =	vsel vm7, $0x3F800000, v0;
	v2 =	vadd.f32 v53, v2;
	v3 =	vadd.f32 v54, v3  }
0x161: {  	v21 =	vsel vm8, $0x3F800000, v0;
	v4 =	vadd.f32 v55, v4;
	v5 =	vadd.f32 v56, v5  }
0x162: {  	v63 =	vld [tilespmem:$0x170];
	v22 =	vsel vm9, $0x3F800000, v0;
	v6 =	vadd.f32 v57, v6;
	v7 =	vadd.f32 v58, v7  }
0x163: {  	vm10 =	veq.s32 v47, $0xC;
	v8 =	vadd.f32 v59, v8;
	v10 =	vadd.f32 v60, v10  }
0x164: {  	vm11 =	veq.s32 v47, $0xD;
	v11 =	vadd.f32 v61, v11;
	v12 =	vadd.f32 v62, v12  }
0x165: {  	vm12 =	veq.s32 v47, $0xE;
	v13 =	vadd.f32 v21, v13;
	v14 =	vadd.f32 v22, v14  }
0x166: {  	v23 =	vsel vm10, $0x3F800000, v0;
	v24 =	vsel vm11, $0x3F800000, v0;
	v25 =	vsel vm12, $0x3F800000, v0  }
0x167: {  	vm13 =	veq.s32 v63, $0x0;
	vm14 =	veq.s32 v63, $0x1;
	vm15 =	veq.s32 v63, $0x2  }
0x168: {  	vm4 =	veq.s32 v63, $0x3;
	vm5 =	veq.s32 v63, $0x4;
	vm6 =	veq.s32 v63, $0x5  }
0x169: {  	vm7 =	veq.s32 v63, $0x6;
	vm8 =	veq.s32 v63, $0x7;
	vm9 =	veq.s32 v63, $0x8  }
0x16a: {  	vm10 =	veq.s32 v63, $0x9;
	vm11 =	veq.s32 v63, $0xA;
	v15 =	vadd.f32 v23, v15  }
0x16b: {  	vm12 =	veq.s32 v63, $0xB;
	v9 =	vadd.f32 v24, v9;
	v1 =	vadd.f32 v25, v1  }
0x16c: {  	v26 =	vsel vm13, $0x3F800000, v0;
	v27 =	vsel vm14, $0x3F800000, v0;
	v28 =	vsel vm15, $0x3F800000, v0  }
0x16d: {  	v29 =	vsel vm4, $0x3F800000, v0;
	v30 =	vsel vm5, $0x3F800000, v0;
	v31 =	vsel vm6, $0x3F800000, v0  }
0x16e: {  	v32 =	vsel vm7, $0x3F800000, v0;
	v33 =	vsel vm8, $0x3F800000, v0;
	v34 =	vsel vm9, $0x3F800000, v0  }
0x16f: {  	v35 =	vsel vm10, $0x3F800000, v0;
	v2 =	vadd.f32 v26, v2;
	v3 =	vadd.f32 v27, v3  }
0x170: {  	v37 =	vsel vm11, $0x3F800000, v0;
	v4 =	vadd.f32 v28, v4;
	v5 =	vadd.f32 v29, v5  }
0x171: {  	v36 =	vld [tilespmem:$0x180];
	v38 =	vsel vm12, $0x3F800000, v0;
	v6 =	vadd.f32 v30, v6;
	v7 =	vadd.f32 v31, v7  }
0x172: {  	vm13 =	veq.s32 v63, $0xC;
	v8 =	vadd.f32 v32, v8;
	v10 =	vadd.f32 v33, v10  }
0x173: {  	vm14 =	veq.s32 v63, $0xD;
	v11 =	vadd.f32 v34, v11;
	v12 =	vadd.f32 v35, v12  }
0x174: {  	vm15 =	veq.s32 v63, $0xE;
	v13 =	vadd.f32 v37, v13;
	v14 =	vadd.f32 v38, v14  }
0x175: {  	v39 =	vsel vm13, $0x3F800000, v0;
	v40 =	vsel vm14, $0x3F800000, v0;
	v41 =	vsel vm15, $0x3F800000, v0  }
0x176: {  	vm4 =	veq.s32 v36, $0x0;
	vm5 =	veq.s32 v36, $0x1;
	vm6 =	veq.s32 v36, $0x2  }
0x177: {  	vm7 =	veq.s32 v36, $0x3;
	vm8 =	veq.s32 v36, $0x4;
	vm9 =	veq.s32 v36, $0x5  }
0x178: {  	vm10 =	veq.s32 v36, $0x6;
	vm11 =	veq.s32 v36, $0x7;
	vm12 =	veq.s32 v36, $0x8  }
0x179: {  	vm13 =	veq.s32 v36, $0x9;
	vm14 =	veq.s32 v36, $0xA;
	v15 =	vadd.f32 v39, v15  }
0x17a: {  	vm15 =	veq.s32 v36, $0xB;
	v9 =	vadd.f32 v40, v9;
	v1 =	vadd.f32 v41, v1  }
0x17b: {  	v42 =	vsel vm4, $0x3F800000, v0;
	v43 =	vsel vm5, $0x3F800000, v0;
	v44 =	vsel vm6, $0x3F800000, v0  }
0x17c: {  	v45 =	vsel vm7, $0x3F800000, v0;
	v46 =	vsel vm8, $0x3F800000, v0;
	v47 =	vsel vm9, $0x3F800000, v0  }
0x17d: {  	v48 =	vsel vm10, $0x3F800000, v0;
	v49 =	vsel vm11, $0x3F800000, v0;
	v50 =	vsel vm12, $0x3F800000, v0  }
0x17e: {  	v51 =	vsel vm13, $0x3F800000, v0;
	v2 =	vadd.f32 v42, v2;
	v3 =	vadd.f32 v43, v3  }
0x17f: {  	v53 =	vsel vm14, $0x3F800000, v0;
	v4 =	vadd.f32 v44, v4;
	v5 =	vadd.f32 v45, v5  }
0x180: {  	v52 =	vld [tilespmem:$0x190];
	v54 =	vsel vm15, $0x3F800000, v0;
	v6 =	vadd.f32 v46, v6;
	v7 =	vadd.f32 v47, v7  }
0x181: {  	vm4 =	veq.s32 v36, $0xC;
	v8 =	vadd.f32 v48, v8;
	v10 =	vadd.f32 v49, v10  }
0x182: {  	vm5 =	veq.s32 v36, $0xD;
	v11 =	vadd.f32 v50, v11;
	v12 =	vadd.f32 v51, v12  }
0x183: {  	vm6 =	veq.s32 v36, $0xE;
	v13 =	vadd.f32 v53, v13;
	v14 =	vadd.f32 v54, v14  }
0x184: {  	v55 =	vsel vm4, $0x3F800000, v0;
	v56 =	vsel vm5, $0x3F800000, v0;
	v57 =	vsel vm6, $0x3F800000, v0  }
0x185: {  	vm7 =	veq.s32 v52, $0x0;
	vm8 =	veq.s32 v52, $0x1;
	vm9 =	veq.s32 v52, $0x2  }
0x186: {  	vm10 =	veq.s32 v52, $0x3;
	vm11 =	veq.s32 v52, $0x4;
	vm12 =	veq.s32 v52, $0x5  }
0x187: {  	vm13 =	veq.s32 v52, $0x6;
	vm14 =	veq.s32 v52, $0x7;
	vm15 =	veq.s32 v52, $0x8  }
0x188: {  	vm4 =	veq.s32 v52, $0x9;
	vm5 =	veq.s32 v52, $0xA;
	v15 =	vadd.f32 v55, v15  }
0x189: {  	vm6 =	veq.s32 v52, $0xB;
	v9 =	vadd.f32 v56, v9;
	v1 =	vadd.f32 v57, v1  }
0x18a: {  	v58 =	vsel vm7, $0x3F800000, v0;
	v59 =	vsel vm8, $0x3F800000, v0;
	v60 =	vsel vm9, $0x3F800000, v0  }
0x18b: {  	v61 =	vsel vm10, $0x3F800000, v0;
	v62 =	vsel vm11, $0x3F800000, v0;
	v63 =	vsel vm12, $0x3F800000, v0  }
0x18c: {  	v20 =	vsel vm13, $0x3F800000, v0;
	v21 =	vsel vm14, $0x3F800000, v0;
	v22 =	vsel vm15, $0x3F800000, v0  }
0x18d: {  	v23 =	vsel vm4, $0x3F800000, v0;
	v2 =	vadd.f32 v58, v2;
	v3 =	vadd.f32 v59, v3  }
0x18e: {  	v25 =	vsel vm5, $0x3F800000, v0;
	v4 =	vadd.f32 v60, v4;
	v5 =	vadd.f32 v61, v5  }
0x18f: {  	v24 =	vld [tilespmem:$0x1A0];
	v26 =	vsel vm6, $0x3F800000, v0;
	v6 =	vadd.f32 v62, v6;
	v7 =	vadd.f32 v63, v7  }
0x190: {  	vm7 =	veq.s32 v52, $0xC;
	v8 =	vadd.f32 v20, v8;
	v10 =	vadd.f32 v21, v10  }
0x191: {  	vm8 =	veq.s32 v52, $0xD;
	v11 =	vadd.f32 v22, v11;
	v12 =	vadd.f32 v23, v12  }
0x192: {  	vm9 =	veq.s32 v52, $0xE;
	v13 =	vadd.f32 v25, v13;
	v14 =	vadd.f32 v26, v14  }
0x193: {  	v27 =	vsel vm7, $0x3F800000, v0;
	v28 =	vsel vm8, $0x3F800000, v0;
	v29 =	vsel vm9, $0x3F800000, v0  }
0x194: {  	vm10 =	veq.s32 v24, $0x0;
	vm11 =	veq.s32 v24, $0x1;
	vm12 =	veq.s32 v24, $0x2  }
0x195: {  	vm13 =	veq.s32 v24, $0x3;
	vm14 =	veq.s32 v24, $0x4;
	vm15 =	veq.s32 v24, $0x5  }
0x196: {  	vm4 =	veq.s32 v24, $0x6;
	vm5 =	veq.s32 v24, $0x7;
	vm6 =	veq.s32 v24, $0x8  }
0x197: {  	vm7 =	veq.s32 v24, $0x9;
	vm8 =	veq.s32 v24, $0xA;
	v15 =	vadd.f32 v27, v15  }
0x198: {  	vm9 =	veq.s32 v24, $0xB;
	v9 =	vadd.f32 v28, v9;
	v1 =	vadd.f32 v29, v1  }
0x199: {  	v30 =	vsel vm10, $0x3F800000, v0;
	v31 =	vsel vm11, $0x3F800000, v0;
	v32 =	vsel vm12, $0x3F800000, v0  }
0x19a: {  	v33 =	vsel vm13, $0x3F800000, v0;
	v34 =	vsel vm14, $0x3F800000, v0;
	v35 =	vsel vm15, $0x3F800000, v0  }
0x19b: {  	v36 =	vsel vm4, $0x3F800000, v0;
	v37 =	vsel vm5, $0x3F800000, v0;
	v38 =	vsel vm6, $0x3F800000, v0  }
0x19c: {  	v39 =	vsel vm7, $0x3F800000, v0;
	v2 =	vadd.f32 v30, v2;
	v3 =	vadd.f32 v31, v3  }
0x19d: {  	v41 =	vsel vm8, $0x3F800000, v0;
	v4 =	vadd.f32 v32, v4;
	v5 =	vadd.f32 v33, v5  }
0x19e: {  	v40 =	vld [tilespmem:$0x1B0];
	v42 =	vsel vm9, $0x3F800000, v0;
	v6 =	vadd.f32 v34, v6;
	v7 =	vadd.f32 v35, v7  }
0x19f: {  	vm10 =	veq.s32 v24, $0xC;
	v8 =	vadd.f32 v36, v8;
	v10 =	vadd.f32 v37, v10  }
0x1a0: {  	vm11 =	veq.s32 v24, $0xD;
	v11 =	vadd.f32 v38, v11;
	v12 =	vadd.f32 v39, v12  }
0x1a1: {  	vm12 =	veq.s32 v24, $0xE;
	v13 =	vadd.f32 v41, v13;
	v14 =	vadd.f32 v42, v14  }
0x1a2: {  	v43 =	vsel vm10, $0x3F800000, v0;
	v44 =	vsel vm11, $0x3F800000, v0;
	v45 =	vsel vm12, $0x3F800000, v0  }
0x1a3: {  	vm13 =	veq.s32 v40, $0x0;
	vm14 =	veq.s32 v40, $0x1;
	vm15 =	veq.s32 v40, $0x2  }
0x1a4: {  	vm4 =	veq.s32 v40, $0x3;
	vm5 =	veq.s32 v40, $0x4;
	v46 =	vsel vm13, $0x3F800000, v0  }
0x1a5: {  	vm6 =	veq.s32 v40, $0x5;
	v47 =	vsel vm14, $0x3F800000, v0;
	v2 =	vadd.f32 v46, v2  }
0x1a6: {  	vm9 =	veq.s32 v40, $0x8;
	v48 =	vsel vm15, $0x3F800000, v0;
	v3 =	vadd.f32 v47, v3  }
0x1a7: {  	vm12 =	veq.s32 v40, $0xB;
	v51 =	vsel vm6, $0x3F800000, v0;
	v4 =	vadd.f32 v48, v4;
	[tilespmem:$0x200] =	vst v2  }
0x1a8: {  	v1 =	vadd.f32 v45, v1;
	v55 =	vsel vm9, $0x3F800000, v0;
	v52 =	vadd.f32 v51, v7;
	[tilespmem:$0x280] =	vst v3  }
0x1a9: {  	v59 =	vsel vm12, $0x3F800000, v0;
	vm15 =	veq.s32 v40, $0xE;
	v56 =	vadd.f32 v55, v11;
	[tilespmem:$0x300] =	vst v4  }
0x1aa: {  	vm7 =	veq.s32 v40, $0x6;
	v60 =	vadd.f32 v59, v14;
	v63 =	vsel vm15, $0x3F800000, v0;
	[tilespmem:$0x480] =	vst v52  }
0x1ab: {  	vm8 =	veq.s32 v40, $0x7;
	v49 =	vsel vm4, $0x3F800000, v0;
	v1 =	vadd.f32 v63, v1;
	[tilespmem:$0x600] =	vst v56  }
0x1ac: {  	vm10 =	veq.s32 v40, $0x9;
	v50 =	vsel vm5, $0x3F800000, v0;
	v2 =	vadd.f32 v49, v5;
	[tilespmem:$0x780] =	vst v60  }
0x1ad: {  	vm11 =	veq.s32 v40, $0xA;
	v53 =	vsel vm7, $0x3F800000, v0;
	v3 =	vadd.f32 v50, v6;
	[tilespmem:$0x900] =	vst v1  }
0x1ae: {  	v15 =	vadd.f32 v43, v15;
	v54 =	vsel vm8, $0x3F800000, v0;
	[tilespmem:$0x380] =	vst v2;
	v2 =	vadd.f32 v53, v8  }
0x1af: {  	v9 =	vadd.f32 v44, v9;
	v57 =	vsel vm10, $0x3F800000, v0;
	[tilespmem:$0x400] =	vst v3;
	v3 =	vadd.f32 v54, v10  }
0x1b0: {  	v58 =	vsel vm11, $0x3F800000, v0;
	vm13 =	veq.s32 v40, $0xC;
	[tilespmem:$0x500] =	vst v2;
	v2 =	vadd.f32 v57, v12  }
0x1b1: {  	vm14 =	veq.s32 v40, $0xD;
	v61 =	vsel vm13, $0x3F800000, v0;
	[tilespmem:$0x580] =	vst v3;
	v3 =	vadd.f32 v58, v13  }
0x1b2: {  	v62 =	vsel vm14, $0x3F800000, v0;
	[tilespmem:$0x680] =	vst v2;
	v2 =	vadd.f32 v61, v15  }
0x1b3: {  	[tilespmem:$0x700] =	vst v3;
	v3 =	vadd.f32 v62, v9  }
0x1b4: {  	p0 =	sne.s32 s4, $0x1;
	[tilespmem:$0x800] =	vst v2  }
.Ltmp1:
0x1b5: {  	[tilespmem:$0x880] =	vst v3;
	(pc) =	sbr.rel @p0 .LBB2_2-.Ltmp1, $4  }
0x1b6: {  	[hbm4b:s3+s5] =	stream.linear.scatter [tilespmem:s7], [sflag:$0x1], $0x780, $0x38;
	[tilespmem:$0xA00] =	vst v63  }
0x1b7: {  	_ =	swait.ge [sflag:s6], $0x780  }
0x1b8: {  	[sflag:s6] =	ssyncset.done $0x0  }
0x1b9: {  	s4 =	sadd.s32 $0xFFFFFFFF, s4;
	[sflag:s6] =	ssyncadd.s32 $0xFFFFF880  }
.LBB2_3:
0x1ba: {  	_ =	sfence.sel $0x180000  }
0x1bb: {  	[bflag:$0x0] =	sbarrier.arrive $0xFFFF  }
0x1bc: {  	p0 =	sne.s32 s0, $0x0;
	_ =	strace $0x90000047  }
0x1bd: {  	s0 =	sadd.s32 @!p0 $0x100000, s1;
	[bflag:$0x2] =	sbarrier.arrive $0xFFFF  }
0x1be: {  	[sflag:s0] =	ssyncadd.tile.s32 @!p0 $0x1;
	_ =	shalt  }
.Lfunc_end2:
_tile_overlayer_lowered:
.L_overlay_start_2:
0x1bf: {  	(tag) =	ssettag $0x2  }
0x1c0: {  	s0 =	rddreg [dreg:$0x0];
	s2 =	stileid.u32  }
0x1c1: {  	s1 =	rddreg [dreg:$0x1];
	p0 =	sne.s32 s2, $0x0  }
0x1c2: {  	s3 =	rddreg [dreg:$0x2];
	[bflag:$0x3] =	sbarrier.arrive $0xFFFF;
	s2 =	simm.s32 @!p0 $0x1C02  }
0x1c3: {  	[timem:s3], [sflag:s2] =	dma.local @!p0 [hbm:s0], s1  }
0x1c4: {  	s0 =	simm.s32 @!p0 $0x2  }
0x1c5: {  	_ =	swait.ge @!p0 [sflag:s0], s1  }
0x1c6: {  	s1 =	ssub.s32 @!p0 $0x0, s1;
	[sflag:s0] =	ssyncset.done @!p0 $0x0  }
0x1c7: {  	[sflag:s0] =	ssyncadd.s32 @!p0 s1  }
0x1c8: {  	[bflag:$0x3] =	sbarrier.arrive $0xFFFF  }
0x1c9: {  	_ =	shalt  }

</sc_bundles>
